<compile_context>
chip_gen: v7x
topology: tpu7x:2x2x1
jax: 0.10.2.dev20260603
libtpu: 0.0.44.dev20260713+nightly
codegen_flags: <defaults>
</compile_context>

<pallas_src>
import functools

import jax
import jax.numpy as jnp
from jax import lax
from jax.experimental import pallas as pl
from jax.experimental.pallas import tpu as pltpu
from jax.experimental.pallas import tpu_sc as plsc

_NC = 2
_NS = 16
_L = 16
_BINS = 256
_JOINT = _BINS * _BINS


@functools.cache
def _hist_kernel(shape):
    ns, nch, nrow, ncol = shape
    assert ncol == 512 and nrow == 512
    planes = ns * nch
    planes_per_tile = planes // _NS
    rows_per_chunk = 16
    chunk = rows_per_chunk * ncol
    chunks_per_plane = nrow // rows_per_chunk
    n_chunks = planes_per_tile * chunks_per_plane
    vecs_per_chunk = chunk // _L

    mesh = plsc.VectorSubcoreMesh(
        core_axis_name="c", subcore_axis_name="s",
        num_cores=_NC, num_subcores=_NS)

    assert n_chunks % 2 == 0

    @functools.partial(
        pl.kernel,
        mesh=mesh,
        out_type=jax.ShapeDtypeStruct((_NC, _NS, _JOINT), jnp.int32),
        compiler_params=pltpu.CompilerParams(needs_layout_passes=False),
        scratch_types=[
            pltpu.VMEM((rows_per_chunk, ncol), jnp.float32),
            pltpu.VMEM((rows_per_chunk, ncol), jnp.float32),
            pltpu.VMEM((rows_per_chunk, ncol), jnp.float32),
            pltpu.VMEM((rows_per_chunk, ncol), jnp.float32),
            pltpu.VMEM((_JOINT,), jnp.int32),
            pltpu.SemaphoreType.DMA,
            pltpu.SemaphoreType.DMA,
            pltpu.SemaphoreType.DMA,
            pltpu.SemaphoreType.DMA,
        ],
    )
    def hist(f_hbm, a_hbm, b_hbm, out_hbm, fb0, yb0, fb1, yb1, acc,
             sf0, sy0, sf1, sy1):
        c = lax.axis_index("c")
        s = lax.axis_index("s")
        plane0 = s * planes_per_tile

        def process(y_hbm):
            def slab(ref, k):
                p = plane0 + k // chunks_per_plane
                r0 = (k % chunks_per_plane) * rows_per_chunk
                return ref.at[p // nch, p % nch, pl.ds(r0, rows_per_chunk), :]

            def start(k, fb, yb, sf, sy):
                pltpu.async_copy(slab(f_hbm, k), fb, sf)
                pltpu.async_copy(slab(y_hbm, k), yb, sy)

            def wait(fb, yb, sf, sy):
                pltpu.make_async_copy(slab(f_hbm, 0), fb, sf).wait()
                pltpu.make_async_copy(slab(y_hbm, 0), yb, sy).wait()

            def compute(fb, yb):
                @plsc.parallel_loop(0, vecs_per_chunk, 1, unroll=8)
                def _(v):
                    r = v >> 5
                    col = (v & 31) << 4
                    sl = pl.ds(col, _L)
                    bf = (fb[r, sl] * float(_BINS)).astype(jnp.int32)
                    by = (yb[r, sl] * float(_BINS)).astype(jnp.int32)
                    flat = bf * _BINS + by
                    cnt, last = plsc.scan_count(flat)
                    plsc.addupdate_scatter(acc, [flat], cnt, mask=last)

            start(0, fb0, yb0, sf0, sy0)

            zeros = jnp.zeros((_L,), jnp.int32)

            @plsc.parallel_loop(0, _JOINT, _L, unroll=8)
            def _(i):
                acc[pl.ds(i, _L)] = zeros

            def chunk_body(k, carry):
                k0 = 2 * k
                start(k0 + 1, fb1, yb1, sf1, sy1)
                wait(fb0, yb0, sf0, sy0)
                compute(fb0, yb0)

                @pl.when(k < n_chunks // 2 - 1)
                def _():
                    start(k0 + 2, fb0, yb0, sf0, sy0)

                wait(fb1, yb1, sf1, sy1)
                compute(fb1, yb1)
                return carry

            lax.fori_loop(0, n_chunks // 2, chunk_body, 0)

        @pl.when(c == 0)
        def _():
            process(a_hbm)

        @pl.when(c == 1)
        def _():
            process(b_hbm)

        pltpu.sync_copy(acc, out_hbm.at[c, s])

    return hist


def _mi_body(parts_ref, eps_ref, out_ref):
    joint_af = parts_ref[0, 0]
    joint_bf = parts_ref[1, 0]
    for t in range(1, _NS):
        joint_af = joint_af + parts_ref[0, t]
        joint_bf = joint_bf + parts_ref[1, t]
    joint_af = joint_af.reshape(_BINS, _BINS).astype(jnp.float32)
    joint_bf = joint_bf.reshape(_BINS, _BINS).astype(jnp.float32)

    eps = eps_ref[0, 0]

    hist_f = jnp.sum(joint_af, axis=1)
    hist_a = jnp.sum(joint_af, axis=0)
    hist_b = jnp.sum(joint_bf, axis=0)

    p_f = hist_f / jnp.sum(hist_f)
    p_a = hist_a / jnp.sum(hist_a)
    p_b = hist_b / jnp.sum(hist_b)
    p_af = joint_af / jnp.sum(joint_af)
    p_bf = joint_bf / jnp.sum(joint_bf)

    mi_a = jnp.sum(p_af * jnp.log(
        (p_af + eps) / ((p_a[:, None] + eps) * (p_f[None, :] + eps))))
    mi_b = jnp.sum(p_bf * jnp.log(
        (p_bf + eps) / ((p_b[:, None] + eps) * (p_f[None, :] + eps))))

    out_ref[...] = jnp.reshape(-1.0 * (mi_a + mi_b), (1, 1))


def kernel(image_F, image_A, image_B, num_bins=256, epsilon=1e-10):
    del num_bins
    parts = _hist_kernel(image_F.shape)(image_F, image_A, image_B)

    eps_arr = jnp.asarray(epsilon, jnp.float32).reshape(1, 1)
    out = pl.pallas_call(
        _mi_body,
        out_shape=jax.ShapeDtypeStruct((1, 1), jnp.float32),
    )(parts, eps_arr)
    return out.reshape(())

# --- scband reference (transcript-rebuilt; emitter-appended) ---
"""Pipeline reference for scband-mi-69999376990883 (READ-ONLY COPY).

The authoritative reference and input builder live on the scoring server;
editing this copy changes nothing except your own understanding.
"""

import jax, jax.numpy as jnp
import numpy as np


def _bin_idx(x, num_bins):
    # np.histogram with range=(0,1): bin i covers [i/nb, (i+1)/nb), last bin closed at 1.0
    idx = jnp.floor(x * num_bins).astype(jnp.int32)
    return jnp.clip(idx, 0, num_bins - 1)


def _hist1d(x, num_bins, static_bins):
    idx = _bin_idx(x, num_bins).ravel()
    return jnp.bincount(idx, length=static_bins).astype(jnp.float32)


def _hist2d(x, y, num_bins, static_bins):
    ix = _bin_idx(x, num_bins).ravel()
    iy = _bin_idx(y, num_bins).ravel()
    flat = ix * static_bins + iy
    h = jnp.bincount(flat, length=static_bins * static_bins).astype(jnp.float32)
    return h.reshape(static_bins, static_bins)


def setup_inputs(seed: int = 0) -> dict:
    key = jax.random.key(seed)
    kF, kA, kB = jax.random.split(key, 3)
    shape = (16, 3, 512, 512)
    image_F = jax.random.uniform(kF, shape, dtype=jnp.float32)
    image_A = jax.random.uniform(kA, shape, dtype=jnp.float32)
    image_B = jax.random.uniform(kB, shape, dtype=jnp.float32)
    return {"image_F": image_F, "image_A": image_A, "image_B": image_B, "num_bins": 256, "epsilon": 1e-10}


def reference(image_F, image_A, image_B, num_bins=256, epsilon=1e-10):
    static_bins = 256
    num_samples = image_F.shape[0]
    F_flat = image_F.reshape(num_samples, -1)
    A_flat = image_A.reshape(num_samples, -1)
    B_flat = image_B.reshape(num_samples, -1)

    hist_F = _hist1d(F_flat, num_bins, static_bins)
    hist_A = _hist1d(A_flat, num_bins, static_bins)
    hist_B = _hist1d(B_flat, num_bins, static_bins)

    joint_hist_AF = _hist2d(F_flat.ravel(), A_flat.ravel(), num_bins, static_bins)
    joint_hist_BF = _hist2d(F_flat.ravel(), B_flat.ravel(), num_bins, static_bins)

    p_F = hist_F / jnp.sum(hist_F)
    p_A = hist_A / jnp.sum(hist_A)
    p_B = hist_B / jnp.sum(hist_B)
    p_AF = joint_hist_AF / jnp.sum(joint_hist_AF)
    p_BF = joint_hist_BF / jnp.sum(joint_hist_BF)

    mi_A = jnp.sum(p_AF * jnp.log((p_AF + epsilon) / ((p_A[:, None] + epsilon) * (p_F[None, :] + epsilon))))
    mi_B = jnp.sum(p_BF * jnp.log((p_BF + epsilon) / ((p_B[:, None] + epsilon) * (p_F[None, :] + epsilon))))

    total_mi = mi_A + mi_B
    return -1.0 * total_mi

if __name__ == "__main__":
    import jax
    _d = setup_inputs()
    print(jax.jit(kernel)(*tuple(_d.values())))

</pallas_src>

<mosaic_0001>
#map = affine_map<(d0, d1) -> (0, 0, 0, 0)>
#map1 = affine_map<(d0, d1) -> (0, 0, 0)>
module attributes {stable_mosaic.version = 14 : i64} {
  func.func @hist(%arg0: i32, %arg1: i32, %arg2: memref<16x3x512x512xf32, #tpu.memory_space<hbm>>, %arg3: memref<16x3x512x512xf32, #tpu.memory_space<hbm>>, %arg4: memref<16x3x512x512xf32, #tpu.memory_space<hbm>>, %arg5: memref<2x16x65536xi32, #tpu.memory_space<hbm>>, %arg6: memref<16x512xf32, #tpu.memory_space<vmem>>, %arg7: memref<16x512xf32, #tpu.memory_space<vmem>>, %arg8: memref<16x512xf32, #tpu.memory_space<vmem>>, %arg9: memref<16x512xf32, #tpu.memory_space<vmem>>, %arg10: memref<65536xi32, #tpu.memory_space<vmem>>, %arg11: memref<!tpu.dma_semaphore, #tpu.memory_space<semaphore_mem>>, %arg12: memref<!tpu.dma_semaphore, #tpu.memory_space<semaphore_mem>>, %arg13: memref<!tpu.dma_semaphore, #tpu.memory_space<semaphore_mem>>, %arg14: memref<!tpu.dma_semaphore, #tpu.memory_space<semaphore_mem>>) attributes {dimension_semantics = [#tpu.dimension_semantics<core_parallel>, #tpu.dimension_semantics<subcore_parallel>], iteration_bounds = array<i64: 2, 16>, scalar_prefetch = 0 : i64, scratch_operands = 9 : i64, tpu.core_type = #tpu.core_type<sc_vector_subcore>, window_params = [{transform_indices = #map}, {transform_indices = #map}, {transform_indices = #map}, {transform_indices = #map1}]} {
    %mul3A = arith.constant 3 : i32
    %mul3A_0 = arith.muli %arg1, %mul3A : i32
    %eq3A = arith.constant 0 : i32
    %eq3A_1 = arith.cmpi eq, %arg0, %eq3A : i32
    %convert_element_type3A = arith.extui %eq3A_1 : i1 to i32
    %cond3A = arith.constant 0 : i32
    %cond3A_2 = arith.cmpi ne, %convert_element_type3A, %cond3A : i32
    scf.if %cond3A_2 {
      %add3A = arith.constant 0 : i32
      %add3A_8 = arith.addi %mul3A_0, %add3A : i32
      %jit3A = arith.constant 3 : i32
      %div3A = arith.divsi %add3A_8, %jit3A : i32
      %sign3A = arith.constant 0 : i32
      %sign3A_9 = arith.cmpi sgt, %add3A_8, %sign3A : i32
      %sign3A_10 = arith.extui %sign3A_9 : i1 to i32
      %sign3A_11 = arith.constant 0 : i32
      %sign3A_12 = arith.cmpi slt, %add3A_8, %sign3A_11 : i32
      %sign3A_13 = arith.extui %sign3A_12 : i1 to i32
      %sign3A_14 = arith.subi %sign3A_10, %sign3A_13 : i32
      %sign3A_15 = arith.constant 0 : i32
      %sign3A_16 = arith.cmpi sgt, %jit3A, %sign3A_15 : i32
      %sign3A_17 = arith.extui %sign3A_16 : i1 to i32
      %sign3A_18 = arith.constant 0 : i32
      %sign3A_19 = arith.cmpi slt, %jit3A, %sign3A_18 : i32
      %sign3A_20 = arith.extui %sign3A_19 : i1 to i32
      %sign3A_21 = arith.subi %sign3A_17, %sign3A_20 : i32
      %ne3A = arith.cmpi ne, %sign3A_14, %sign3A_21 : i32
      %rem3A = arith.remsi %add3A_8, %jit3A : i32
      %ne3A_22 = arith.constant 0 : i32
      %ne3A_23 = arith.cmpi ne, %rem3A, %ne3A_22 : i32
      %and3A = arith.andi %ne3A, %ne3A_23 : i1
      %sub3A = arith.constant 1 : i32
      %sub3A_24 = arith.subi %div3A, %sub3A : i32
      %select_n3A = arith.select %and3A, %sub3A_24, %div3A : i32
      %jit3A_25 = arith.constant 3 : i32
      %eq3A_26 = arith.constant 0 : i32
      %eq3A_27 = arith.cmpi eq, %jit3A_25, %eq3A_26 : i32
      %jit3A_28 = arith.constant 1 : i32
      %select_n3A_29 = arith.select %eq3A_27, %jit3A_28, %jit3A_25 : i32
      %rem3A_30 = arith.remsi %add3A_8, %select_n3A_29 : i32
      %ne3A_31 = arith.constant 0 : i32
      %ne3A_32 = arith.cmpi ne, %rem3A_30, %ne3A_31 : i32
      %lt3A = arith.constant 0 : i32
      %lt3A_33 = arith.cmpi slt, %rem3A_30, %lt3A : i32
      %lt3A_34 = arith.constant 0 : i32
      %lt3A_35 = arith.cmpi slt, %select_n3A_29, %lt3A_34 : i32
      %ne3A_36 = arith.xori %lt3A_33, %lt3A_35 : i1
      %and3A_37 = arith.andi %ne3A_36, %ne3A_32 : i1
      %add3A_38 = arith.addi %rem3A_30, %select_n3A_29 : i32
      %select_n3A_39 = arith.select %and3A_37, %add3A_38, %rem3A_30 : i32
      %dma_start3A = arith.constant 0 : i32
      %dma_start3A_40 = arith.constant 0 : i32
      %dma_start3A_41 = tpu.memref_slice %arg2[%select_n3A, %select_n3A_39, %dma_start3A, %dma_start3A_40] : memref<16x3x512x512xf32, #tpu.memory_space<hbm>> -> memref<1x1x16x512xf32, #tpu.memory_space<hbm>>
      %dma_start3A_42 = tpu.memref_squeeze %dma_start3A_41 : memref<1x1x16x512xf32, #tpu.memory_space<hbm>> -> memref<16x512xf32, #tpu.memory_space<hbm>>
      %dma_start3A_43 = arith.constant 0 : i32
      %dma_start3A_44 = arith.constant 0 : i32
      %dma_start3A_45 = tpu.memref_slice %arg2[%select_n3A, %select_n3A_39, %dma_start3A_43, %dma_start3A_44] : memref<16x3x512x512xf32, #tpu.memory_space<hbm>> -> memref<1x1x16x512xf32, #tpu.memory_space<hbm>>
      %dma_start3A_46 = tpu.memref_squeeze %dma_start3A_45 : memref<1x1x16x512xf32, #tpu.memory_space<hbm>> -> memref<16x512xf32, #tpu.memory_space<hbm>>
      tpu.enqueue_dma source(%dma_start3A_46 : memref<16x512xf32, #tpu.memory_space<hbm>>) target(%arg6 : memref<16x512xf32, #tpu.memory_space<vmem>>) target_semaphore(%arg11 : memref<!tpu.dma_semaphore, #tpu.memory_space<semaphore_mem>>)
      %add3A_47 = arith.constant 0 : i32
      %add3A_48 = arith.addi %mul3A_0, %add3A_47 : i32
      %jit3A_49 = arith.constant 3 : i32
      %div3A_50 = arith.divsi %add3A_48, %jit3A_49 : i32
      %sign3A_51 = arith.constant 0 : i32
      %sign3A_52 = arith.cmpi sgt, %add3A_48, %sign3A_51 : i32
      %sign3A_53 = arith.extui %sign3A_52 : i1 to i32
      %sign3A_54 = arith.constant 0 : i32
      %sign3A_55 = arith.cmpi slt, %add3A_48, %sign3A_54 : i32
      %sign3A_56 = arith.extui %sign3A_55 : i1 to i32
      %sign3A_57 = arith.subi %sign3A_53, %sign3A_56 : i32
      %sign3A_58 = arith.constant 0 : i32
      %sign3A_59 = arith.cmpi sgt, %jit3A_49, %sign3A_58 : i32
      %sign3A_60 = arith.extui %sign3A_59 : i1 to i32
      %sign3A_61 = arith.constant 0 : i32
      %sign3A_62 = arith.cmpi slt, %jit3A_49, %sign3A_61 : i32
      %sign3A_63 = arith.extui %sign3A_62 : i1 to i32
      %sign3A_64 = arith.subi %sign3A_60, %sign3A_63 : i32
      %ne3A_65 = arith.cmpi ne, %sign3A_57, %sign3A_64 : i32
      %rem3A_66 = arith.remsi %add3A_48, %jit3A_49 : i32
      %ne3A_67 = arith.constant 0 : i32
      %ne3A_68 = arith.cmpi ne, %rem3A_66, %ne3A_67 : i32
      %and3A_69 = arith.andi %ne3A_65, %ne3A_68 : i1
      %sub3A_70 = arith.constant 1 : i32
      %sub3A_71 = arith.subi %div3A_50, %sub3A_70 : i32
      %select_n3A_72 = arith.select %and3A_69, %sub3A_71, %div3A_50 : i32
      %jit3A_73 = arith.constant 3 : i32
      %eq3A_74 = arith.constant 0 : i32
      %eq3A_75 = arith.cmpi eq, %jit3A_73, %eq3A_74 : i32
      %jit3A_76 = arith.constant 1 : i32
      %select_n3A_77 = arith.select %eq3A_75, %jit3A_76, %jit3A_73 : i32
      %rem3A_78 = arith.remsi %add3A_48, %select_n3A_77 : i32
      %ne3A_79 = arith.constant 0 : i32
      %ne3A_80 = arith.cmpi ne, %rem3A_78, %ne3A_79 : i32
      %lt3A_81 = arith.constant 0 : i32
      %lt3A_82 = arith.cmpi slt, %rem3A_78, %lt3A_81 : i32
      %lt3A_83 = arith.constant 0 : i32
      %lt3A_84 = arith.cmpi slt, %select_n3A_77, %lt3A_83 : i32
      %ne3A_85 = arith.xori %lt3A_82, %lt3A_84 : i1
      %and3A_86 = arith.andi %ne3A_85, %ne3A_80 : i1
      %add3A_87 = arith.addi %rem3A_78, %select_n3A_77 : i32
      %select_n3A_88 = arith.select %and3A_86, %add3A_87, %rem3A_78 : i32
      %dma_start3A_89 = arith.constant 0 : i32
      %dma_start3A_90 = arith.constant 0 : i32
      %dma_start3A_91 = tpu.memref_slice %arg3[%select_n3A_72, %select_n3A_88, %dma_start3A_89, %dma_start3A_90] : memref<16x3x512x512xf32, #tpu.memory_space<hbm>> -> memref<1x1x16x512xf32, #tpu.memory_space<hbm>>
      %dma_start3A_92 = tpu.memref_squeeze %dma_start3A_91 : memref<1x1x16x512xf32, #tpu.memory_space<hbm>> -> memref<16x512xf32, #tpu.memory_space<hbm>>
      %dma_start3A_93 = arith.constant 0 : i32
      %dma_start3A_94 = arith.constant 0 : i32
      %dma_start3A_95 = tpu.memref_slice %arg3[%select_n3A_72, %select_n3A_88, %dma_start3A_93, %dma_start3A_94] : memref<16x3x512x512xf32, #tpu.memory_space<hbm>> -> memref<1x1x16x512xf32, #tpu.memory_space<hbm>>
      %dma_start3A_96 = tpu.memref_squeeze %dma_start3A_95 : memref<1x1x16x512xf32, #tpu.memory_space<hbm>> -> memref<16x512xf32, #tpu.memory_space<hbm>>
      tpu.enqueue_dma source(%dma_start3A_96 : memref<16x512xf32, #tpu.memory_space<hbm>>) target(%arg7 : memref<16x512xf32, #tpu.memory_space<vmem>>) target_semaphore(%arg12 : memref<!tpu.dma_semaphore, #tpu.memory_space<semaphore_mem>>)
      %broadcast_in_dim3A = arith.constant 0 : i32
      %broadcast_in_dim3A_97 = vector.broadcast %broadcast_in_dim3A : i32 to vector<16xi32>
      %parallel_loop3A = arith.constant 0 : i32
      %parallel_loop3A_98 = arith.constant 65536 : i32
      %parallel_loop3A_99 = arith.constant 16 : i32
      scf.for %parallel_loop3A_105 = %parallel_loop3A to %parallel_loop3A_98 step %parallel_loop3A_99  : i32 {
        %parallel_loop3A_106 = arith.index_cast %parallel_loop3A_105 : i32 to index
        %parallel_loop3A_107 = tpu.vector_load %arg10[%parallel_loop3A_106] {strides = array<i32>} : memref<65536xi32, #tpu.memory_space<vmem>>, vector<16xi32>,
        tpu.vector_store %arg10[%parallel_loop3A_106], %broadcast_in_dim3A_97 {strides = array<i32>} : memref<65536xi32, #tpu.memory_space<vmem>>, vector<16xi32>,
      } {sc.loop_unroll_factor = 8 : i64, sc.parallel_access}
      %scan3A = arith.constant 0 : i32
      %scan3A_100 = arith.constant 0 : i32
      %scan3A_101 = arith.constant 48 : i32
      %scan3A_102 = arith.addi %scan3A_100, %scan3A_101 : i32
      %scan3A_103 = arith.constant 1 : i32
      scf.for %scan3A_105 = %scan3A_100 to %scan3A_102 step %scan3A_103  : i32 {
        %mul3A_106 = arith.constant 2 : i32
        %mul3A_107 = arith.muli %mul3A_106, %scan3A_105 : i32
        %add3A_108 = arith.constant 1 : i32
        %add3A_109 = arith.addi %mul3A_107, %add3A_108 : i32
        %jit3A_110 = arith.constant 32 : i32
        %div3A_111 = arith.divsi %add3A_109, %jit3A_110 : i32
        %sign3A_112 = arith.constant 0 : i32
        %sign3A_113 = arith.cmpi sgt, %add3A_109, %sign3A_112 : i32
        %sign3A_114 = arith.extui %sign3A_113 : i1 to i32
        %sign3A_115 = arith.constant 0 : i32
        %sign3A_116 = arith.cmpi slt, %add3A_109, %sign3A_115 : i32
        %sign3A_117 = arith.extui %sign3A_116 : i1 to i32
        %sign3A_118 = arith.subi %sign3A_114, %sign3A_117 : i32
        %sign3A_119 = arith.constant 0 : i32
        %sign3A_120 = arith.cmpi sgt, %jit3A_110, %sign3A_119 : i32
        %sign3A_121 = arith.extui %sign3A_120 : i1 to i32
        %sign3A_122 = arith.constant 0 : i32
        %sign3A_123 = arith.cmpi slt, %jit3A_110, %sign3A_122 : i32
        %sign3A_124 = arith.extui %sign3A_123 : i1 to i32
        %sign3A_125 = arith.subi %sign3A_121, %sign3A_124 : i32
        %ne3A_126 = arith.cmpi ne, %sign3A_118, %sign3A_125 : i32
        %rem3A_127 = arith.remsi %add3A_109, %jit3A_110 : i32
        %ne3A_128 = arith.constant 0 : i32
        %ne3A_129 = arith.cmpi ne, %rem3A_127, %ne3A_128 : i32
        %and3A_130 = arith.andi %ne3A_126, %ne3A_129 : i1
        %sub3A_131 = arith.constant 1 : i32
        %sub3A_132 = arith.subi %div3A_111, %sub3A_131 : i32
        %select_n3A_133 = arith.select %and3A_130, %sub3A_132, %div3A_111 : i32
        %add3A_134 = arith.addi %mul3A_0, %select_n3A_133 : i32
        %jit3A_135 = arith.constant 32 : i32
        %eq3A_136 = arith.constant 0 : i32
        %eq3A_137 = arith.cmpi eq, %jit3A_135, %eq3A_136 : i32
        %jit3A_138 = arith.constant 1 : i32
        %select_n3A_139 = arith.select %eq3A_137, %jit3A_138, %jit3A_135 : i32
        %rem3A_140 = arith.remsi %add3A_109, %select_n3A_139 : i32
        %ne3A_141 = arith.constant 0 : i32
        %ne3A_142 = arith.cmpi ne, %rem3A_140, %ne3A_141 : i32
        %lt3A_143 = arith.constant 0 : i32
        %lt3A_144 = arith.cmpi slt, %rem3A_140, %lt3A_143 : i32
        %lt3A_145 = arith.constant 0 : i32
        %lt3A_146 = arith.cmpi slt, %select_n3A_139, %lt3A_145 : i32
        %ne3A_147 = arith.xori %lt3A_144, %lt3A_146 : i1
        %and3A_148 = arith.andi %ne3A_147, %ne3A_142 : i1
        %add3A_149 = arith.addi %rem3A_140, %select_n3A_139 : i32
        %select_n3A_150 = arith.select %and3A_148, %add3A_149, %rem3A_140 : i32
        %mul3A_151 = arith.constant 16 : i32
        %mul3A_152 = arith.muli %select_n3A_150, %mul3A_151 : i32
        %jit3A_153 = arith.constant 3 : i32
        %div3A_154 = arith.divsi %add3A_134, %jit3A_153 : i32
        %sign3A_155 = arith.constant 0 : i32
        %sign3A_156 = arith.cmpi sgt, %add3A_134, %sign3A_155 : i32
        %sign3A_157 = arith.extui %sign3A_156 : i1 to i32
        %sign3A_158 = arith.constant 0 : i32
        %sign3A_159 = arith.cmpi slt, %add3A_134, %sign3A_158 : i32
        %sign3A_160 = arith.extui %sign3A_159 : i1 to i32
        %sign3A_161 = arith.subi %sign3A_157, %sign3A_160 : i32
        %sign3A_162 = arith.constant 0 : i32
        %sign3A_163 = arith.cmpi sgt, %jit3A_153, %sign3A_162 : i32
        %sign3A_164 = arith.extui %sign3A_163 : i1 to i32
        %sign3A_165 = arith.constant 0 : i32
        %sign3A_166 = arith.cmpi slt, %jit3A_153, %sign3A_165 : i32
        %sign3A_167 = arith.extui %sign3A_166 : i1 to i32
        %sign3A_168 = arith.subi %sign3A_164, %sign3A_167 : i32
        %ne3A_169 = arith.cmpi ne, %sign3A_161, %sign3A_168 : i32
        %rem3A_170 = arith.remsi %add3A_134, %jit3A_153 : i32
        %ne3A_171 = arith.constant 0 : i32
        %ne3A_172 = arith.cmpi ne, %rem3A_170, %ne3A_171 : i32
        %and3A_173 = arith.andi %ne3A_169, %ne3A_172 : i1
        %sub3A_174 = arith.constant 1 : i32
        %sub3A_175 = arith.subi %div3A_154, %sub3A_174 : i32
        %select_n3A_176 = arith.select %and3A_173, %sub3A_175, %div3A_154 : i32
        %jit3A_177 = arith.constant 3 : i32
        %eq3A_178 = arith.constant 0 : i32
        %eq3A_179 = arith.cmpi eq, %jit3A_177, %eq3A_178 : i32
        %jit3A_180 = arith.constant 1 : i32
        %select_n3A_181 = arith.select %eq3A_179, %jit3A_180, %jit3A_177 : i32
        %rem3A_182 = arith.remsi %add3A_134, %select_n3A_181 : i32
        %ne3A_183 = arith.constant 0 : i32
        %ne3A_184 = arith.cmpi ne, %rem3A_182, %ne3A_183 : i32
        %lt3A_185 = arith.constant 0 : i32
        %lt3A_186 = arith.cmpi slt, %rem3A_182, %lt3A_185 : i32
        %lt3A_187 = arith.constant 0 : i32
        %lt3A_188 = arith.cmpi slt, %select_n3A_181, %lt3A_187 : i32
        %ne3A_189 = arith.xori %lt3A_186, %lt3A_188 : i1
        %and3A_190 = arith.andi %ne3A_189, %ne3A_184 : i1
        %add3A_191 = arith.addi %rem3A_182, %select_n3A_181 : i32
        %select_n3A_192 = arith.select %and3A_190, %add3A_191, %rem3A_182 : i32
        %dma_start3A_193 = arith.constant 0 : i32
        %dma_start3A_194 = tpu.memref_slice %arg2[%select_n3A_176, %select_n3A_192, %mul3A_152, %dma_start3A_193] : memref<16x3x512x512xf32, #tpu.memory_space<hbm>> -> memref<1x1x16x512xf32, #tpu.memory_space<hbm>>
        %dma_start3A_195 = tpu.memref_squeeze %dma_start3A_194 : memref<1x1x16x512xf32, #tpu.memory_space<hbm>> -> memref<16x512xf32, #tpu.memory_space<hbm>>
        %dma_start3A_196 = arith.constant 0 : i32
        %dma_start3A_197 = tpu.memref_slice %arg2[%select_n3A_176, %select_n3A_192, %mul3A_152, %dma_start3A_196] : memref<16x3x512x512xf32, #tpu.memory_space<hbm>> -> memref<1x1x16x512xf32, #tpu.memory_space<hbm>>
        %dma_start3A_198 = tpu.memref_squeeze %dma_start3A_197 : memref<1x1x16x512xf32, #tpu.memory_space<hbm>> -> memref<16x512xf32, #tpu.memory_space<hbm>>
        tpu.enqueue_dma source(%dma_start3A_198 : memref<16x512xf32, #tpu.memory_space<hbm>>) target(%arg8 : memref<16x512xf32, #tpu.memory_space<vmem>>) target_semaphore(%arg13 : memref<!tpu.dma_semaphore, #tpu.memory_space<semaphore_mem>>)
        %jit3A_199 = arith.constant 32 : i32
        %div3A_200 = arith.divsi %add3A_109, %jit3A_199 : i32
        %sign3A_201 = arith.constant 0 : i32
        %sign3A_202 = arith.cmpi sgt, %add3A_109, %sign3A_201 : i32
        %sign3A_203 = arith.extui %sign3A_202 : i1 to i32
        %sign3A_204 = arith.constant 0 : i32
        %sign3A_205 = arith.cmpi slt, %add3A_109, %sign3A_204 : i32
        %sign3A_206 = arith.extui %sign3A_205 : i1 to i32
        %sign3A_207 = arith.subi %sign3A_203, %sign3A_206 : i32
        %sign3A_208 = arith.constant 0 : i32
        %sign3A_209 = arith.cmpi sgt, %jit3A_199, %sign3A_208 : i32
        %sign3A_210 = arith.extui %sign3A_209 : i1 to i32
        %sign3A_211 = arith.constant 0 : i32
        %sign3A_212 = arith.cmpi slt, %jit3A_199, %sign3A_211 : i32
        %sign3A_213 = arith.extui %sign3A_212 : i1 to i32
        %sign3A_214 = arith.subi %sign3A_210, %sign3A_213 : i32
        %ne3A_215 = arith.cmpi ne, %sign3A_207, %sign3A_214 : i32
        %rem3A_216 = arith.remsi %add3A_109, %jit3A_199 : i32
        %ne3A_217 = arith.constant 0 : i32
        %ne3A_218 = arith.cmpi ne, %rem3A_216, %ne3A_217 : i32
        %and3A_219 = arith.andi %ne3A_215, %ne3A_218 : i1
        %sub3A_220 = arith.constant 1 : i32
        %sub3A_221 = arith.subi %div3A_200, %sub3A_220 : i32
        %select_n3A_222 = arith.select %and3A_219, %sub3A_221, %div3A_200 : i32
        %add3A_223 = arith.addi %mul3A_0, %select_n3A_222 : i32
        %jit3A_224 = arith.constant 32 : i32
        %eq3A_225 = arith.constant 0 : i32
        %eq3A_226 = arith.cmpi eq, %jit3A_224, %eq3A_225 : i32
        %jit3A_227 = arith.constant 1 : i32
        %select_n3A_228 = arith.select %eq3A_226, %jit3A_227, %jit3A_224 : i32
        %rem3A_229 = arith.remsi %add3A_109, %select_n3A_228 : i32
        %ne3A_230 = arith.constant 0 : i32
        %ne3A_231 = arith.cmpi ne, %rem3A_229, %ne3A_230 : i32
        %lt3A_232 = arith.constant 0 : i32
        %lt3A_233 = arith.cmpi slt, %rem3A_229, %lt3A_232 : i32
        %lt3A_234 = arith.constant 0 : i32
        %lt3A_235 = arith.cmpi slt, %select_n3A_228, %lt3A_234 : i32
        %ne3A_236 = arith.xori %lt3A_233, %lt3A_235 : i1
        %and3A_237 = arith.andi %ne3A_236, %ne3A_231 : i1
        %add3A_238 = arith.addi %rem3A_229, %select_n3A_228 : i32
        %select_n3A_239 = arith.select %and3A_237, %add3A_238, %rem3A_229 : i32
        %mul3A_240 = arith.constant 16 : i32
        %mul3A_241 = arith.muli %select_n3A_239, %mul3A_240 : i32
        %jit3A_242 = arith.constant 3 : i32
        %div3A_243 = arith.divsi %add3A_223, %jit3A_242 : i32
        %sign3A_244 = arith.constant 0 : i32
        %sign3A_245 = arith.cmpi sgt, %add3A_223, %sign3A_244 : i32
        %sign3A_246 = arith.extui %sign3A_245 : i1 to i32
        %sign3A_247 = arith.constant 0 : i32
        %sign3A_248 = arith.cmpi slt, %add3A_223, %sign3A_247 : i32
        %sign3A_249 = arith.extui %sign3A_248 : i1 to i32
        %sign3A_250 = arith.subi %sign3A_246, %sign3A_249 : i32
        %sign3A_251 = arith.constant 0 : i32
        %sign3A_252 = arith.cmpi sgt, %jit3A_242, %sign3A_251 : i32
        %sign3A_253 = arith.extui %sign3A_252 : i1 to i32
        %sign3A_254 = arith.constant 0 : i32
        %sign3A_255 = arith.cmpi slt, %jit3A_242, %sign3A_254 : i32
        %sign3A_256 = arith.extui %sign3A_255 : i1 to i32
        %sign3A_257 = arith.subi %sign3A_253, %sign3A_256 : i32
        %ne3A_258 = arith.cmpi ne, %sign3A_250, %sign3A_257 : i32
        %rem3A_259 = arith.remsi %add3A_223, %jit3A_242 : i32
        %ne3A_260 = arith.constant 0 : i32
        %ne3A_261 = arith.cmpi ne, %rem3A_259, %ne3A_260 : i32
        %and3A_262 = arith.andi %ne3A_258, %ne3A_261 : i1
        %sub3A_263 = arith.constant 1 : i32
        %sub3A_264 = arith.subi %div3A_243, %sub3A_263 : i32
        %select_n3A_265 = arith.select %and3A_262, %sub3A_264, %div3A_243 : i32
        %jit3A_266 = arith.constant 3 : i32
        %eq3A_267 = arith.constant 0 : i32
        %eq3A_268 = arith.cmpi eq, %jit3A_266, %eq3A_267 : i32
        %jit3A_269 = arith.constant 1 : i32
        %select_n3A_270 = arith.select %eq3A_268, %jit3A_269, %jit3A_266 : i32
        %rem3A_271 = arith.remsi %add3A_223, %select_n3A_270 : i32
        %ne3A_272 = arith.constant 0 : i32
        %ne3A_273 = arith.cmpi ne, %rem3A_271, %ne3A_272 : i32
        %lt3A_274 = arith.constant 0 : i32
        %lt3A_275 = arith.cmpi slt, %rem3A_271, %lt3A_274 : i32
        %lt3A_276 = arith.constant 0 : i32
        %lt3A_277 = arith.cmpi slt, %select_n3A_270, %lt3A_276 : i32
        %ne3A_278 = arith.xori %lt3A_275, %lt3A_277 : i1
        %and3A_279 = arith.andi %ne3A_278, %ne3A_273 : i1
        %add3A_280 = arith.addi %rem3A_271, %select_n3A_270 : i32
        %select_n3A_281 = arith.select %and3A_279, %add3A_280, %rem3A_271 : i32
        %dma_start3A_282 = arith.constant 0 : i32
        %dma_start3A_283 = tpu.memref_slice %arg3[%select_n3A_265, %select_n3A_281, %mul3A_241, %dma_start3A_282] : memref<16x3x512x512xf32, #tpu.memory_space<hbm>> -> memref<1x1x16x512xf32, #tpu.memory_space<hbm>>
        %dma_start3A_284 = tpu.memref_squeeze %dma_start3A_283 : memref<1x1x16x512xf32, #tpu.memory_space<hbm>> -> memref<16x512xf32, #tpu.memory_space<hbm>>
        %dma_start3A_285 = arith.constant 0 : i32
        %dma_start3A_286 = tpu.memref_slice %arg3[%select_n3A_265, %select_n3A_281, %mul3A_241, %dma_start3A_285] : memref<16x3x512x512xf32, #tpu.memory_space<hbm>> -> memref<1x1x16x512xf32, #tpu.memory_space<hbm>>
        %dma_start3A_287 = tpu.memref_squeeze %dma_start3A_286 : memref<1x1x16x512xf32, #tpu.memory_space<hbm>> -> memref<16x512xf32, #tpu.memory_space<hbm>>
        tpu.enqueue_dma source(%dma_start3A_287 : memref<16x512xf32, #tpu.memory_space<hbm>>) target(%arg9 : memref<16x512xf32, #tpu.memory_space<vmem>>) target_semaphore(%arg14 : memref<!tpu.dma_semaphore, #tpu.memory_space<semaphore_mem>>)
        %add3A_288 = arith.constant 0 : i32
        %add3A_289 = arith.addi %mul3A_0, %add3A_288 : i32
        %jit3A_290 = arith.constant 3 : i32
        %div3A_291 = arith.divsi %add3A_289, %jit3A_290 : i32
        %sign3A_292 = arith.constant 0 : i32
        %sign3A_293 = arith.cmpi sgt, %add3A_289, %sign3A_292 : i32
        %sign3A_294 = arith.extui %sign3A_293 : i1 to i32
        %sign3A_295 = arith.constant 0 : i32
        %sign3A_296 = arith.cmpi slt, %add3A_289, %sign3A_295 : i32
        %sign3A_297 = arith.extui %sign3A_296 : i1 to i32
        %sign3A_298 = arith.subi %sign3A_294, %sign3A_297 : i32
        %sign3A_299 = arith.constant 0 : i32
        %sign3A_300 = arith.cmpi sgt, %jit3A_290, %sign3A_299 : i32
        %sign3A_301 = arith.extui %sign3A_300 : i1 to i32
        %sign3A_302 = arith.constant 0 : i32
        %sign3A_303 = arith.cmpi slt, %jit3A_290, %sign3A_302 : i32
        %sign3A_304 = arith.extui %sign3A_303 : i1 to i32
        %sign3A_305 = arith.subi %sign3A_301, %sign3A_304 : i32
        %ne3A_306 = arith.cmpi ne, %sign3A_298, %sign3A_305 : i32
        %rem3A_307 = arith.remsi %add3A_289, %jit3A_290 : i32
        %ne3A_308 = arith.constant 0 : i32
        %ne3A_309 = arith.cmpi ne, %rem3A_307, %ne3A_308 : i32
        %and3A_310 = arith.andi %ne3A_306, %ne3A_309 : i1
        %sub3A_311 = arith.constant 1 : i32
        %sub3A_312 = arith.subi %div3A_291, %sub3A_311 : i32
        %select_n3A_313 = arith.select %and3A_310, %sub3A_312, %div3A_291 : i32
        %jit3A_314 = arith.constant 3 : i32
        %eq3A_315 = arith.constant 0 : i32
        %eq3A_316 = arith.cmpi eq, %jit3A_314, %eq3A_315 : i32
        %jit3A_317 = arith.constant 1 : i32
        %select_n3A_318 = arith.select %eq3A_316, %jit3A_317, %jit3A_314 : i32
        %rem3A_319 = arith.remsi %add3A_289, %select_n3A_318 : i32
        %ne3A_320 = arith.constant 0 : i32
        %ne3A_321 = arith.cmpi ne, %rem3A_319, %ne3A_320 : i32
        %lt3A_322 = arith.constant 0 : i32
        %lt3A_323 = arith.cmpi slt, %rem3A_319, %lt3A_322 : i32
        %lt3A_324 = arith.constant 0 : i32
        %lt3A_325 = arith.cmpi slt, %select_n3A_318, %lt3A_324 : i32
        %ne3A_326 = arith.xori %lt3A_323, %lt3A_325 : i1
        %and3A_327 = arith.andi %ne3A_326, %ne3A_321 : i1
        %add3A_328 = arith.addi %rem3A_319, %select_n3A_318 : i32
        %select_n3A_329 = arith.select %and3A_327, %add3A_328, %rem3A_319 : i32
        %dma_wait3A = arith.constant 0 : i32
        %dma_wait3A_330 = arith.constant 0 : i32
        %dma_wait3A_331 = tpu.memref_slice %arg2[%select_n3A_313, %select_n3A_329, %dma_wait3A, %dma_wait3A_330] : memref<16x3x512x512xf32, #tpu.memory_space<hbm>> -> memref<1x1x16x512xf32, #tpu.memory_space<hbm>>
        %dma_wait3A_332 = tpu.memref_squeeze %dma_wait3A_331 : memref<1x1x16x512xf32, #tpu.memory_space<hbm>> -> memref<16x512xf32, #tpu.memory_space<hbm>>
        %dma_wait3A_333 = arith.constant 0 : i32
        %dma_wait3A_334 = arith.constant 0 : i32
        %dma_wait3A_335 = tpu.memref_slice %arg2[%select_n3A_313, %select_n3A_329, %dma_wait3A_333, %dma_wait3A_334] : memref<16x3x512x512xf32, #tpu.memory_space<hbm>> -> memref<1x1x16x512xf32, #tpu.memory_space<hbm>>
        %dma_wait3A_336 = tpu.memref_squeeze %dma_wait3A_335 : memref<1x1x16x512xf32, #tpu.memory_space<hbm>> -> memref<16x512xf32, #tpu.memory_space<hbm>>
        tpu.wait_dma2 semaphore(%arg11 : memref<!tpu.dma_semaphore, #tpu.memory_space<semaphore_mem>>) src(%dma_wait3A_336 : memref<16x512xf32, #tpu.memory_space<hbm>>) dst(%arg6 : memref<16x512xf32, #tpu.memory_space<vmem>>)
        %add3A_337 = arith.constant 0 : i32
        %add3A_338 = arith.addi %mul3A_0, %add3A_337 : i32
        %jit3A_339 = arith.constant 3 : i32
        %div3A_340 = arith.divsi %add3A_338, %jit3A_339 : i32
        %sign3A_341 = arith.constant 0 : i32
        %sign3A_342 = arith.cmpi sgt, %add3A_338, %sign3A_341 : i32
        %sign3A_343 = arith.extui %sign3A_342 : i1 to i32
        %sign3A_344 = arith.constant 0 : i32
        %sign3A_345 = arith.cmpi slt, %add3A_338, %sign3A_344 : i32
        %sign3A_346 = arith.extui %sign3A_345 : i1 to i32
        %sign3A_347 = arith.subi %sign3A_343, %sign3A_346 : i32
        %sign3A_348 = arith.constant 0 : i32
        %sign3A_349 = arith.cmpi sgt, %jit3A_339, %sign3A_348 : i32
        %sign3A_350 = arith.extui %sign3A_349 : i1 to i32
        %sign3A_351 = arith.constant 0 : i32
        %sign3A_352 = arith.cmpi slt, %jit3A_339, %sign3A_351 : i32
        %sign3A_353 = arith.extui %sign3A_352 : i1 to i32
        %sign3A_354 = arith.subi %sign3A_350, %sign3A_353 : i32
        %ne3A_355 = arith.cmpi ne, %sign3A_347, %sign3A_354 : i32
        %rem3A_356 = arith.remsi %add3A_338, %jit3A_339 : i32
        %ne3A_357 = arith.constant 0 : i32
        %ne3A_358 = arith.cmpi ne, %rem3A_356, %ne3A_357 : i32
        %and3A_359 = arith.andi %ne3A_355, %ne3A_358 : i1
        %sub3A_360 = arith.constant 1 : i32
        %sub3A_361 = arith.subi %div3A_340, %sub3A_360 : i32
        %select_n3A_362 = arith.select %and3A_359, %sub3A_361, %div3A_340 : i32
        %jit3A_363 = arith.constant 3 : i32
        %eq3A_364 = arith.constant 0 : i32
        %eq3A_365 = arith.cmpi eq, %jit3A_363, %eq3A_364 : i32
        %jit3A_366 = arith.constant 1 : i32
        %select_n3A_367 = arith.select %eq3A_365, %jit3A_366, %jit3A_363 : i32
        %rem3A_368 = arith.remsi %add3A_338, %select_n3A_367 : i32
        %ne3A_369 = arith.constant 0 : i32
        %ne3A_370 = arith.cmpi ne, %rem3A_368, %ne3A_369 : i32
        %lt3A_371 = arith.constant 0 : i32
        %lt3A_372 = arith.cmpi slt, %rem3A_368, %lt3A_371 : i32
        %lt3A_373 = arith.constant 0 : i32
        %lt3A_374 = arith.cmpi slt, %select_n3A_367, %lt3A_373 : i32
        %ne3A_375 = arith.xori %lt3A_372, %lt3A_374 : i1
        %and3A_376 = arith.andi %ne3A_375, %ne3A_370 : i1
        %add3A_377 = arith.addi %rem3A_368, %select_n3A_367 : i32
        %select_n3A_378 = arith.select %and3A_376, %add3A_377, %rem3A_368 : i32
        %dma_wait3A_379 = arith.constant 0 : i32
        %dma_wait3A_380 = arith.constant 0 : i32
        %dma_wait3A_381 = tpu.memref_slice %arg3[%select_n3A_362, %select_n3A_378, %dma_wait3A_379, %dma_wait3A_380] : memref<16x3x512x512xf32, #tpu.memory_space<hbm>> -> memref<1x1x16x512xf32, #tpu.memory_space<hbm>>
        %dma_wait3A_382 = tpu.memref_squeeze %dma_wait3A_381 : memref<1x1x16x512xf32, #tpu.memory_space<hbm>> -> memref<16x512xf32, #tpu.memory_space<hbm>>
        %dma_wait3A_383 = arith.constant 0 : i32
        %dma_wait3A_384 = arith.constant 0 : i32
        %dma_wait3A_385 = tpu.memref_slice %arg3[%select_n3A_362, %select_n3A_378, %dma_wait3A_383, %dma_wait3A_384] : memref<16x3x512x512xf32, #tpu.memory_space<hbm>> -> memref<1x1x16x512xf32, #tpu.memory_space<hbm>>
        %dma_wait3A_386 = tpu.memref_squeeze %dma_wait3A_385 : memref<1x1x16x512xf32, #tpu.memory_space<hbm>> -> memref<16x512xf32, #tpu.memory_space<hbm>>
        tpu.wait_dma2 semaphore(%arg12 : memref<!tpu.dma_semaphore, #tpu.memory_space<semaphore_mem>>) src(%dma_wait3A_386 : memref<16x512xf32, #tpu.memory_space<hbm>>) dst(%arg7 : memref<16x512xf32, #tpu.memory_space<vmem>>)
        %parallel_loop3A_387 = arith.constant 0 : i32
        %parallel_loop3A_388 = arith.constant 512 : i32
        %parallel_loop3A_389 = arith.constant 1 : i32
        scf.for %parallel_loop3A_498 = %parallel_loop3A_387 to %parallel_loop3A_388 step %parallel_loop3A_389  : i32 {
          %parallel_loop3A_499 = arith.constant 5 : i32
          %parallel_loop3A_500 = arith.shrsi %parallel_loop3A_498, %parallel_loop3A_499 : i32
          %parallel_loop3A_501 = arith.constant 31 : i32
          %parallel_loop3A_502 = arith.andi %parallel_loop3A_498, %parallel_loop3A_501 : i32
          %parallel_loop3A_503 = arith.constant 4 : i32
          %parallel_loop3A_504 = arith.shli %parallel_loop3A_502, %parallel_loop3A_503 : i32
          %parallel_loop3A_505 = arith.index_cast %parallel_loop3A_500 : i32 to index
          %parallel_loop3A_506 = arith.index_cast %parallel_loop3A_504 : i32 to index
          %parallel_loop3A_507 = tpu.vector_load %arg6[%parallel_loop3A_505, %parallel_loop3A_506] {strides = array<i32>} : memref<16x512xf32, #tpu.memory_space<vmem>>, vector<16xf32>,
          %parallel_loop3A_508 = arith.constant 2.560000e+02 : f32
          %parallel_loop3A_509 = vector.broadcast %parallel_loop3A_508 : f32 to vector<16xf32>
          %parallel_loop3A_510 = arith.mulf %parallel_loop3A_507, %parallel_loop3A_509 : vector<16xf32>
          %parallel_loop3A_511 = arith.fptosi %parallel_loop3A_510 : vector<16xf32> to vector<16xi32>
          %parallel_loop3A_512 = arith.index_cast %parallel_loop3A_500 : i32 to index
          %parallel_loop3A_513 = arith.index_cast %parallel_loop3A_504 : i32 to index
          %parallel_loop3A_514 = tpu.vector_load %arg7[%parallel_loop3A_512, %parallel_loop3A_513] {strides = array<i32>} : memref<16x512xf32, #tpu.memory_space<vmem>>, vector<16xf32>,
          %parallel_loop3A_515 = arith.constant 2.560000e+02 : f32
          %parallel_loop3A_516 = vector.broadcast %parallel_loop3A_515 : f32 to vector<16xf32>
          %parallel_loop3A_517 = arith.mulf %parallel_loop3A_514, %parallel_loop3A_516 : vector<16xf32>
          %parallel_loop3A_518 = arith.fptosi %parallel_loop3A_517 : vector<16xf32> to vector<16xi32>
          %parallel_loop3A_519 = arith.constant 256 : i32
          %parallel_loop3A_520 = vector.broadcast %parallel_loop3A_519 : i32 to vector<16xi32>
          %parallel_loop3A_521 = arith.muli %parallel_loop3A_511, %parallel_loop3A_520 : vector<16xi32>
          %parallel_loop3A_522 = arith.addi %parallel_loop3A_521, %parallel_loop3A_518 : vector<16xi32>
          %parallel_loop3A_523 = arith.constant true
          %parallel_loop3A_524 = vector.broadcast %parallel_loop3A_523 : i1 to vector<16xi1>
          %parallel_loop3A_525, %parallel_loop3A_526 = tpu.scan_count mask(%parallel_loop3A_524 : vector<16xi1>) value(%parallel_loop3A_522 : vector<16xi32>) : vector<16xi1>, vector<16xi32>
          tpu.vector_store_idx %arg10[%parallel_loop3A_522], %parallel_loop3A_526 masked %parallel_loop3A_525 {add = true} : memref<65536xi32, #tpu.memory_space<vmem>>[vector<16xi32>], vector<16xi32>, vector<16xi1>
        } {sc.loop_unroll_factor = 8 : i64, sc.parallel_access}
        %lt3A_390 = arith.constant 47 : i32
        %lt3A_391 = arith.cmpi slt, %scan3A_105, %lt3A_390 : i32
        %convert_element_type3A_392 = arith.extui %lt3A_391 : i1 to i32
        %cond3A_393 = arith.constant 0 : i32
        %cond3A_394 = arith.cmpi ne, %convert_element_type3A_392, %cond3A_393 : i32
        scf.if %cond3A_394 {
          %add3A_498 = arith.constant 2 : i32
          %add3A_499 = arith.addi %mul3A_107, %add3A_498 : i32
          %jit3A_500 = arith.constant 32 : i32
          %div3A_501 = arith.divsi %add3A_499, %jit3A_500 : i32
          %sign3A_502 = arith.constant 0 : i32
          %sign3A_503 = arith.cmpi sgt, %add3A_499, %sign3A_502 : i32
          %sign3A_504 = arith.extui %sign3A_503 : i1 to i32
          %sign3A_505 = arith.constant 0 : i32
          %sign3A_506 = arith.cmpi slt, %add3A_499, %sign3A_505 : i32
          %sign3A_507 = arith.extui %sign3A_506 : i1 to i32
          %sign3A_508 = arith.subi %sign3A_504, %sign3A_507 : i32
          %sign3A_509 = arith.constant 0 : i32
          %sign3A_510 = arith.cmpi sgt, %jit3A_500, %sign3A_509 : i32
          %sign3A_511 = arith.extui %sign3A_510 : i1 to i32
          %sign3A_512 = arith.constant 0 : i32
          %sign3A_513 = arith.cmpi slt, %jit3A_500, %sign3A_512 : i32
          %sign3A_514 = arith.extui %sign3A_513 : i1 to i32
          %sign3A_515 = arith.subi %sign3A_511, %sign3A_514 : i32
          %ne3A_516 = arith.cmpi ne, %sign3A_508, %sign3A_515 : i32
          %rem3A_517 = arith.remsi %add3A_499, %jit3A_500 : i32
          %ne3A_518 = arith.constant 0 : i32
          %ne3A_519 = arith.cmpi ne, %rem3A_517, %ne3A_518 : i32
          %and3A_520 = arith.andi %ne3A_516, %ne3A_519 : i1
          %sub3A_521 = arith.constant 1 : i32
          %sub3A_522 = arith.subi %div3A_501, %sub3A_521 : i32
          %select_n3A_523 = arith.select %and3A_520, %sub3A_522, %div3A_501 : i32
          %add3A_524 = arith.addi %mul3A_0, %select_n3A_523 : i32
          %jit3A_525 = arith.constant 32 : i32
          %eq3A_526 = arith.constant 0 : i32
          %eq3A_527 = arith.cmpi eq, %jit3A_525, %eq3A_526 : i32
          %jit3A_528 = arith.constant 1 : i32
          %select_n3A_529 = arith.select %eq3A_527, %jit3A_528, %jit3A_525 : i32
          %rem3A_530 = arith.remsi %add3A_499, %select_n3A_529 : i32
          %ne3A_531 = arith.constant 0 : i32
          %ne3A_532 = arith.cmpi ne, %rem3A_530, %ne3A_531 : i32
          %lt3A_533 = arith.constant 0 : i32
          %lt3A_534 = arith.cmpi slt, %rem3A_530, %lt3A_533 : i32
          %lt3A_535 = arith.constant 0 : i32
          %lt3A_536 = arith.cmpi slt, %select_n3A_529, %lt3A_535 : i32
          %ne3A_537 = arith.xori %lt3A_534, %lt3A_536 : i1
          %and3A_538 = arith.andi %ne3A_537, %ne3A_532 : i1
          %add3A_539 = arith.addi %rem3A_530, %select_n3A_529 : i32
          %select_n3A_540 = arith.select %and3A_538, %add3A_539, %rem3A_530 : i32
          %mul3A_541 = arith.constant 16 : i32
          %mul3A_542 = arith.muli %select_n3A_540, %mul3A_541 : i32
          %jit3A_543 = arith.constant 3 : i32
          %div3A_544 = arith.divsi %add3A_524, %jit3A_543 : i32
          %sign3A_545 = arith.constant 0 : i32
          %sign3A_546 = arith.cmpi sgt, %add3A_524, %sign3A_545 : i32
          %sign3A_547 = arith.extui %sign3A_546 : i1 to i32
          %sign3A_548 = arith.constant 0 : i32
          %sign3A_549 = arith.cmpi slt, %add3A_524, %sign3A_548 : i32
          %sign3A_550 = arith.extui %sign3A_549 : i1 to i32
          %sign3A_551 = arith.subi %sign3A_547, %sign3A_550 : i32
          %sign3A_552 = arith.constant 0 : i32
          %sign3A_553 = arith.cmpi sgt, %jit3A_543, %sign3A_552 : i32
          %sign3A_554 = arith.extui %sign3A_553 : i1 to i32
          %sign3A_555 = arith.constant 0 : i32
          %sign3A_556 = arith.cmpi slt, %jit3A_543, %sign3A_555 : i32
          %sign3A_557 = arith.extui %sign3A_556 : i1 to i32
          %sign3A_558 = arith.subi %sign3A_554, %sign3A_557 : i32
          %ne3A_559 = arith.cmpi ne, %sign3A_551, %sign3A_558 : i32
          %rem3A_560 = arith.remsi %add3A_524, %jit3A_543 : i32
          %ne3A_561 = arith.constant 0 : i32
          %ne3A_562 = arith.cmpi ne, %rem3A_560, %ne3A_561 : i32
          %and3A_563 = arith.andi %ne3A_559, %ne3A_562 : i1
          %sub3A_564 = arith.constant 1 : i32
          %sub3A_565 = arith.subi %div3A_544, %sub3A_564 : i32
          %select_n3A_566 = arith.select %and3A_563, %sub3A_565, %div3A_544 : i32
          %jit3A_567 = arith.constant 3 : i32
          %eq3A_568 = arith.constant 0 : i32
          %eq3A_569 = arith.cmpi eq, %jit3A_567, %eq3A_568 : i32
          %jit3A_570 = arith.constant 1 : i32
          %select_n3A_571 = arith.select %eq3A_569, %jit3A_570, %jit3A_567 : i32
          %rem3A_572 = arith.remsi %add3A_524, %select_n3A_571 : i32
          %ne3A_573 = arith.constant 0 : i32
          %ne3A_574 = arith.cmpi ne, %rem3A_572, %ne3A_573 : i32
          %lt3A_575 = arith.constant 0 : i32
          %lt3A_576 = arith.cmpi slt, %rem3A_572, %lt3A_575 : i32
          %lt3A_577 = arith.constant 0 : i32
          %lt3A_578 = arith.cmpi slt, %select_n3A_571, %lt3A_577 : i32
          %ne3A_579 = arith.xori %lt3A_576, %lt3A_578 : i1
          %and3A_580 = arith.andi %ne3A_579, %ne3A_574 : i1
          %add3A_581 = arith.addi %rem3A_572, %select_n3A_571 : i32
          %select_n3A_582 = arith.select %and3A_580, %add3A_581, %rem3A_572 : i32
          %dma_start3A_583 = arith.constant 0 : i32
          %dma_start3A_584 = tpu.memref_slice %arg2[%select_n3A_566, %select_n3A_582, %mul3A_542, %dma_start3A_583] : memref<16x3x512x512xf32, #tpu.memory_space<hbm>> -> memref<1x1x16x512xf32, #tpu.memory_space<hbm>>
          %dma_start3A_585 = tpu.memref_squeeze %dma_start3A_584 : memref<1x1x16x512xf32, #tpu.memory_space<hbm>> -> memref<16x512xf32, #tpu.memory_space<hbm>>
          %dma_start3A_586 = arith.constant 0 : i32
          %dma_start3A_587 = tpu.memref_slice %arg2[%select_n3A_566, %select_n3A_582, %mul3A_542, %dma_start3A_586] : memref<16x3x512x512xf32, #tpu.memory_space<hbm>> -> memref<1x1x16x512xf32, #tpu.memory_space<hbm>>
          %dma_start3A_588 = tpu.memref_squeeze %dma_start3A_587 : memref<1x1x16x512xf32, #tpu.memory_space<hbm>> -> memref<16x512xf32, #tpu.memory_space<hbm>>
          tpu.enqueue_dma source(%dma_start3A_588 : memref<16x512xf32, #tpu.memory_space<hbm>>) target(%arg6 : memref<16x512xf32, #tpu.memory_space<vmem>>) target_semaphore(%arg11 : memref<!tpu.dma_semaphore, #tpu.memory_space<semaphore_mem>>)
          %jit3A_589 = arith.constant 32 : i32
          %div3A_590 = arith.divsi %add3A_499, %jit3A_589 : i32
          %sign3A_591 = arith.constant 0 : i32
          %sign3A_592 = arith.cmpi sgt, %add3A_499, %sign3A_591 : i32
          %sign3A_593 = arith.extui %sign3A_592 : i1 to i32
          %sign3A_594 = arith.constant 0 : i32
          %sign3A_595 = arith.cmpi slt, %add3A_499, %sign3A_594 : i32
          %sign3A_596 = arith.extui %sign3A_595 : i1 to i32
          %sign3A_597 = arith.subi %sign3A_593, %sign3A_596 : i32
          %sign3A_598 = arith.constant 0 : i32
          %sign3A_599 = arith.cmpi sgt, %jit3A_589, %sign3A_598 : i32
          %sign3A_600 = arith.extui %sign3A_599 : i1 to i32
          %sign3A_601 = arith.constant 0 : i32
          %sign3A_602 = arith.cmpi slt, %jit3A_589, %sign3A_601 : i32
          %sign3A_603 = arith.extui %sign3A_602 : i1 to i32
          %sign3A_604 = arith.subi %sign3A_600, %sign3A_603 : i32
          %ne3A_605 = arith.cmpi ne, %sign3A_597, %sign3A_604 : i32
          %rem3A_606 = arith.remsi %add3A_499, %jit3A_589 : i32
          %ne3A_607 = arith.constant 0 : i32
          %ne3A_608 = arith.cmpi ne, %rem3A_606, %ne3A_607 : i32
          %and3A_609 = arith.andi %ne3A_605, %ne3A_608 : i1
          %sub3A_610 = arith.constant 1 : i32
          %sub3A_611 = arith.subi %div3A_590, %sub3A_610 : i32
          %select_n3A_612 = arith.select %and3A_609, %sub3A_611, %div3A_590 : i32
          %add3A_613 = arith.addi %mul3A_0, %select_n3A_612 : i32
          %jit3A_614 = arith.constant 32 : i32
          %eq3A_615 = arith.constant 0 : i32
          %eq3A_616 = arith.cmpi eq, %jit3A_614, %eq3A_615 : i32
          %jit3A_617 = arith.constant 1 : i32
          %select_n3A_618 = arith.select %eq3A_616, %jit3A_617, %jit3A_614 : i32
          %rem3A_619 = arith.remsi %add3A_499, %select_n3A_618 : i32
          %ne3A_620 = arith.constant 0 : i32
          %ne3A_621 = arith.cmpi ne, %rem3A_619, %ne3A_620 : i32
          %lt3A_622 = arith.constant 0 : i32
          %lt3A_623 = arith.cmpi slt, %rem3A_619, %lt3A_622 : i32
          %lt3A_624 = arith.constant 0 : i32
          %lt3A_625 = arith.cmpi slt, %select_n3A_618, %lt3A_624 : i32
          %ne3A_626 = arith.xori %lt3A_623, %lt3A_625 : i1
          %and3A_627 = arith.andi %ne3A_626, %ne3A_621 : i1
          %add3A_628 = arith.addi %rem3A_619, %select_n3A_618 : i32
          %select_n3A_629 = arith.select %and3A_627, %add3A_628, %rem3A_619 : i32
          %mul3A_630 = arith.constant 16 : i32
          %mul3A_631 = arith.muli %select_n3A_629, %mul3A_630 : i32
          %jit3A_632 = arith.constant 3 : i32
          %div3A_633 = arith.divsi %add3A_613, %jit3A_632 : i32
          %sign3A_634 = arith.constant 0 : i32
          %sign3A_635 = arith.cmpi sgt, %add3A_613, %sign3A_634 : i32
          %sign3A_636 = arith.extui %sign3A_635 : i1 to i32
          %sign3A_637 = arith.constant 0 : i32
          %sign3A_638 = arith.cmpi slt, %add3A_613, %sign3A_637 : i32
          %sign3A_639 = arith.extui %sign3A_638 : i1 to i32
          %sign3A_640 = arith.subi %sign3A_636, %sign3A_639 : i32
          %sign3A_641 = arith.constant 0 : i32
          %sign3A_642 = arith.cmpi sgt, %jit3A_632, %sign3A_641 : i32
          %sign3A_643 = arith.extui %sign3A_642 : i1 to i32
          %sign3A_644 = arith.constant 0 : i32
          %sign3A_645 = arith.cmpi slt, %jit3A_632, %sign3A_644 : i32
          %sign3A_646 = arith.extui %sign3A_645 : i1 to i32
          %sign3A_647 = arith.subi %sign3A_643, %sign3A_646 : i32
          %ne3A_648 = arith.cmpi ne, %sign3A_640, %sign3A_647 : i32
          %rem3A_649 = arith.remsi %add3A_613, %jit3A_632 : i32
          %ne3A_650 = arith.constant 0 : i32
          %ne3A_651 = arith.cmpi ne, %rem3A_649, %ne3A_650 : i32
          %and3A_652 = arith.andi %ne3A_648, %ne3A_651 : i1
          %sub3A_653 = arith.constant 1 : i32
          %sub3A_654 = arith.subi %div3A_633, %sub3A_653 : i32
          %select_n3A_655 = arith.select %and3A_652, %sub3A_654, %div3A_633 : i32
          %jit3A_656 = arith.constant 3 : i32
          %eq3A_657 = arith.constant 0 : i32
          %eq3A_658 = arith.cmpi eq, %jit3A_656, %eq3A_657 : i32
          %jit3A_659 = arith.constant 1 : i32
          %select_n3A_660 = arith.select %eq3A_658, %jit3A_659, %jit3A_656 : i32
          %rem3A_661 = arith.remsi %add3A_613, %select_n3A_660 : i32
          %ne3A_662 = arith.constant 0 : i32
          %ne3A_663 = arith.cmpi ne, %rem3A_661, %ne3A_662 : i32
          %lt3A_664 = arith.constant 0 : i32
          %lt3A_665 = arith.cmpi slt, %rem3A_661, %lt3A_664 : i32
          %lt3A_666 = arith.constant 0 : i32
          %lt3A_667 = arith.cmpi slt, %select_n3A_660, %lt3A_666 : i32
          %ne3A_668 = arith.xori %lt3A_665, %lt3A_667 : i1
          %and3A_669 = arith.andi %ne3A_668, %ne3A_663 : i1
          %add3A_670 = arith.addi %rem3A_661, %select_n3A_660 : i32
          %select_n3A_671 = arith.select %and3A_669, %add3A_670, %rem3A_661 : i32
          %dma_start3A_672 = arith.constant 0 : i32
          %dma_start3A_673 = tpu.memref_slice %arg3[%select_n3A_655, %select_n3A_671, %mul3A_631, %dma_start3A_672] : memref<16x3x512x512xf32, #tpu.memory_space<hbm>> -> memref<1x1x16x512xf32, #tpu.memory_space<hbm>>
          %dma_start3A_674 = tpu.memref_squeeze %dma_start3A_673 : memref<1x1x16x512xf32, #tpu.memory_space<hbm>> -> memref<16x512xf32, #tpu.memory_space<hbm>>
          %dma_start3A_675 = arith.constant 0 : i32
          %dma_start3A_676 = tpu.memref_slice %arg3[%select_n3A_655, %select_n3A_671, %mul3A_631, %dma_start3A_675] : memref<16x3x512x512xf32, #tpu.memory_space<hbm>> -> memref<1x1x16x512xf32, #tpu.memory_space<hbm>>
          %dma_start3A_677 = tpu.memref_squeeze %dma_start3A_676 : memref<1x1x16x512xf32, #tpu.memory_space<hbm>> -> memref<16x512xf32, #tpu.memory_space<hbm>>
          tpu.enqueue_dma source(%dma_start3A_677 : memref<16x512xf32, #tpu.memory_space<hbm>>) target(%arg7 : memref<16x512xf32, #tpu.memory_space<vmem>>) target_semaphore(%arg12 : memref<!tpu.dma_semaphore, #tpu.memory_space<semaphore_mem>>)
        } else {
        }
        %add3A_395 = arith.constant 0 : i32
        %add3A_396 = arith.addi %mul3A_0, %add3A_395 : i32
        %jit3A_397 = arith.constant 3 : i32
        %div3A_398 = arith.divsi %add3A_396, %jit3A_397 : i32
        %sign3A_399 = arith.constant 0 : i32
        %sign3A_400 = arith.cmpi sgt, %add3A_396, %sign3A_399 : i32
        %sign3A_401 = arith.extui %sign3A_400 : i1 to i32
        %sign3A_402 = arith.constant 0 : i32
        %sign3A_403 = arith.cmpi slt, %add3A_396, %sign3A_402 : i32
        %sign3A_404 = arith.extui %sign3A_403 : i1 to i32
        %sign3A_405 = arith.subi %sign3A_401, %sign3A_404 : i32
        %sign3A_406 = arith.constant 0 : i32
        %sign3A_407 = arith.cmpi sgt, %jit3A_397, %sign3A_406 : i32
        %sign3A_408 = arith.extui %sign3A_407 : i1 to i32
        %sign3A_409 = arith.constant 0 : i32
        %sign3A_410 = arith.cmpi slt, %jit3A_397, %sign3A_409 : i32
        %sign3A_411 = arith.extui %sign3A_410 : i1 to i32
        %sign3A_412 = arith.subi %sign3A_408, %sign3A_411 : i32
        %ne3A_413 = arith.cmpi ne, %sign3A_405, %sign3A_412 : i32
        %rem3A_414 = arith.remsi %add3A_396, %jit3A_397 : i32
        %ne3A_415 = arith.constant 0 : i32
        %ne3A_416 = arith.cmpi ne, %rem3A_414, %ne3A_415 : i32
        %and3A_417 = arith.andi %ne3A_413, %ne3A_416 : i1
        %sub3A_418 = arith.constant 1 : i32
        %sub3A_419 = arith.subi %div3A_398, %sub3A_418 : i32
        %select_n3A_420 = arith.select %and3A_417, %sub3A_419, %div3A_398 : i32
        %jit3A_421 = arith.constant 3 : i32
        %eq3A_422 = arith.constant 0 : i32
        %eq3A_423 = arith.cmpi eq, %jit3A_421, %eq3A_422 : i32
        %jit3A_424 = arith.constant 1 : i32
        %select_n3A_425 = arith.select %eq3A_423, %jit3A_424, %jit3A_421 : i32
        %rem3A_426 = arith.remsi %add3A_396, %select_n3A_425 : i32
        %ne3A_427 = arith.constant 0 : i32
        %ne3A_428 = arith.cmpi ne, %rem3A_426, %ne3A_427 : i32
        %lt3A_429 = arith.constant 0 : i32
        %lt3A_430 = arith.cmpi slt, %rem3A_426, %lt3A_429 : i32
        %lt3A_431 = arith.constant 0 : i32
        %lt3A_432 = arith.cmpi slt, %select_n3A_425, %lt3A_431 : i32
        %ne3A_433 = arith.xori %lt3A_430, %lt3A_432 : i1
        %and3A_434 = arith.andi %ne3A_433, %ne3A_428 : i1
        %add3A_435 = arith.addi %rem3A_426, %select_n3A_425 : i32
        %select_n3A_436 = arith.select %and3A_434, %add3A_435, %rem3A_426 : i32
        %dma_wait3A_437 = arith.constant 0 : i32
        %dma_wait3A_438 = arith.constant 0 : i32
        %dma_wait3A_439 = tpu.memref_slice %arg2[%select_n3A_420, %select_n3A_436, %dma_wait3A_437, %dma_wait3A_438] : memref<16x3x512x512xf32, #tpu.memory_space<hbm>> -> memref<1x1x16x512xf32, #tpu.memory_space<hbm>>
        %dma_wait3A_440 = tpu.memref_squeeze %dma_wait3A_439 : memref<1x1x16x512xf32, #tpu.memory_space<hbm>> -> memref<16x512xf32, #tpu.memory_space<hbm>>
        %dma_wait3A_441 = arith.constant 0 : i32
        %dma_wait3A_442 = arith.constant 0 : i32
        %dma_wait3A_443 = tpu.memref_slice %arg2[%select_n3A_420, %select_n3A_436, %dma_wait3A_441, %dma_wait3A_442] : memref<16x3x512x512xf32, #tpu.memory_space<hbm>> -> memref<1x1x16x512xf32, #tpu.memory_space<hbm>>
        %dma_wait3A_444 = tpu.memref_squeeze %dma_wait3A_443 : memref<1x1x16x512xf32, #tpu.memory_space<hbm>> -> memref<16x512xf32, #tpu.memory_space<hbm>>
        tpu.wait_dma2 semaphore(%arg13 : memref<!tpu.dma_semaphore, #tpu.memory_space<semaphore_mem>>) src(%dma_wait3A_444 : memref<16x512xf32, #tpu.memory_space<hbm>>) dst(%arg8 : memref<16x512xf32, #tpu.memory_space<vmem>>)
        %add3A_445 = arith.constant 0 : i32
        %add3A_446 = arith.addi %mul3A_0, %add3A_445 : i32
        %jit3A_447 = arith.constant 3 : i32
        %div3A_448 = arith.divsi %add3A_446, %jit3A_447 : i32
        %sign3A_449 = arith.constant 0 : i32
        %sign3A_450 = arith.cmpi sgt, %add3A_446, %sign3A_449 : i32
        %sign3A_451 = arith.extui %sign3A_450 : i1 to i32
        %sign3A_452 = arith.constant 0 : i32
        %sign3A_453 = arith.cmpi slt, %add3A_446, %sign3A_452 : i32
        %sign3A_454 = arith.extui %sign3A_453 : i1 to i32
        %sign3A_455 = arith.subi %sign3A_451, %sign3A_454 : i32
        %sign3A_456 = arith.constant 0 : i32
        %sign3A_457 = arith.cmpi sgt, %jit3A_447, %sign3A_456 : i32
        %sign3A_458 = arith.extui %sign3A_457 : i1 to i32
        %sign3A_459 = arith.constant 0 : i32
        %sign3A_460 = arith.cmpi slt, %jit3A_447, %sign3A_459 : i32
        %sign3A_461 = arith.extui %sign3A_460 : i1 to i32
        %sign3A_462 = arith.subi %sign3A_458, %sign3A_461 : i32
        %ne3A_463 = arith.cmpi ne, %sign3A_455, %sign3A_462 : i32
        %rem3A_464 = arith.remsi %add3A_446, %jit3A_447 : i32
        %ne3A_465 = arith.constant 0 : i32
        %ne3A_466 = arith.cmpi ne, %rem3A_464, %ne3A_465 : i32
        %and3A_467 = arith.andi %ne3A_463, %ne3A_466 : i1
        %sub3A_468 = arith.constant 1 : i32
        %sub3A_469 = arith.subi %div3A_448, %sub3A_468 : i32
        %select_n3A_470 = arith.select %and3A_467, %sub3A_469, %div3A_448 : i32
        %jit3A_471 = arith.constant 3 : i32
        %eq3A_472 = arith.constant 0 : i32
        %eq3A_473 = arith.cmpi eq, %jit3A_471, %eq3A_472 : i32
        %jit3A_474 = arith.constant 1 : i32
        %select_n3A_475 = arith.select %eq3A_473, %jit3A_474, %jit3A_471 : i32
        %rem3A_476 = arith.remsi %add3A_446, %select_n3A_475 : i32
        %ne3A_477 = arith.constant 0 : i32
        %ne3A_478 = arith.cmpi ne, %rem3A_476, %ne3A_477 : i32
        %lt3A_479 = arith.constant 0 : i32
        %lt3A_480 = arith.cmpi slt, %rem3A_476, %lt3A_479 : i32
        %lt3A_481 = arith.constant 0 : i32
        %lt3A_482 = arith.cmpi slt, %select_n3A_475, %lt3A_481 : i32
        %ne3A_483 = arith.xori %lt3A_480, %lt3A_482 : i1
        %and3A_484 = arith.andi %ne3A_483, %ne3A_478 : i1
        %add3A_485 = arith.addi %rem3A_476, %select_n3A_475 : i32
        %select_n3A_486 = arith.select %and3A_484, %add3A_485, %rem3A_476 : i32
        %dma_wait3A_487 = arith.constant 0 : i32
        %dma_wait3A_488 = arith.constant 0 : i32
        %dma_wait3A_489 = tpu.memref_slice %arg3[%select_n3A_470, %select_n3A_486, %dma_wait3A_487, %dma_wait3A_488] : memref<16x3x512x512xf32, #tpu.memory_space<hbm>> -> memref<1x1x16x512xf32, #tpu.memory_space<hbm>>
        %dma_wait3A_490 = tpu.memref_squeeze %dma_wait3A_489 : memref<1x1x16x512xf32, #tpu.memory_space<hbm>> -> memref<16x512xf32, #tpu.memory_space<hbm>>
        %dma_wait3A_491 = arith.constant 0 : i32
        %dma_wait3A_492 = arith.constant 0 : i32
        %dma_wait3A_493 = tpu.memref_slice %arg3[%select_n3A_470, %select_n3A_486, %dma_wait3A_491, %dma_wait3A_492] : memref<16x3x512x512xf32, #tpu.memory_space<hbm>> -> memref<1x1x16x512xf32, #tpu.memory_space<hbm>>
        %dma_wait3A_494 = tpu.memref_squeeze %dma_wait3A_493 : memref<1x1x16x512xf32, #tpu.memory_space<hbm>> -> memref<16x512xf32, #tpu.memory_space<hbm>>
        tpu.wait_dma2 semaphore(%arg14 : memref<!tpu.dma_semaphore, #tpu.memory_space<semaphore_mem>>) src(%dma_wait3A_494 : memref<16x512xf32, #tpu.memory_space<hbm>>) dst(%arg9 : memref<16x512xf32, #tpu.memory_space<vmem>>)
        %parallel_loop3A_495 = arith.constant 0 : i32
        %parallel_loop3A_496 = arith.constant 512 : i32
        %parallel_loop3A_497 = arith.constant 1 : i32
        scf.for %parallel_loop3A_498 = %parallel_loop3A_495 to %parallel_loop3A_496 step %parallel_loop3A_497  : i32 {
          %parallel_loop3A_499 = arith.constant 5 : i32
          %parallel_loop3A_500 = arith.shrsi %parallel_loop3A_498, %parallel_loop3A_499 : i32
          %parallel_loop3A_501 = arith.constant 31 : i32
          %parallel_loop3A_502 = arith.andi %parallel_loop3A_498, %parallel_loop3A_501 : i32
          %parallel_loop3A_503 = arith.constant 4 : i32
          %parallel_loop3A_504 = arith.shli %parallel_loop3A_502, %parallel_loop3A_503 : i32
          %parallel_loop3A_505 = arith.index_cast %parallel_loop3A_500 : i32 to index
          %parallel_loop3A_506 = arith.index_cast %parallel_loop3A_504 : i32 to index
          %parallel_loop3A_507 = tpu.vector_load %arg8[%parallel_loop3A_505, %parallel_loop3A_506] {strides = array<i32>} : memref<16x512xf32, #tpu.memory_space<vmem>>, vector<16xf32>,
          %parallel_loop3A_508 = arith.constant 2.560000e+02 : f32
          %parallel_loop3A_509 = vector.broadcast %parallel_loop3A_508 : f32 to vector<16xf32>
          %parallel_loop3A_510 = arith.mulf %parallel_loop3A_507, %parallel_loop3A_509 : vector<16xf32>
          %parallel_loop3A_511 = arith.fptosi %parallel_loop3A_510 : vector<16xf32> to vector<16xi32>
          %parallel_loop3A_512 = arith.index_cast %parallel_loop3A_500 : i32 to index
          %parallel_loop3A_513 = arith.index_cast %parallel_loop3A_504 : i32 to index
          %parallel_loop3A_514 = tpu.vector_load %arg9[%parallel_loop3A_512, %parallel_loop3A_513] {strides = array<i32>} : memref<16x512xf32, #tpu.memory_space<vmem>>, vector<16xf32>,
          %parallel_loop3A_515 = arith.constant 2.560000e+02 : f32
          %parallel_loop3A_516 = vector.broadcast %parallel_loop3A_515 : f32 to vector<16xf32>
          %parallel_loop3A_517 = arith.mulf %parallel_loop3A_514, %parallel_loop3A_516 : vector<16xf32>
          %parallel_loop3A_518 = arith.fptosi %parallel_loop3A_517 : vector<16xf32> to vector<16xi32>
          %parallel_loop3A_519 = arith.constant 256 : i32
          %parallel_loop3A_520 = vector.broadcast %parallel_loop3A_519 : i32 to vector<16xi32>
          %parallel_loop3A_521 = arith.muli %parallel_loop3A_511, %parallel_loop3A_520 : vector<16xi32>
          %parallel_loop3A_522 = arith.addi %parallel_loop3A_521, %parallel_loop3A_518 : vector<16xi32>
          %parallel_loop3A_523 = arith.constant true
          %parallel_loop3A_524 = vector.broadcast %parallel_loop3A_523 : i1 to vector<16xi1>
          %parallel_loop3A_525, %parallel_loop3A_526 = tpu.scan_count mask(%parallel_loop3A_524 : vector<16xi1>) value(%parallel_loop3A_522 : vector<16xi32>) : vector<16xi1>, vector<16xi32>
          tpu.vector_store_idx %arg10[%parallel_loop3A_522], %parallel_loop3A_526 masked %parallel_loop3A_525 {add = true} : memref<65536xi32, #tpu.memory_space<vmem>>[vector<16xi32>], vector<16xi32>, vector<16xi1>
        } {sc.loop_unroll_factor = 8 : i64, sc.parallel_access}
      }
      %scan3A_104 = arith.constant 48 : i32
    } else {
    }
    %eq3A_3 = arith.constant 1 : i32
    %eq3A_4 = arith.cmpi eq, %arg0, %eq3A_3 : i32
    %convert_element_type3A_5 = arith.extui %eq3A_4 : i1 to i32
    %cond3A_6 = arith.constant 0 : i32
    %cond3A_7 = arith.cmpi ne, %convert_element_type3A_5, %cond3A_6 : i32
    scf.if %cond3A_7 {
      %add3A = arith.constant 0 : i32
      %add3A_8 = arith.addi %mul3A_0, %add3A : i32
      %jit3A = arith.constant 3 : i32
      %div3A = arith.divsi %add3A_8, %jit3A : i32
      %sign3A = arith.constant 0 : i32
      %sign3A_9 = arith.cmpi sgt, %add3A_8, %sign3A : i32
      %sign3A_10 = arith.extui %sign3A_9 : i1 to i32
      %sign3A_11 = arith.constant 0 : i32
      %sign3A_12 = arith.cmpi slt, %add3A_8, %sign3A_11 : i32
      %sign3A_13 = arith.extui %sign3A_12 : i1 to i32
      %sign3A_14 = arith.subi %sign3A_10, %sign3A_13 : i32
      %sign3A_15 = arith.constant 0 : i32
      %sign3A_16 = arith.cmpi sgt, %jit3A, %sign3A_15 : i32
      %sign3A_17 = arith.extui %sign3A_16 : i1 to i32
      %sign3A_18 = arith.constant 0 : i32
      %sign3A_19 = arith.cmpi slt, %jit3A, %sign3A_18 : i32
      %sign3A_20 = arith.extui %sign3A_19 : i1 to i32
      %sign3A_21 = arith.subi %sign3A_17, %sign3A_20 : i32
      %ne3A = arith.cmpi ne, %sign3A_14, %sign3A_21 : i32
      %rem3A = arith.remsi %add3A_8, %jit3A : i32
      %ne3A_22 = arith.constant 0 : i32
      %ne3A_23 = arith.cmpi ne, %rem3A, %ne3A_22 : i32
      %and3A = arith.andi %ne3A, %ne3A_23 : i1
      %sub3A = arith.constant 1 : i32
      %sub3A_24 = arith.subi %div3A, %sub3A : i32
      %select_n3A = arith.select %and3A, %sub3A_24, %div3A : i32
      %jit3A_25 = arith.constant 3 : i32
      %eq3A_26 = arith.constant 0 : i32
      %eq3A_27 = arith.cmpi eq, %jit3A_25, %eq3A_26 : i32
      %jit3A_28 = arith.constant 1 : i32
      %select_n3A_29 = arith.select %eq3A_27, %jit3A_28, %jit3A_25 : i32
      %rem3A_30 = arith.remsi %add3A_8, %select_n3A_29 : i32
      %ne3A_31 = arith.constant 0 : i32
      %ne3A_32 = arith.cmpi ne, %rem3A_30, %ne3A_31 : i32
      %lt3A = arith.constant 0 : i32
      %lt3A_33 = arith.cmpi slt, %rem3A_30, %lt3A : i32
      %lt3A_34 = arith.constant 0 : i32
      %lt3A_35 = arith.cmpi slt, %select_n3A_29, %lt3A_34 : i32
      %ne3A_36 = arith.xori %lt3A_33, %lt3A_35 : i1
      %and3A_37 = arith.andi %ne3A_36, %ne3A_32 : i1
      %add3A_38 = arith.addi %rem3A_30, %select_n3A_29 : i32
      %select_n3A_39 = arith.select %and3A_37, %add3A_38, %rem3A_30 : i32
      %dma_start3A = arith.constant 0 : i32
      %dma_start3A_40 = arith.constant 0 : i32
      %dma_start3A_41 = tpu.memref_slice %arg2[%select_n3A, %select_n3A_39, %dma_start3A, %dma_start3A_40] : memref<16x3x512x512xf32, #tpu.memory_space<hbm>> -> memref<1x1x16x512xf32, #tpu.memory_space<hbm>>
      %dma_start3A_42 = tpu.memref_squeeze %dma_start3A_41 : memref<1x1x16x512xf32, #tpu.memory_space<hbm>> -> memref<16x512xf32, #tpu.memory_space<hbm>>
      %dma_start3A_43 = arith.constant 0 : i32
      %dma_start3A_44 = arith.constant 0 : i32
      %dma_start3A_45 = tpu.memref_slice %arg2[%select_n3A, %select_n3A_39, %dma_start3A_43, %dma_start3A_44] : memref<16x3x512x512xf32, #tpu.memory_space<hbm>> -> memref<1x1x16x512xf32, #tpu.memory_space<hbm>>
      %dma_start3A_46 = tpu.memref_squeeze %dma_start3A_45 : memref<1x1x16x512xf32, #tpu.memory_space<hbm>> -> memref<16x512xf32, #tpu.memory_space<hbm>>
      tpu.enqueue_dma source(%dma_start3A_46 : memref<16x512xf32, #tpu.memory_space<hbm>>) target(%arg6 : memref<16x512xf32, #tpu.memory_space<vmem>>) target_semaphore(%arg11 : memref<!tpu.dma_semaphore, #tpu.memory_space<semaphore_mem>>)
      %add3A_47 = arith.constant 0 : i32
      %add3A_48 = arith.addi %mul3A_0, %add3A_47 : i32
      %jit3A_49 = arith.constant 3 : i32
      %div3A_50 = arith.divsi %add3A_48, %jit3A_49 : i32
      %sign3A_51 = arith.constant 0 : i32
      %sign3A_52 = arith.cmpi sgt, %add3A_48, %sign3A_51 : i32
      %sign3A_53 = arith.extui %sign3A_52 : i1 to i32
      %sign3A_54 = arith.constant 0 : i32
      %sign3A_55 = arith.cmpi slt, %add3A_48, %sign3A_54 : i32
      %sign3A_56 = arith.extui %sign3A_55 : i1 to i32
      %sign3A_57 = arith.subi %sign3A_53, %sign3A_56 : i32
      %sign3A_58 = arith.constant 0 : i32
      %sign3A_59 = arith.cmpi sgt, %jit3A_49, %sign3A_58 : i32
      %sign3A_60 = arith.extui %sign3A_59 : i1 to i32
      %sign3A_61 = arith.constant 0 : i32
      %sign3A_62 = arith.cmpi slt, %jit3A_49, %sign3A_61 : i32
      %sign3A_63 = arith.extui %sign3A_62 : i1 to i32
      %sign3A_64 = arith.subi %sign3A_60, %sign3A_63 : i32
      %ne3A_65 = arith.cmpi ne, %sign3A_57, %sign3A_64 : i32
      %rem3A_66 = arith.remsi %add3A_48, %jit3A_49 : i32
      %ne3A_67 = arith.constant 0 : i32
      %ne3A_68 = arith.cmpi ne, %rem3A_66, %ne3A_67 : i32
      %and3A_69 = arith.andi %ne3A_65, %ne3A_68 : i1
      %sub3A_70 = arith.constant 1 : i32
      %sub3A_71 = arith.subi %div3A_50, %sub3A_70 : i32
      %select_n3A_72 = arith.select %and3A_69, %sub3A_71, %div3A_50 : i32
      %jit3A_73 = arith.constant 3 : i32
      %eq3A_74 = arith.constant 0 : i32
      %eq3A_75 = arith.cmpi eq, %jit3A_73, %eq3A_74 : i32
      %jit3A_76 = arith.constant 1 : i32
      %select_n3A_77 = arith.select %eq3A_75, %jit3A_76, %jit3A_73 : i32
      %rem3A_78 = arith.remsi %add3A_48, %select_n3A_77 : i32
      %ne3A_79 = arith.constant 0 : i32
      %ne3A_80 = arith.cmpi ne, %rem3A_78, %ne3A_79 : i32
      %lt3A_81 = arith.constant 0 : i32
      %lt3A_82 = arith.cmpi slt, %rem3A_78, %lt3A_81 : i32
      %lt3A_83 = arith.constant 0 : i32
      %lt3A_84 = arith.cmpi slt, %select_n3A_77, %lt3A_83 : i32
      %ne3A_85 = arith.xori %lt3A_82, %lt3A_84 : i1
      %and3A_86 = arith.andi %ne3A_85, %ne3A_80 : i1
      %add3A_87 = arith.addi %rem3A_78, %select_n3A_77 : i32
      %select_n3A_88 = arith.select %and3A_86, %add3A_87, %rem3A_78 : i32
      %dma_start3A_89 = arith.constant 0 : i32
      %dma_start3A_90 = arith.constant 0 : i32
      %dma_start3A_91 = tpu.memref_slice %arg4[%select_n3A_72, %select_n3A_88, %dma_start3A_89, %dma_start3A_90] : memref<16x3x512x512xf32, #tpu.memory_space<hbm>> -> memref<1x1x16x512xf32, #tpu.memory_space<hbm>>
      %dma_start3A_92 = tpu.memref_squeeze %dma_start3A_91 : memref<1x1x16x512xf32, #tpu.memory_space<hbm>> -> memref<16x512xf32, #tpu.memory_space<hbm>>
      %dma_start3A_93 = arith.constant 0 : i32
      %dma_start3A_94 = arith.constant 0 : i32
      %dma_start3A_95 = tpu.memref_slice %arg4[%select_n3A_72, %select_n3A_88, %dma_start3A_93, %dma_start3A_94] : memref<16x3x512x512xf32, #tpu.memory_space<hbm>> -> memref<1x1x16x512xf32, #tpu.memory_space<hbm>>
      %dma_start3A_96 = tpu.memref_squeeze %dma_start3A_95 : memref<1x1x16x512xf32, #tpu.memory_space<hbm>> -> memref<16x512xf32, #tpu.memory_space<hbm>>
      tpu.enqueue_dma source(%dma_start3A_96 : memref<16x512xf32, #tpu.memory_space<hbm>>) target(%arg7 : memref<16x512xf32, #tpu.memory_space<vmem>>) target_semaphore(%arg12 : memref<!tpu.dma_semaphore, #tpu.memory_space<semaphore_mem>>)
      %broadcast_in_dim3A = arith.constant 0 : i32
      %broadcast_in_dim3A_97 = vector.broadcast %broadcast_in_dim3A : i32 to vector<16xi32>
      %parallel_loop3A = arith.constant 0 : i32
      %parallel_loop3A_98 = arith.constant 65536 : i32
      %parallel_loop3A_99 = arith.constant 16 : i32
      scf.for %parallel_loop3A_105 = %parallel_loop3A to %parallel_loop3A_98 step %parallel_loop3A_99  : i32 {
        %parallel_loop3A_106 = arith.index_cast %parallel_loop3A_105 : i32 to index
        %parallel_loop3A_107 = tpu.vector_load %arg10[%parallel_loop3A_106] {strides = array<i32>} : memref<65536xi32, #tpu.memory_space<vmem>>, vector<16xi32>,
        tpu.vector_store %arg10[%parallel_loop3A_106], %broadcast_in_dim3A_97 {strides = array<i32>} : memref<65536xi32, #tpu.memory_space<vmem>>, vector<16xi32>,
      } {sc.loop_unroll_factor = 8 : i64, sc.parallel_access}
      %scan3A = arith.constant 0 : i32
      %scan3A_100 = arith.constant 0 : i32
      %scan3A_101 = arith.constant 48 : i32
      %scan3A_102 = arith.addi %scan3A_100, %scan3A_101 : i32
      %scan3A_103 = arith.constant 1 : i32
      scf.for %scan3A_105 = %scan3A_100 to %scan3A_102 step %scan3A_103  : i32 {
        %mul3A_106 = arith.constant 2 : i32
        %mul3A_107 = arith.muli %mul3A_106, %scan3A_105 : i32
        %add3A_108 = arith.constant 1 : i32
        %add3A_109 = arith.addi %mul3A_107, %add3A_108 : i32
        %jit3A_110 = arith.constant 32 : i32
        %div3A_111 = arith.divsi %add3A_109, %jit3A_110 : i32
        %sign3A_112 = arith.constant 0 : i32
        %sign3A_113 = arith.cmpi sgt, %add3A_109, %sign3A_112 : i32
        %sign3A_114 = arith.extui %sign3A_113 : i1 to i32
        %sign3A_115 = arith.constant 0 : i32
        %sign3A_116 = arith.cmpi slt, %add3A_109, %sign3A_115 : i32
        %sign3A_117 = arith.extui %sign3A_116 : i1 to i32
        %sign3A_118 = arith.subi %sign3A_114, %sign3A_117 : i32
        %sign3A_119 = arith.constant 0 : i32
        %sign3A_120 = arith.cmpi sgt, %jit3A_110, %sign3A_119 : i32
        %sign3A_121 = arith.extui %sign3A_120 : i1 to i32
        %sign3A_122 = arith.constant 0 : i32
        %sign3A_123 = arith.cmpi slt, %jit3A_110, %sign3A_122 : i32
        %sign3A_124 = arith.extui %sign3A_123 : i1 to i32
        %sign3A_125 = arith.subi %sign3A_121, %sign3A_124 : i32
        %ne3A_126 = arith.cmpi ne, %sign3A_118, %sign3A_125 : i32
        %rem3A_127 = arith.remsi %add3A_109, %jit3A_110 : i32
        %ne3A_128 = arith.constant 0 : i32
        %ne3A_129 = arith.cmpi ne, %rem3A_127, %ne3A_128 : i32
        %and3A_130 = arith.andi %ne3A_126, %ne3A_129 : i1
        %sub3A_131 = arith.constant 1 : i32
        %sub3A_132 = arith.subi %div3A_111, %sub3A_131 : i32
        %select_n3A_133 = arith.select %and3A_130, %sub3A_132, %div3A_111 : i32
        %add3A_134 = arith.addi %mul3A_0, %select_n3A_133 : i32
        %jit3A_135 = arith.constant 32 : i32
        %eq3A_136 = arith.constant 0 : i32
        %eq3A_137 = arith.cmpi eq, %jit3A_135, %eq3A_136 : i32
        %jit3A_138 = arith.constant 1 : i32
        %select_n3A_139 = arith.select %eq3A_137, %jit3A_138, %jit3A_135 : i32
        %rem3A_140 = arith.remsi %add3A_109, %select_n3A_139 : i32
        %ne3A_141 = arith.constant 0 : i32
        %ne3A_142 = arith.cmpi ne, %rem3A_140, %ne3A_141 : i32
        %lt3A_143 = arith.constant 0 : i32
        %lt3A_144 = arith.cmpi slt, %rem3A_140, %lt3A_143 : i32
        %lt3A_145 = arith.constant 0 : i32
        %lt3A_146 = arith.cmpi slt, %select_n3A_139, %lt3A_145 : i32
        %ne3A_147 = arith.xori %lt3A_144, %lt3A_146 : i1
        %and3A_148 = arith.andi %ne3A_147, %ne3A_142 : i1
        %add3A_149 = arith.addi %rem3A_140, %select_n3A_139 : i32
        %select_n3A_150 = arith.select %and3A_148, %add3A_149, %rem3A_140 : i32
        %mul3A_151 = arith.constant 16 : i32
        %mul3A_152 = arith.muli %select_n3A_150, %mul3A_151 : i32
        %jit3A_153 = arith.constant 3 : i32
        %div3A_154 = arith.divsi %add3A_134, %jit3A_153 : i32
        %sign3A_155 = arith.constant 0 : i32
        %sign3A_156 = arith.cmpi sgt, %add3A_134, %sign3A_155 : i32
        %sign3A_157 = arith.extui %sign3A_156 : i1 to i32
        %sign3A_158 = arith.constant 0 : i32
        %sign3A_159 = arith.cmpi slt, %add3A_134, %sign3A_158 : i32
        %sign3A_160 = arith.extui %sign3A_159 : i1 to i32
        %sign3A_161 = arith.subi %sign3A_157, %sign3A_160 : i32
        %sign3A_162 = arith.constant 0 : i32
        %sign3A_163 = arith.cmpi sgt, %jit3A_153, %sign3A_162 : i32
        %sign3A_164 = arith.extui %sign3A_163 : i1 to i32
        %sign3A_165 = arith.constant 0 : i32
        %sign3A_166 = arith.cmpi slt, %jit3A_153, %sign3A_165 : i32
        %sign3A_167 = arith.extui %sign3A_166 : i1 to i32
        %sign3A_168 = arith.subi %sign3A_164, %sign3A_167 : i32
        %ne3A_169 = arith.cmpi ne, %sign3A_161, %sign3A_168 : i32
        %rem3A_170 = arith.remsi %add3A_134, %jit3A_153 : i32
        %ne3A_171 = arith.constant 0 : i32
        %ne3A_172 = arith.cmpi ne, %rem3A_170, %ne3A_171 : i32
        %and3A_173 = arith.andi %ne3A_169, %ne3A_172 : i1
        %sub3A_174 = arith.constant 1 : i32
        %sub3A_175 = arith.subi %div3A_154, %sub3A_174 : i32
        %select_n3A_176 = arith.select %and3A_173, %sub3A_175, %div3A_154 : i32
        %jit3A_177 = arith.constant 3 : i32
        %eq3A_178 = arith.constant 0 : i32
        %eq3A_179 = arith.cmpi eq, %jit3A_177, %eq3A_178 : i32
        %jit3A_180 = arith.constant 1 : i32
        %select_n3A_181 = arith.select %eq3A_179, %jit3A_180, %jit3A_177 : i32
        %rem3A_182 = arith.remsi %add3A_134, %select_n3A_181 : i32
        %ne3A_183 = arith.constant 0 : i32
        %ne3A_184 = arith.cmpi ne, %rem3A_182, %ne3A_183 : i32
        %lt3A_185 = arith.constant 0 : i32
        %lt3A_186 = arith.cmpi slt, %rem3A_182, %lt3A_185 : i32
        %lt3A_187 = arith.constant 0 : i32
        %lt3A_188 = arith.cmpi slt, %select_n3A_181, %lt3A_187 : i32
        %ne3A_189 = arith.xori %lt3A_186, %lt3A_188 : i1
        %and3A_190 = arith.andi %ne3A_189, %ne3A_184 : i1
        %add3A_191 = arith.addi %rem3A_182, %select_n3A_181 : i32
        %select_n3A_192 = arith.select %and3A_190, %add3A_191, %rem3A_182 : i32
        %dma_start3A_193 = arith.constant 0 : i32
        %dma_start3A_194 = tpu.memref_slice %arg2[%select_n3A_176, %select_n3A_192, %mul3A_152, %dma_start3A_193] : memref<16x3x512x512xf32, #tpu.memory_space<hbm>> -> memref<1x1x16x512xf32, #tpu.memory_space<hbm>>
        %dma_start3A_195 = tpu.memref_squeeze %dma_start3A_194 : memref<1x1x16x512xf32, #tpu.memory_space<hbm>> -> memref<16x512xf32, #tpu.memory_space<hbm>>
        %dma_start3A_196 = arith.constant 0 : i32
        %dma_start3A_197 = tpu.memref_slice %arg2[%select_n3A_176, %select_n3A_192, %mul3A_152, %dma_start3A_196] : memref<16x3x512x512xf32, #tpu.memory_space<hbm>> -> memref<1x1x16x512xf32, #tpu.memory_space<hbm>>
        %dma_start3A_198 = tpu.memref_squeeze %dma_start3A_197 : memref<1x1x16x512xf32, #tpu.memory_space<hbm>> -> memref<16x512xf32, #tpu.memory_space<hbm>>
        tpu.enqueue_dma source(%dma_start3A_198 : memref<16x512xf32, #tpu.memory_space<hbm>>) target(%arg8 : memref<16x512xf32, #tpu.memory_space<vmem>>) target_semaphore(%arg13 : memref<!tpu.dma_semaphore, #tpu.memory_space<semaphore_mem>>)
        %jit3A_199 = arith.constant 32 : i32
        %div3A_200 = arith.divsi %add3A_109, %jit3A_199 : i32
        %sign3A_201 = arith.constant 0 : i32
        %sign3A_202 = arith.cmpi sgt, %add3A_109, %sign3A_201 : i32
        %sign3A_203 = arith.extui %sign3A_202 : i1 to i32
        %sign3A_204 = arith.constant 0 : i32
        %sign3A_205 = arith.cmpi slt, %add3A_109, %sign3A_204 : i32
        %sign3A_206 = arith.extui %sign3A_205 : i1 to i32
        %sign3A_207 = arith.subi %sign3A_203, %sign3A_206 : i32
        %sign3A_208 = arith.constant 0 : i32
        %sign3A_209 = arith.cmpi sgt, %jit3A_199, %sign3A_208 : i32
        %sign3A_210 = arith.extui %sign3A_209 : i1 to i32
        %sign3A_211 = arith.constant 0 : i32
        %sign3A_212 = arith.cmpi slt, %jit3A_199, %sign3A_211 : i32
        %sign3A_213 = arith.extui %sign3A_212 : i1 to i32
        %sign3A_214 = arith.subi %sign3A_210, %sign3A_213 : i32
        %ne3A_215 = arith.cmpi ne, %sign3A_207, %sign3A_214 : i32
        %rem3A_216 = arith.remsi %add3A_109, %jit3A_199 : i32
        %ne3A_217 = arith.constant 0 : i32
        %ne3A_218 = arith.cmpi ne, %rem3A_216, %ne3A_217 : i32
        %and3A_219 = arith.andi %ne3A_215, %ne3A_218 : i1
        %sub3A_220 = arith.constant 1 : i32
        %sub3A_221 = arith.subi %div3A_200, %sub3A_220 : i32
        %select_n3A_222 = arith.select %and3A_219, %sub3A_221, %div3A_200 : i32
        %add3A_223 = arith.addi %mul3A_0, %select_n3A_222 : i32
        %jit3A_224 = arith.constant 32 : i32
        %eq3A_225 = arith.constant 0 : i32
        %eq3A_226 = arith.cmpi eq, %jit3A_224, %eq3A_225 : i32
        %jit3A_227 = arith.constant 1 : i32
        %select_n3A_228 = arith.select %eq3A_226, %jit3A_227, %jit3A_224 : i32
        %rem3A_229 = arith.remsi %add3A_109, %select_n3A_228 : i32
        %ne3A_230 = arith.constant 0 : i32
        %ne3A_231 = arith.cmpi ne, %rem3A_229, %ne3A_230 : i32
        %lt3A_232 = arith.constant 0 : i32
        %lt3A_233 = arith.cmpi slt, %rem3A_229, %lt3A_232 : i32
        %lt3A_234 = arith.constant 0 : i32
        %lt3A_235 = arith.cmpi slt, %select_n3A_228, %lt3A_234 : i32
        %ne3A_236 = arith.xori %lt3A_233, %lt3A_235 : i1
        %and3A_237 = arith.andi %ne3A_236, %ne3A_231 : i1
        %add3A_238 = arith.addi %rem3A_229, %select_n3A_228 : i32
        %select_n3A_239 = arith.select %and3A_237, %add3A_238, %rem3A_229 : i32
        %mul3A_240 = arith.constant 16 : i32
        %mul3A_241 = arith.muli %select_n3A_239, %mul3A_240 : i32
        %jit3A_242 = arith.constant 3 : i32
        %div3A_243 = arith.divsi %add3A_223, %jit3A_242 : i32
        %sign3A_244 = arith.constant 0 : i32
        %sign3A_245 = arith.cmpi sgt, %add3A_223, %sign3A_244 : i32
        %sign3A_246 = arith.extui %sign3A_245 : i1 to i32
        %sign3A_247 = arith.constant 0 : i32
        %sign3A_248 = arith.cmpi slt, %add3A_223, %sign3A_247 : i32
        %sign3A_249 = arith.extui %sign3A_248 : i1 to i32
        %sign3A_250 = arith.subi %sign3A_246, %sign3A_249 : i32
        %sign3A_251 = arith.constant 0 : i32
        %sign3A_252 = arith.cmpi sgt, %jit3A_242, %sign3A_251 : i32
        %sign3A_253 = arith.extui %sign3A_252 : i1 to i32
        %sign3A_254 = arith.constant 0 : i32
        %sign3A_255 = arith.cmpi slt, %jit3A_242, %sign3A_254 : i32
        %sign3A_256 = arith.extui %sign3A_255 : i1 to i32
        %sign3A_257 = arith.subi %sign3A_253, %sign3A_256 : i32
        %ne3A_258 = arith.cmpi ne, %sign3A_250, %sign3A_257 : i32
        %rem3A_259 = arith.remsi %add3A_223, %jit3A_242 : i32
        %ne3A_260 = arith.constant 0 : i32
        %ne3A_261 = arith.cmpi ne, %rem3A_259, %ne3A_260 : i32
        %and3A_262 = arith.andi %ne3A_258, %ne3A_261 : i1
        %sub3A_263 = arith.constant 1 : i32
        %sub3A_264 = arith.subi %div3A_243, %sub3A_263 : i32
        %select_n3A_265 = arith.select %and3A_262, %sub3A_264, %div3A_243 : i32
        %jit3A_266 = arith.constant 3 : i32
        %eq3A_267 = arith.constant 0 : i32
        %eq3A_268 = arith.cmpi eq, %jit3A_266, %eq3A_267 : i32
        %jit3A_269 = arith.constant 1 : i32
        %select_n3A_270 = arith.select %eq3A_268, %jit3A_269, %jit3A_266 : i32
        %rem3A_271 = arith.remsi %add3A_223, %select_n3A_270 : i32
        %ne3A_272 = arith.constant 0 : i32
        %ne3A_273 = arith.cmpi ne, %rem3A_271, %ne3A_272 : i32
        %lt3A_274 = arith.constant 0 : i32
        %lt3A_275 = arith.cmpi slt, %rem3A_271, %lt3A_274 : i32
        %lt3A_276 = arith.constant 0 : i32
        %lt3A_277 = arith.cmpi slt, %select_n3A_270, %lt3A_276 : i32
        %ne3A_278 = arith.xori %lt3A_275, %lt3A_277 : i1
        %and3A_279 = arith.andi %ne3A_278, %ne3A_273 : i1
        %add3A_280 = arith.addi %rem3A_271, %select_n3A_270 : i32
        %select_n3A_281 = arith.select %and3A_279, %add3A_280, %rem3A_271 : i32
        %dma_start3A_282 = arith.constant 0 : i32
        %dma_start3A_283 = tpu.memref_slice %arg4[%select_n3A_265, %select_n3A_281, %mul3A_241, %dma_start3A_282] : memref<16x3x512x512xf32, #tpu.memory_space<hbm>> -> memref<1x1x16x512xf32, #tpu.memory_space<hbm>>
        %dma_start3A_284 = tpu.memref_squeeze %dma_start3A_283 : memref<1x1x16x512xf32, #tpu.memory_space<hbm>> -> memref<16x512xf32, #tpu.memory_space<hbm>>
        %dma_start3A_285 = arith.constant 0 : i32
        %dma_start3A_286 = tpu.memref_slice %arg4[%select_n3A_265, %select_n3A_281, %mul3A_241, %dma_start3A_285] : memref<16x3x512x512xf32, #tpu.memory_space<hbm>> -> memref<1x1x16x512xf32, #tpu.memory_space<hbm>>
        %dma_start3A_287 = tpu.memref_squeeze %dma_start3A_286 : memref<1x1x16x512xf32, #tpu.memory_space<hbm>> -> memref<16x512xf32, #tpu.memory_space<hbm>>
        tpu.enqueue_dma source(%dma_start3A_287 : memref<16x512xf32, #tpu.memory_space<hbm>>) target(%arg9 : memref<16x512xf32, #tpu.memory_space<vmem>>) target_semaphore(%arg14 : memref<!tpu.dma_semaphore, #tpu.memory_space<semaphore_mem>>)
        %add3A_288 = arith.constant 0 : i32
        %add3A_289 = arith.addi %mul3A_0, %add3A_288 : i32
        %jit3A_290 = arith.constant 3 : i32
        %div3A_291 = arith.divsi %add3A_289, %jit3A_290 : i32
        %sign3A_292 = arith.constant 0 : i32
        %sign3A_293 = arith.cmpi sgt, %add3A_289, %sign3A_292 : i32
        %sign3A_294 = arith.extui %sign3A_293 : i1 to i32
        %sign3A_295 = arith.constant 0 : i32
        %sign3A_296 = arith.cmpi slt, %add3A_289, %sign3A_295 : i32
        %sign3A_297 = arith.extui %sign3A_296 : i1 to i32
        %sign3A_298 = arith.subi %sign3A_294, %sign3A_297 : i32
        %sign3A_299 = arith.constant 0 : i32
        %sign3A_300 = arith.cmpi sgt, %jit3A_290, %sign3A_299 : i32
        %sign3A_301 = arith.extui %sign3A_300 : i1 to i32
        %sign3A_302 = arith.constant 0 : i32
        %sign3A_303 = arith.cmpi slt, %jit3A_290, %sign3A_302 : i32
        %sign3A_304 = arith.extui %sign3A_303 : i1 to i32
        %sign3A_305 = arith.subi %sign3A_301, %sign3A_304 : i32
        %ne3A_306 = arith.cmpi ne, %sign3A_298, %sign3A_305 : i32
        %rem3A_307 = arith.remsi %add3A_289, %jit3A_290 : i32
        %ne3A_308 = arith.constant 0 : i32
        %ne3A_309 = arith.cmpi ne, %rem3A_307, %ne3A_308 : i32
        %and3A_310 = arith.andi %ne3A_306, %ne3A_309 : i1
        %sub3A_311 = arith.constant 1 : i32
        %sub3A_312 = arith.subi %div3A_291, %sub3A_311 : i32
        %select_n3A_313 = arith.select %and3A_310, %sub3A_312, %div3A_291 : i32
        %jit3A_314 = arith.constant 3 : i32
        %eq3A_315 = arith.constant 0 : i32
        %eq3A_316 = arith.cmpi eq, %jit3A_314, %eq3A_315 : i32
        %jit3A_317 = arith.constant 1 : i32
        %select_n3A_318 = arith.select %eq3A_316, %jit3A_317, %jit3A_314 : i32
        %rem3A_319 = arith.remsi %add3A_289, %select_n3A_318 : i32
        %ne3A_320 = arith.constant 0 : i32
        %ne3A_321 = arith.cmpi ne, %rem3A_319, %ne3A_320 : i32
        %lt3A_322 = arith.constant 0 : i32
        %lt3A_323 = arith.cmpi slt, %rem3A_319, %lt3A_322 : i32
        %lt3A_324 = arith.constant 0 : i32
        %lt3A_325 = arith.cmpi slt, %select_n3A_318, %lt3A_324 : i32
        %ne3A_326 = arith.xori %lt3A_323, %lt3A_325 : i1
        %and3A_327 = arith.andi %ne3A_326, %ne3A_321 : i1
        %add3A_328 = arith.addi %rem3A_319, %select_n3A_318 : i32
        %select_n3A_329 = arith.select %and3A_327, %add3A_328, %rem3A_319 : i32
        %dma_wait3A = arith.constant 0 : i32
        %dma_wait3A_330 = arith.constant 0 : i32
        %dma_wait3A_331 = tpu.memref_slice %arg2[%select_n3A_313, %select_n3A_329, %dma_wait3A, %dma_wait3A_330] : memref<16x3x512x512xf32, #tpu.memory_space<hbm>> -> memref<1x1x16x512xf32, #tpu.memory_space<hbm>>
        %dma_wait3A_332 = tpu.memref_squeeze %dma_wait3A_331 : memref<1x1x16x512xf32, #tpu.memory_space<hbm>> -> memref<16x512xf32, #tpu.memory_space<hbm>>
        %dma_wait3A_333 = arith.constant 0 : i32
        %dma_wait3A_334 = arith.constant 0 : i32
        %dma_wait3A_335 = tpu.memref_slice %arg2[%select_n3A_313, %select_n3A_329, %dma_wait3A_333, %dma_wait3A_334] : memref<16x3x512x512xf32, #tpu.memory_space<hbm>> -> memref<1x1x16x512xf32, #tpu.memory_space<hbm>>
        %dma_wait3A_336 = tpu.memref_squeeze %dma_wait3A_335 : memref<1x1x16x512xf32, #tpu.memory_space<hbm>> -> memref<16x512xf32, #tpu.memory_space<hbm>>
        tpu.wait_dma2 semaphore(%arg11 : memref<!tpu.dma_semaphore, #tpu.memory_space<semaphore_mem>>) src(%dma_wait3A_336 : memref<16x512xf32, #tpu.memory_space<hbm>>) dst(%arg6 : memref<16x512xf32, #tpu.memory_space<vmem>>)
        %add3A_337 = arith.constant 0 : i32
        %add3A_338 = arith.addi %mul3A_0, %add3A_337 : i32
        %jit3A_339 = arith.constant 3 : i32
        %div3A_340 = arith.divsi %add3A_338, %jit3A_339 : i32
        %sign3A_341 = arith.constant 0 : i32
        %sign3A_342 = arith.cmpi sgt, %add3A_338, %sign3A_341 : i32
        %sign3A_343 = arith.extui %sign3A_342 : i1 to i32
        %sign3A_344 = arith.constant 0 : i32
        %sign3A_345 = arith.cmpi slt, %add3A_338, %sign3A_344 : i32
        %sign3A_346 = arith.extui %sign3A_345 : i1 to i32
        %sign3A_347 = arith.subi %sign3A_343, %sign3A_346 : i32
        %sign3A_348 = arith.constant 0 : i32
        %sign3A_349 = arith.cmpi sgt, %jit3A_339, %sign3A_348 : i32
        %sign3A_350 = arith.extui %sign3A_349 : i1 to i32
        %sign3A_351 = arith.constant 0 : i32
        %sign3A_352 = arith.cmpi slt, %jit3A_339, %sign3A_351 : i32
        %sign3A_353 = arith.extui %sign3A_352 : i1 to i32
        %sign3A_354 = arith.subi %sign3A_350, %sign3A_353 : i32
        %ne3A_355 = arith.cmpi ne, %sign3A_347, %sign3A_354 : i32
        %rem3A_356 = arith.remsi %add3A_338, %jit3A_339 : i32
        %ne3A_357 = arith.constant 0 : i32
        %ne3A_358 = arith.cmpi ne, %rem3A_356, %ne3A_357 : i32
        %and3A_359 = arith.andi %ne3A_355, %ne3A_358 : i1
        %sub3A_360 = arith.constant 1 : i32
        %sub3A_361 = arith.subi %div3A_340, %sub3A_360 : i32
        %select_n3A_362 = arith.select %and3A_359, %sub3A_361, %div3A_340 : i32
        %jit3A_363 = arith.constant 3 : i32
        %eq3A_364 = arith.constant 0 : i32
        %eq3A_365 = arith.cmpi eq, %jit3A_363, %eq3A_364 : i32
        %jit3A_366 = arith.constant 1 : i32
        %select_n3A_367 = arith.select %eq3A_365, %jit3A_366, %jit3A_363 : i32
        %rem3A_368 = arith.remsi %add3A_338, %select_n3A_367 : i32
        %ne3A_369 = arith.constant 0 : i32
        %ne3A_370 = arith.cmpi ne, %rem3A_368, %ne3A_369 : i32
        %lt3A_371 = arith.constant 0 : i32
        %lt3A_372 = arith.cmpi slt, %rem3A_368, %lt3A_371 : i32
        %lt3A_373 = arith.constant 0 : i32
        %lt3A_374 = arith.cmpi slt, %select_n3A_367, %lt3A_373 : i32
        %ne3A_375 = arith.xori %lt3A_372, %lt3A_374 : i1
        %and3A_376 = arith.andi %ne3A_375, %ne3A_370 : i1
        %add3A_377 = arith.addi %rem3A_368, %select_n3A_367 : i32
        %select_n3A_378 = arith.select %and3A_376, %add3A_377, %rem3A_368 : i32
        %dma_wait3A_379 = arith.constant 0 : i32
        %dma_wait3A_380 = arith.constant 0 : i32
        %dma_wait3A_381 = tpu.memref_slice %arg4[%select_n3A_362, %select_n3A_378, %dma_wait3A_379, %dma_wait3A_380] : memref<16x3x512x512xf32, #tpu.memory_space<hbm>> -> memref<1x1x16x512xf32, #tpu.memory_space<hbm>>
        %dma_wait3A_382 = tpu.memref_squeeze %dma_wait3A_381 : memref<1x1x16x512xf32, #tpu.memory_space<hbm>> -> memref<16x512xf32, #tpu.memory_space<hbm>>
        %dma_wait3A_383 = arith.constant 0 : i32
        %dma_wait3A_384 = arith.constant 0 : i32
        %dma_wait3A_385 = tpu.memref_slice %arg4[%select_n3A_362, %select_n3A_378, %dma_wait3A_383, %dma_wait3A_384] : memref<16x3x512x512xf32, #tpu.memory_space<hbm>> -> memref<1x1x16x512xf32, #tpu.memory_space<hbm>>
        %dma_wait3A_386 = tpu.memref_squeeze %dma_wait3A_385 : memref<1x1x16x512xf32, #tpu.memory_space<hbm>> -> memref<16x512xf32, #tpu.memory_space<hbm>>
        tpu.wait_dma2 semaphore(%arg12 : memref<!tpu.dma_semaphore, #tpu.memory_space<semaphore_mem>>) src(%dma_wait3A_386 : memref<16x512xf32, #tpu.memory_space<hbm>>) dst(%arg7 : memref<16x512xf32, #tpu.memory_space<vmem>>)
        %parallel_loop3A_387 = arith.constant 0 : i32
        %parallel_loop3A_388 = arith.constant 512 : i32
        %parallel_loop3A_389 = arith.constant 1 : i32
        scf.for %parallel_loop3A_498 = %parallel_loop3A_387 to %parallel_loop3A_388 step %parallel_loop3A_389  : i32 {
          %parallel_loop3A_499 = arith.constant 5 : i32
          %parallel_loop3A_500 = arith.shrsi %parallel_loop3A_498, %parallel_loop3A_499 : i32
          %parallel_loop3A_501 = arith.constant 31 : i32
          %parallel_loop3A_502 = arith.andi %parallel_loop3A_498, %parallel_loop3A_501 : i32
          %parallel_loop3A_503 = arith.constant 4 : i32
          %parallel_loop3A_504 = arith.shli %parallel_loop3A_502, %parallel_loop3A_503 : i32
          %parallel_loop3A_505 = arith.index_cast %parallel_loop3A_500 : i32 to index
          %parallel_loop3A_506 = arith.index_cast %parallel_loop3A_504 : i32 to index
          %parallel_loop3A_507 = tpu.vector_load %arg6[%parallel_loop3A_505, %parallel_loop3A_506] {strides = array<i32>} : memref<16x512xf32, #tpu.memory_space<vmem>>, vector<16xf32>,
          %parallel_loop3A_508 = arith.constant 2.560000e+02 : f32
          %parallel_loop3A_509 = vector.broadcast %parallel_loop3A_508 : f32 to vector<16xf32>
          %parallel_loop3A_510 = arith.mulf %parallel_loop3A_507, %parallel_loop3A_509 : vector<16xf32>
          %parallel_loop3A_511 = arith.fptosi %parallel_loop3A_510 : vector<16xf32> to vector<16xi32>
          %parallel_loop3A_512 = arith.index_cast %parallel_loop3A_500 : i32 to index
          %parallel_loop3A_513 = arith.index_cast %parallel_loop3A_504 : i32 to index
          %parallel_loop3A_514 = tpu.vector_load %arg7[%parallel_loop3A_512, %parallel_loop3A_513] {strides = array<i32>} : memref<16x512xf32, #tpu.memory_space<vmem>>, vector<16xf32>,
          %parallel_loop3A_515 = arith.constant 2.560000e+02 : f32
          %parallel_loop3A_516 = vector.broadcast %parallel_loop3A_515 : f32 to vector<16xf32>
          %parallel_loop3A_517 = arith.mulf %parallel_loop3A_514, %parallel_loop3A_516 : vector<16xf32>
          %parallel_loop3A_518 = arith.fptosi %parallel_loop3A_517 : vector<16xf32> to vector<16xi32>
          %parallel_loop3A_519 = arith.constant 256 : i32
          %parallel_loop3A_520 = vector.broadcast %parallel_loop3A_519 : i32 to vector<16xi32>
          %parallel_loop3A_521 = arith.muli %parallel_loop3A_511, %parallel_loop3A_520 : vector<16xi32>
          %parallel_loop3A_522 = arith.addi %parallel_loop3A_521, %parallel_loop3A_518 : vector<16xi32>
          %parallel_loop3A_523 = arith.constant true
          %parallel_loop3A_524 = vector.broadcast %parallel_loop3A_523 : i1 to vector<16xi1>
          %parallel_loop3A_525, %parallel_loop3A_526 = tpu.scan_count mask(%parallel_loop3A_524 : vector<16xi1>) value(%parallel_loop3A_522 : vector<16xi32>) : vector<16xi1>, vector<16xi32>
          tpu.vector_store_idx %arg10[%parallel_loop3A_522], %parallel_loop3A_526 masked %parallel_loop3A_525 {add = true} : memref<65536xi32, #tpu.memory_space<vmem>>[vector<16xi32>], vector<16xi32>, vector<16xi1>
        } {sc.loop_unroll_factor = 8 : i64, sc.parallel_access}
        %lt3A_390 = arith.constant 47 : i32
        %lt3A_391 = arith.cmpi slt, %scan3A_105, %lt3A_390 : i32
        %convert_element_type3A_392 = arith.extui %lt3A_391 : i1 to i32
        %cond3A_393 = arith.constant 0 : i32
        %cond3A_394 = arith.cmpi ne, %convert_element_type3A_392, %cond3A_393 : i32
        scf.if %cond3A_394 {
          %add3A_498 = arith.constant 2 : i32
          %add3A_499 = arith.addi %mul3A_107, %add3A_498 : i32
          %jit3A_500 = arith.constant 32 : i32
          %div3A_501 = arith.divsi %add3A_499, %jit3A_500 : i32
          %sign3A_502 = arith.constant 0 : i32
          %sign3A_503 = arith.cmpi sgt, %add3A_499, %sign3A_502 : i32
          %sign3A_504 = arith.extui %sign3A_503 : i1 to i32
          %sign3A_505 = arith.constant 0 : i32
          %sign3A_506 = arith.cmpi slt, %add3A_499, %sign3A_505 : i32
          %sign3A_507 = arith.extui %sign3A_506 : i1 to i32
          %sign3A_508 = arith.subi %sign3A_504, %sign3A_507 : i32
          %sign3A_509 = arith.constant 0 : i32
          %sign3A_510 = arith.cmpi sgt, %jit3A_500, %sign3A_509 : i32
          %sign3A_511 = arith.extui %sign3A_510 : i1 to i32
          %sign3A_512 = arith.constant 0 : i32
          %sign3A_513 = arith.cmpi slt, %jit3A_500, %sign3A_512 : i32
          %sign3A_514 = arith.extui %sign3A_513 : i1 to i32
          %sign3A_515 = arith.subi %sign3A_511, %sign3A_514 : i32
          %ne3A_516 = arith.cmpi ne, %sign3A_508, %sign3A_515 : i32
          %rem3A_517 = arith.remsi %add3A_499, %jit3A_500 : i32
          %ne3A_518 = arith.constant 0 : i32
          %ne3A_519 = arith.cmpi ne, %rem3A_517, %ne3A_518 : i32
          %and3A_520 = arith.andi %ne3A_516, %ne3A_519 : i1
          %sub3A_521 = arith.constant 1 : i32
          %sub3A_522 = arith.subi %div3A_501, %sub3A_521 : i32
          %select_n3A_523 = arith.select %and3A_520, %sub3A_522, %div3A_501 : i32
          %add3A_524 = arith.addi %mul3A_0, %select_n3A_523 : i32
          %jit3A_525 = arith.constant 32 : i32
          %eq3A_526 = arith.constant 0 : i32
          %eq3A_527 = arith.cmpi eq, %jit3A_525, %eq3A_526 : i32
          %jit3A_528 = arith.constant 1 : i32
          %select_n3A_529 = arith.select %eq3A_527, %jit3A_528, %jit3A_525 : i32
          %rem3A_530 = arith.remsi %add3A_499, %select_n3A_529 : i32
          %ne3A_531 = arith.constant 0 : i32
          %ne3A_532 = arith.cmpi ne, %rem3A_530, %ne3A_531 : i32
          %lt3A_533 = arith.constant 0 : i32
          %lt3A_534 = arith.cmpi slt, %rem3A_530, %lt3A_533 : i32
          %lt3A_535 = arith.constant 0 : i32
          %lt3A_536 = arith.cmpi slt, %select_n3A_529, %lt3A_535 : i32
          %ne3A_537 = arith.xori %lt3A_534, %lt3A_536 : i1
          %and3A_538 = arith.andi %ne3A_537, %ne3A_532 : i1
          %add3A_539 = arith.addi %rem3A_530, %select_n3A_529 : i32
          %select_n3A_540 = arith.select %and3A_538, %add3A_539, %rem3A_530 : i32
          %mul3A_541 = arith.constant 16 : i32
          %mul3A_542 = arith.muli %select_n3A_540, %mul3A_541 : i32
          %jit3A_543 = arith.constant 3 : i32
          %div3A_544 = arith.divsi %add3A_524, %jit3A_543 : i32
          %sign3A_545 = arith.constant 0 : i32
          %sign3A_546 = arith.cmpi sgt, %add3A_524, %sign3A_545 : i32
          %sign3A_547 = arith.extui %sign3A_546 : i1 to i32
          %sign3A_548 = arith.constant 0 : i32
          %sign3A_549 = arith.cmpi slt, %add3A_524, %sign3A_548 : i32
          %sign3A_550 = arith.extui %sign3A_549 : i1 to i32
          %sign3A_551 = arith.subi %sign3A_547, %sign3A_550 : i32
          %sign3A_552 = arith.constant 0 : i32
          %sign3A_553 = arith.cmpi sgt, %jit3A_543, %sign3A_552 : i32
          %sign3A_554 = arith.extui %sign3A_553 : i1 to i32
          %sign3A_555 = arith.constant 0 : i32
          %sign3A_556 = arith.cmpi slt, %jit3A_543, %sign3A_555 : i32
          %sign3A_557 = arith.extui %sign3A_556 : i1 to i32
          %sign3A_558 = arith.subi %sign3A_554, %sign3A_557 : i32
          %ne3A_559 = arith.cmpi ne, %sign3A_551, %sign3A_558 : i32
          %rem3A_560 = arith.remsi %add3A_524, %jit3A_543 : i32
          %ne3A_561 = arith.constant 0 : i32
          %ne3A_562 = arith.cmpi ne, %rem3A_560, %ne3A_561 : i32
          %and3A_563 = arith.andi %ne3A_559, %ne3A_562 : i1
          %sub3A_564 = arith.constant 1 : i32
          %sub3A_565 = arith.subi %div3A_544, %sub3A_564 : i32
          %select_n3A_566 = arith.select %and3A_563, %sub3A_565, %div3A_544 : i32
          %jit3A_567 = arith.constant 3 : i32
          %eq3A_568 = arith.constant 0 : i32
          %eq3A_569 = arith.cmpi eq, %jit3A_567, %eq3A_568 : i32
          %jit3A_570 = arith.constant 1 : i32
          %select_n3A_571 = arith.select %eq3A_569, %jit3A_570, %jit3A_567 : i32
          %rem3A_572 = arith.remsi %add3A_524, %select_n3A_571 : i32
          %ne3A_573 = arith.constant 0 : i32
          %ne3A_574 = arith.cmpi ne, %rem3A_572, %ne3A_573 : i32
          %lt3A_575 = arith.constant 0 : i32
          %lt3A_576 = arith.cmpi slt, %rem3A_572, %lt3A_575 : i32
          %lt3A_577 = arith.constant 0 : i32
          %lt3A_578 = arith.cmpi slt, %select_n3A_571, %lt3A_577 : i32
          %ne3A_579 = arith.xori %lt3A_576, %lt3A_578 : i1
          %and3A_580 = arith.andi %ne3A_579, %ne3A_574 : i1
          %add3A_581 = arith.addi %rem3A_572, %select_n3A_571 : i32
          %select_n3A_582 = arith.select %and3A_580, %add3A_581, %rem3A_572 : i32
          %dma_start3A_583 = arith.constant 0 : i32
          %dma_start3A_584 = tpu.memref_slice %arg2[%select_n3A_566, %select_n3A_582, %mul3A_542, %dma_start3A_583] : memref<16x3x512x512xf32, #tpu.memory_space<hbm>> -> memref<1x1x16x512xf32, #tpu.memory_space<hbm>>
          %dma_start3A_585 = tpu.memref_squeeze %dma_start3A_584 : memref<1x1x16x512xf32, #tpu.memory_space<hbm>> -> memref<16x512xf32, #tpu.memory_space<hbm>>
          %dma_start3A_586 = arith.constant 0 : i32
          %dma_start3A_587 = tpu.memref_slice %arg2[%select_n3A_566, %select_n3A_582, %mul3A_542, %dma_start3A_586] : memref<16x3x512x512xf32, #tpu.memory_space<hbm>> -> memref<1x1x16x512xf32, #tpu.memory_space<hbm>>
          %dma_start3A_588 = tpu.memref_squeeze %dma_start3A_587 : memref<1x1x16x512xf32, #tpu.memory_space<hbm>> -> memref<16x512xf32, #tpu.memory_space<hbm>>
          tpu.enqueue_dma source(%dma_start3A_588 : memref<16x512xf32, #tpu.memory_space<hbm>>) target(%arg6 : memref<16x512xf32, #tpu.memory_space<vmem>>) target_semaphore(%arg11 : memref<!tpu.dma_semaphore, #tpu.memory_space<semaphore_mem>>)
          %jit3A_589 = arith.constant 32 : i32
          %div3A_590 = arith.divsi %add3A_499, %jit3A_589 : i32
          %sign3A_591 = arith.constant 0 : i32
          %sign3A_592 = arith.cmpi sgt, %add3A_499, %sign3A_591 : i32
          %sign3A_593 = arith.extui %sign3A_592 : i1 to i32
          %sign3A_594 = arith.constant 0 : i32
          %sign3A_595 = arith.cmpi slt, %add3A_499, %sign3A_594 : i32
          %sign3A_596 = arith.extui %sign3A_595 : i1 to i32
          %sign3A_597 = arith.subi %sign3A_593, %sign3A_596 : i32
          %sign3A_598 = arith.constant 0 : i32
          %sign3A_599 = arith.cmpi sgt, %jit3A_589, %sign3A_598 : i32
          %sign3A_600 = arith.extui %sign3A_599 : i1 to i32
          %sign3A_601 = arith.constant 0 : i32
          %sign3A_602 = arith.cmpi slt, %jit3A_589, %sign3A_601 : i32
          %sign3A_603 = arith.extui %sign3A_602 : i1 to i32
          %sign3A_604 = arith.subi %sign3A_600, %sign3A_603 : i32
          %ne3A_605 = arith.cmpi ne, %sign3A_597, %sign3A_604 : i32
          %rem3A_606 = arith.remsi %add3A_499, %jit3A_589 : i32
          %ne3A_607 = arith.constant 0 : i32
          %ne3A_608 = arith.cmpi ne, %rem3A_606, %ne3A_607 : i32
          %and3A_609 = arith.andi %ne3A_605, %ne3A_608 : i1
          %sub3A_610 = arith.constant 1 : i32
          %sub3A_611 = arith.subi %div3A_590, %sub3A_610 : i32
          %select_n3A_612 = arith.select %and3A_609, %sub3A_611, %div3A_590 : i32
          %add3A_613 = arith.addi %mul3A_0, %select_n3A_612 : i32
          %jit3A_614 = arith.constant 32 : i32
          %eq3A_615 = arith.constant 0 : i32
          %eq3A_616 = arith.cmpi eq, %jit3A_614, %eq3A_615 : i32
          %jit3A_617 = arith.constant 1 : i32
          %select_n3A_618 = arith.select %eq3A_616, %jit3A_617, %jit3A_614 : i32
          %rem3A_619 = arith.remsi %add3A_499, %select_n3A_618 : i32
          %ne3A_620 = arith.constant 0 : i32
          %ne3A_621 = arith.cmpi ne, %rem3A_619, %ne3A_620 : i32
          %lt3A_622 = arith.constant 0 : i32
          %lt3A_623 = arith.cmpi slt, %rem3A_619, %lt3A_622 : i32
          %lt3A_624 = arith.constant 0 : i32
          %lt3A_625 = arith.cmpi slt, %select_n3A_618, %lt3A_624 : i32
          %ne3A_626 = arith.xori %lt3A_623, %lt3A_625 : i1
          %and3A_627 = arith.andi %ne3A_626, %ne3A_621 : i1
          %add3A_628 = arith.addi %rem3A_619, %select_n3A_618 : i32
          %select_n3A_629 = arith.select %and3A_627, %add3A_628, %rem3A_619 : i32
          %mul3A_630 = arith.constant 16 : i32
          %mul3A_631 = arith.muli %select_n3A_629, %mul3A_630 : i32
          %jit3A_632 = arith.constant 3 : i32
          %div3A_633 = arith.divsi %add3A_613, %jit3A_632 : i32
          %sign3A_634 = arith.constant 0 : i32
          %sign3A_635 = arith.cmpi sgt, %add3A_613, %sign3A_634 : i32
          %sign3A_636 = arith.extui %sign3A_635 : i1 to i32
          %sign3A_637 = arith.constant 0 : i32
          %sign3A_638 = arith.cmpi slt, %add3A_613, %sign3A_637 : i32
          %sign3A_639 = arith.extui %sign3A_638 : i1 to i32
          %sign3A_640 = arith.subi %sign3A_636, %sign3A_639 : i32
          %sign3A_641 = arith.constant 0 : i32
          %sign3A_642 = arith.cmpi sgt, %jit3A_632, %sign3A_641 : i32
          %sign3A_643 = arith.extui %sign3A_642 : i1 to i32
          %sign3A_644 = arith.constant 0 : i32
          %sign3A_645 = arith.cmpi slt, %jit3A_632, %sign3A_644 : i32
          %sign3A_646 = arith.extui %sign3A_645 : i1 to i32
          %sign3A_647 = arith.subi %sign3A_643, %sign3A_646 : i32
          %ne3A_648 = arith.cmpi ne, %sign3A_640, %sign3A_647 : i32
          %rem3A_649 = arith.remsi %add3A_613, %jit3A_632 : i32
          %ne3A_650 = arith.constant 0 : i32
          %ne3A_651 = arith.cmpi ne, %rem3A_649, %ne3A_650 : i32
          %and3A_652 = arith.andi %ne3A_648, %ne3A_651 : i1
          %sub3A_653 = arith.constant 1 : i32
          %sub3A_654 = arith.subi %div3A_633, %sub3A_653 : i32
          %select_n3A_655 = arith.select %and3A_652, %sub3A_654, %div3A_633 : i32
          %jit3A_656 = arith.constant 3 : i32
          %eq3A_657 = arith.constant 0 : i32
          %eq3A_658 = arith.cmpi eq, %jit3A_656, %eq3A_657 : i32
          %jit3A_659 = arith.constant 1 : i32
          %select_n3A_660 = arith.select %eq3A_658, %jit3A_659, %jit3A_656 : i32
          %rem3A_661 = arith.remsi %add3A_613, %select_n3A_660 : i32
          %ne3A_662 = arith.constant 0 : i32
          %ne3A_663 = arith.cmpi ne, %rem3A_661, %ne3A_662 : i32
          %lt3A_664 = arith.constant 0 : i32
          %lt3A_665 = arith.cmpi slt, %rem3A_661, %lt3A_664 : i32
          %lt3A_666 = arith.constant 0 : i32
          %lt3A_667 = arith.cmpi slt, %select_n3A_660, %lt3A_666 : i32
          %ne3A_668 = arith.xori %lt3A_665, %lt3A_667 : i1
          %and3A_669 = arith.andi %ne3A_668, %ne3A_663 : i1
          %add3A_670 = arith.addi %rem3A_661, %select_n3A_660 : i32
          %select_n3A_671 = arith.select %and3A_669, %add3A_670, %rem3A_661 : i32
          %dma_start3A_672 = arith.constant 0 : i32
          %dma_start3A_673 = tpu.memref_slice %arg4[%select_n3A_655, %select_n3A_671, %mul3A_631, %dma_start3A_672] : memref<16x3x512x512xf32, #tpu.memory_space<hbm>> -> memref<1x1x16x512xf32, #tpu.memory_space<hbm>>
          %dma_start3A_674 = tpu.memref_squeeze %dma_start3A_673 : memref<1x1x16x512xf32, #tpu.memory_space<hbm>> -> memref<16x512xf32, #tpu.memory_space<hbm>>
          %dma_start3A_675 = arith.constant 0 : i32
          %dma_start3A_676 = tpu.memref_slice %arg4[%select_n3A_655, %select_n3A_671, %mul3A_631, %dma_start3A_675] : memref<16x3x512x512xf32, #tpu.memory_space<hbm>> -> memref<1x1x16x512xf32, #tpu.memory_space<hbm>>
          %dma_start3A_677 = tpu.memref_squeeze %dma_start3A_676 : memref<1x1x16x512xf32, #tpu.memory_space<hbm>> -> memref<16x512xf32, #tpu.memory_space<hbm>>
          tpu.enqueue_dma source(%dma_start3A_677 : memref<16x512xf32, #tpu.memory_space<hbm>>) target(%arg7 : memref<16x512xf32, #tpu.memory_space<vmem>>) target_semaphore(%arg12 : memref<!tpu.dma_semaphore, #tpu.memory_space<semaphore_mem>>)
        } else {
        }
        %add3A_395 = arith.constant 0 : i32
        %add3A_396 = arith.addi %mul3A_0, %add3A_395 : i32
        %jit3A_397 = arith.constant 3 : i32
        %div3A_398 = arith.divsi %add3A_396, %jit3A_397 : i32
        %sign3A_399 = arith.constant 0 : i32
        %sign3A_400 = arith.cmpi sgt, %add3A_396, %sign3A_399 : i32
        %sign3A_401 = arith.extui %sign3A_400 : i1 to i32
        %sign3A_402 = arith.constant 0 : i32
        %sign3A_403 = arith.cmpi slt, %add3A_396, %sign3A_402 : i32
        %sign3A_404 = arith.extui %sign3A_403 : i1 to i32
        %sign3A_405 = arith.subi %sign3A_401, %sign3A_404 : i32
        %sign3A_406 = arith.constant 0 : i32
        %sign3A_407 = arith.cmpi sgt, %jit3A_397, %sign3A_406 : i32
        %sign3A_408 = arith.extui %sign3A_407 : i1 to i32
        %sign3A_409 = arith.constant 0 : i32
        %sign3A_410 = arith.cmpi slt, %jit3A_397, %sign3A_409 : i32
        %sign3A_411 = arith.extui %sign3A_410 : i1 to i32
        %sign3A_412 = arith.subi %sign3A_408, %sign3A_411 : i32
        %ne3A_413 = arith.cmpi ne, %sign3A_405, %sign3A_412 : i32
        %rem3A_414 = arith.remsi %add3A_396, %jit3A_397 : i32
        %ne3A_415 = arith.constant 0 : i32
        %ne3A_416 = arith.cmpi ne, %rem3A_414, %ne3A_415 : i32
        %and3A_417 = arith.andi %ne3A_413, %ne3A_416 : i1
        %sub3A_418 = arith.constant 1 : i32
        %sub3A_419 = arith.subi %div3A_398, %sub3A_418 : i32
        %select_n3A_420 = arith.select %and3A_417, %sub3A_419, %div3A_398 : i32
        %jit3A_421 = arith.constant 3 : i32
        %eq3A_422 = arith.constant 0 : i32
        %eq3A_423 = arith.cmpi eq, %jit3A_421, %eq3A_422 : i32
        %jit3A_424 = arith.constant 1 : i32
        %select_n3A_425 = arith.select %eq3A_423, %jit3A_424, %jit3A_421 : i32
        %rem3A_426 = arith.remsi %add3A_396, %select_n3A_425 : i32
        %ne3A_427 = arith.constant 0 : i32
        %ne3A_428 = arith.cmpi ne, %rem3A_426, %ne3A_427 : i32
        %lt3A_429 = arith.constant 0 : i32
        %lt3A_430 = arith.cmpi slt, %rem3A_426, %lt3A_429 : i32
        %lt3A_431 = arith.constant 0 : i32
        %lt3A_432 = arith.cmpi slt, %select_n3A_425, %lt3A_431 : i32
        %ne3A_433 = arith.xori %lt3A_430, %lt3A_432 : i1
        %and3A_434 = arith.andi %ne3A_433, %ne3A_428 : i1
        %add3A_435 = arith.addi %rem3A_426, %select_n3A_425 : i32
        %select_n3A_436 = arith.select %and3A_434, %add3A_435, %rem3A_426 : i32
        %dma_wait3A_437 = arith.constant 0 : i32
        %dma_wait3A_438 = arith.constant 0 : i32
        %dma_wait3A_439 = tpu.memref_slice %arg2[%select_n3A_420, %select_n3A_436, %dma_wait3A_437, %dma_wait3A_438] : memref<16x3x512x512xf32, #tpu.memory_space<hbm>> -> memref<1x1x16x512xf32, #tpu.memory_space<hbm>>
        %dma_wait3A_440 = tpu.memref_squeeze %dma_wait3A_439 : memref<1x1x16x512xf32, #tpu.memory_space<hbm>> -> memref<16x512xf32, #tpu.memory_space<hbm>>
        %dma_wait3A_441 = arith.constant 0 : i32
        %dma_wait3A_442 = arith.constant 0 : i32
        %dma_wait3A_443 = tpu.memref_slice %arg2[%select_n3A_420, %select_n3A_436, %dma_wait3A_441, %dma_wait3A_442] : memref<16x3x512x512xf32, #tpu.memory_space<hbm>> -> memref<1x1x16x512xf32, #tpu.memory_space<hbm>>
        %dma_wait3A_444 = tpu.memref_squeeze %dma_wait3A_443 : memref<1x1x16x512xf32, #tpu.memory_space<hbm>> -> memref<16x512xf32, #tpu.memory_space<hbm>>
        tpu.wait_dma2 semaphore(%arg13 : memref<!tpu.dma_semaphore, #tpu.memory_space<semaphore_mem>>) src(%dma_wait3A_444 : memref<16x512xf32, #tpu.memory_space<hbm>>) dst(%arg8 : memref<16x512xf32, #tpu.memory_space<vmem>>)
        %add3A_445 = arith.constant 0 : i32
        %add3A_446 = arith.addi %mul3A_0, %add3A_445 : i32
        %jit3A_447 = arith.constant 3 : i32
        %div3A_448 = arith.divsi %add3A_446, %jit3A_447 : i32
        %sign3A_449 = arith.constant 0 : i32
        %sign3A_450 = arith.cmpi sgt, %add3A_446, %sign3A_449 : i32
        %sign3A_451 = arith.extui %sign3A_450 : i1 to i32
        %sign3A_452 = arith.constant 0 : i32
        %sign3A_453 = arith.cmpi slt, %add3A_446, %sign3A_452 : i32
        %sign3A_454 = arith.extui %sign3A_453 : i1 to i32
        %sign3A_455 = arith.subi %sign3A_451, %sign3A_454 : i32
        %sign3A_456 = arith.constant 0 : i32
        %sign3A_457 = arith.cmpi sgt, %jit3A_447, %sign3A_456 : i32
        %sign3A_458 = arith.extui %sign3A_457 : i1 to i32
        %sign3A_459 = arith.constant 0 : i32
        %sign3A_460 = arith.cmpi slt, %jit3A_447, %sign3A_459 : i32
        %sign3A_461 = arith.extui %sign3A_460 : i1 to i32
        %sign3A_462 = arith.subi %sign3A_458, %sign3A_461 : i32
        %ne3A_463 = arith.cmpi ne, %sign3A_455, %sign3A_462 : i32
        %rem3A_464 = arith.remsi %add3A_446, %jit3A_447 : i32
        %ne3A_465 = arith.constant 0 : i32
        %ne3A_466 = arith.cmpi ne, %rem3A_464, %ne3A_465 : i32
        %and3A_467 = arith.andi %ne3A_463, %ne3A_466 : i1
        %sub3A_468 = arith.constant 1 : i32
        %sub3A_469 = arith.subi %div3A_448, %sub3A_468 : i32
        %select_n3A_470 = arith.select %and3A_467, %sub3A_469, %div3A_448 : i32
        %jit3A_471 = arith.constant 3 : i32
        %eq3A_472 = arith.constant 0 : i32
        %eq3A_473 = arith.cmpi eq, %jit3A_471, %eq3A_472 : i32
        %jit3A_474 = arith.constant 1 : i32
        %select_n3A_475 = arith.select %eq3A_473, %jit3A_474, %jit3A_471 : i32
        %rem3A_476 = arith.remsi %add3A_446, %select_n3A_475 : i32
        %ne3A_477 = arith.constant 0 : i32
        %ne3A_478 = arith.cmpi ne, %rem3A_476, %ne3A_477 : i32
        %lt3A_479 = arith.constant 0 : i32
        %lt3A_480 = arith.cmpi slt, %rem3A_476, %lt3A_479 : i32
        %lt3A_481 = arith.constant 0 : i32
        %lt3A_482 = arith.cmpi slt, %select_n3A_475, %lt3A_481 : i32
        %ne3A_483 = arith.xori %lt3A_480, %lt3A_482 : i1
        %and3A_484 = arith.andi %ne3A_483, %ne3A_478 : i1
        %add3A_485 = arith.addi %rem3A_476, %select_n3A_475 : i32
        %select_n3A_486 = arith.select %and3A_484, %add3A_485, %rem3A_476 : i32
        %dma_wait3A_487 = arith.constant 0 : i32
        %dma_wait3A_488 = arith.constant 0 : i32
        %dma_wait3A_489 = tpu.memref_slice %arg4[%select_n3A_470, %select_n3A_486, %dma_wait3A_487, %dma_wait3A_488] : memref<16x3x512x512xf32, #tpu.memory_space<hbm>> -> memref<1x1x16x512xf32, #tpu.memory_space<hbm>>
        %dma_wait3A_490 = tpu.memref_squeeze %dma_wait3A_489 : memref<1x1x16x512xf32, #tpu.memory_space<hbm>> -> memref<16x512xf32, #tpu.memory_space<hbm>>
        %dma_wait3A_491 = arith.constant 0 : i32
        %dma_wait3A_492 = arith.constant 0 : i32
        %dma_wait3A_493 = tpu.memref_slice %arg4[%select_n3A_470, %select_n3A_486, %dma_wait3A_491, %dma_wait3A_492] : memref<16x3x512x512xf32, #tpu.memory_space<hbm>> -> memref<1x1x16x512xf32, #tpu.memory_space<hbm>>
        %dma_wait3A_494 = tpu.memref_squeeze %dma_wait3A_493 : memref<1x1x16x512xf32, #tpu.memory_space<hbm>> -> memref<16x512xf32, #tpu.memory_space<hbm>>
        tpu.wait_dma2 semaphore(%arg14 : memref<!tpu.dma_semaphore, #tpu.memory_space<semaphore_mem>>) src(%dma_wait3A_494 : memref<16x512xf32, #tpu.memory_space<hbm>>) dst(%arg9 : memref<16x512xf32, #tpu.memory_space<vmem>>)
        %parallel_loop3A_495 = arith.constant 0 : i32
        %parallel_loop3A_496 = arith.constant 512 : i32
        %parallel_loop3A_497 = arith.constant 1 : i32
        scf.for %parallel_loop3A_498 = %parallel_loop3A_495 to %parallel_loop3A_496 step %parallel_loop3A_497  : i32 {
          %parallel_loop3A_499 = arith.constant 5 : i32
          %parallel_loop3A_500 = arith.shrsi %parallel_loop3A_498, %parallel_loop3A_499 : i32
          %parallel_loop3A_501 = arith.constant 31 : i32
          %parallel_loop3A_502 = arith.andi %parallel_loop3A_498, %parallel_loop3A_501 : i32
          %parallel_loop3A_503 = arith.constant 4 : i32
          %parallel_loop3A_504 = arith.shli %parallel_loop3A_502, %parallel_loop3A_503 : i32
          %parallel_loop3A_505 = arith.index_cast %parallel_loop3A_500 : i32 to index
          %parallel_loop3A_506 = arith.index_cast %parallel_loop3A_504 : i32 to index
          %parallel_loop3A_507 = tpu.vector_load %arg8[%parallel_loop3A_505, %parallel_loop3A_506] {strides = array<i32>} : memref<16x512xf32, #tpu.memory_space<vmem>>, vector<16xf32>,
          %parallel_loop3A_508 = arith.constant 2.560000e+02 : f32
          %parallel_loop3A_509 = vector.broadcast %parallel_loop3A_508 : f32 to vector<16xf32>
          %parallel_loop3A_510 = arith.mulf %parallel_loop3A_507, %parallel_loop3A_509 : vector<16xf32>
          %parallel_loop3A_511 = arith.fptosi %parallel_loop3A_510 : vector<16xf32> to vector<16xi32>
          %parallel_loop3A_512 = arith.index_cast %parallel_loop3A_500 : i32 to index
          %parallel_loop3A_513 = arith.index_cast %parallel_loop3A_504 : i32 to index
          %parallel_loop3A_514 = tpu.vector_load %arg9[%parallel_loop3A_512, %parallel_loop3A_513] {strides = array<i32>} : memref<16x512xf32, #tpu.memory_space<vmem>>, vector<16xf32>,
          %parallel_loop3A_515 = arith.constant 2.560000e+02 : f32
          %parallel_loop3A_516 = vector.broadcast %parallel_loop3A_515 : f32 to vector<16xf32>
          %parallel_loop3A_517 = arith.mulf %parallel_loop3A_514, %parallel_loop3A_516 : vector<16xf32>
          %parallel_loop3A_518 = arith.fptosi %parallel_loop3A_517 : vector<16xf32> to vector<16xi32>
          %parallel_loop3A_519 = arith.constant 256 : i32
          %parallel_loop3A_520 = vector.broadcast %parallel_loop3A_519 : i32 to vector<16xi32>
          %parallel_loop3A_521 = arith.muli %parallel_loop3A_511, %parallel_loop3A_520 : vector<16xi32>
          %parallel_loop3A_522 = arith.addi %parallel_loop3A_521, %parallel_loop3A_518 : vector<16xi32>
          %parallel_loop3A_523 = arith.constant true
          %parallel_loop3A_524 = vector.broadcast %parallel_loop3A_523 : i1 to vector<16xi1>
          %parallel_loop3A_525, %parallel_loop3A_526 = tpu.scan_count mask(%parallel_loop3A_524 : vector<16xi1>) value(%parallel_loop3A_522 : vector<16xi32>) : vector<16xi1>, vector<16xi32>
          tpu.vector_store_idx %arg10[%parallel_loop3A_522], %parallel_loop3A_526 masked %parallel_loop3A_525 {add = true} : memref<65536xi32, #tpu.memory_space<vmem>>[vector<16xi32>], vector<16xi32>, vector<16xi1>
        } {sc.loop_unroll_factor = 8 : i64, sc.parallel_access}
      }
      %scan3A_104 = arith.constant 48 : i32
    } else {
    }
    "tpu.region"() ({
      %run_scoped3A = tpu.sem_alloc : memref<!tpu.dma_semaphore, #tpu.memory_space<semaphore_mem>>
      %dma_start3A = arith.constant 0 : i32
      %dma_start3A_8 = tpu.memref_slice %arg5[%arg0, %arg1, %dma_start3A] : memref<2x16x65536xi32, #tpu.memory_space<hbm>> -> memref<1x1x65536xi32, #tpu.memory_space<hbm>>
      %dma_start3A_9 = tpu.memref_squeeze %dma_start3A_8 : memref<1x1x65536xi32, #tpu.memory_space<hbm>> -> memref<65536xi32, #tpu.memory_space<hbm>>
      %dma_start3A_10 = arith.constant 0 : i32
      %dma_start3A_11 = tpu.memref_slice %arg5[%arg0, %arg1, %dma_start3A_10] : memref<2x16x65536xi32, #tpu.memory_space<hbm>> -> memref<1x1x65536xi32, #tpu.memory_space<hbm>>
      %dma_start3A_12 = tpu.memref_squeeze %dma_start3A_11 : memref<1x1x65536xi32, #tpu.memory_space<hbm>> -> memref<65536xi32, #tpu.memory_space<hbm>>
      tpu.enqueue_dma source(%arg10 : memref<65536xi32, #tpu.memory_space<vmem>>) target(%dma_start3A_12 : memref<65536xi32, #tpu.memory_space<hbm>>) target_semaphore(%run_scoped3A : memref<!tpu.dma_semaphore, #tpu.memory_space<semaphore_mem>>)
      %dma_wait3A = arith.constant 0 : i32
      %dma_wait3A_13 = tpu.memref_slice %arg5[%arg0, %arg1, %dma_wait3A] : memref<2x16x65536xi32, #tpu.memory_space<hbm>> -> memref<1x1x65536xi32, #tpu.memory_space<hbm>>
      %dma_wait3A_14 = tpu.memref_squeeze %dma_wait3A_13 : memref<1x1x65536xi32, #tpu.memory_space<hbm>> -> memref<65536xi32, #tpu.memory_space<hbm>>
      %dma_wait3A_15 = arith.constant 0 : i32
      %dma_wait3A_16 = tpu.memref_slice %arg5[%arg0, %arg1, %dma_wait3A_15] : memref<2x16x65536xi32, #tpu.memory_space<hbm>> -> memref<1x1x65536xi32, #tpu.memory_space<hbm>>
      %dma_wait3A_17 = tpu.memref_squeeze %dma_wait3A_16 : memref<1x1x65536xi32, #tpu.memory_space<hbm>> -> memref<65536xi32, #tpu.memory_space<hbm>>
      tpu.wait_dma2 semaphore(%run_scoped3A : memref<!tpu.dma_semaphore, #tpu.memory_space<semaphore_mem>>) src(%arg10 : memref<65536xi32, #tpu.memory_space<vmem>>) dst(%dma_wait3A_17 : memref<65536xi32, #tpu.memory_space<hbm>>)
      tpu.yield
    }) : () -> ()
    return
  }
}

module attributes {stable_mosaic.version = 14 : i64} {
  func.func @_mi_body(%arg0: memref<2x16x65536xi32, #tpu.memory_space<vmem>>, %arg1: memref<1x1xf32, #tpu.memory_space<vmem>>, %arg2: memref<1x1xf32, #tpu.memory_space<vmem>>) attributes {dimension_semantics = [], scalar_prefetch = 0 : i64, scratch_operands = 0 : i64, tpu.core_type = #tpu.core_type<tc>} {
    %get3A = arith.constant 0 : index
    %get3A_0 = arith.constant 0 : index
    %get3A_1 = arith.constant 0 : index
    %get3A_2 = vector.load %arg0[%get3A, %get3A_0, %get3A_1] : memref<2x16x65536xi32, #tpu.memory_space<vmem>>, vector<1x1x65536xi32>
    %get3A_3 = vector.shape_cast %get3A_2 : vector<1x1x65536xi32> to vector<65536xi32>
    %get3A_4 = arith.constant 1 : index
    %get3A_5 = arith.constant 0 : index
    %get3A_6 = arith.constant 0 : index
    %get3A_7 = vector.load %arg0[%get3A_4, %get3A_5, %get3A_6] : memref<2x16x65536xi32, #tpu.memory_space<vmem>>, vector<1x1x65536xi32>
    %get3A_8 = vector.shape_cast %get3A_7 : vector<1x1x65536xi32> to vector<65536xi32>
    %get3A_9 = arith.constant 0 : index
    %get3A_10 = arith.constant 1 : index
    %get3A_11 = arith.constant 0 : index
    %get3A_12 = vector.load %arg0[%get3A_9, %get3A_10, %get3A_11] : memref<2x16x65536xi32, #tpu.memory_space<vmem>>, vector<1x1x65536xi32>
    %get3A_13 = vector.shape_cast %get3A_12 : vector<1x1x65536xi32> to vector<65536xi32>
    %add3A = arith.addi %get3A_3, %get3A_13 : vector<65536xi32>
    %get3A_14 = arith.constant 1 : index
    %get3A_15 = arith.constant 1 : index
    %get3A_16 = arith.constant 0 : index
    %get3A_17 = vector.load %arg0[%get3A_14, %get3A_15, %get3A_16] : memref<2x16x65536xi32, #tpu.memory_space<vmem>>, vector<1x1x65536xi32>
    %get3A_18 = vector.shape_cast %get3A_17 : vector<1x1x65536xi32> to vector<65536xi32>
    %add3A_19 = arith.addi %get3A_8, %get3A_18 : vector<65536xi32>
    %get3A_20 = arith.constant 0 : index
    %get3A_21 = arith.constant 2 : index
    %get3A_22 = arith.constant 0 : index
    %get3A_23 = vector.load %arg0[%get3A_20, %get3A_21, %get3A_22] : memref<2x16x65536xi32, #tpu.memory_space<vmem>>, vector<1x1x65536xi32>
    %get3A_24 = vector.shape_cast %get3A_23 : vector<1x1x65536xi32> to vector<65536xi32>
    %add3A_25 = arith.addi %add3A, %get3A_24 : vector<65536xi32>
    %get3A_26 = arith.constant 1 : index
    %get3A_27 = arith.constant 2 : index
    %get3A_28 = arith.constant 0 : index
    %get3A_29 = vector.load %arg0[%get3A_26, %get3A_27, %get3A_28] : memref<2x16x65536xi32, #tpu.memory_space<vmem>>, vector<1x1x65536xi32>
    %get3A_30 = vector.shape_cast %get3A_29 : vector<1x1x65536xi32> to vector<65536xi32>
    %add3A_31 = arith.addi %add3A_19, %get3A_30 : vector<65536xi32>
    %get3A_32 = arith.constant 0 : index
    %get3A_33 = arith.constant 3 : index
    %get3A_34 = arith.constant 0 : index
    %get3A_35 = vector.load %arg0[%get3A_32, %get3A_33, %get3A_34] : memref<2x16x65536xi32, #tpu.memory_space<vmem>>, vector<1x1x65536xi32>
    %get3A_36 = vector.shape_cast %get3A_35 : vector<1x1x65536xi32> to vector<65536xi32>
    %add3A_37 = arith.addi %add3A_25, %get3A_36 : vector<65536xi32>
    %get3A_38 = arith.constant 1 : index
    %get3A_39 = arith.constant 3 : index
    %get3A_40 = arith.constant 0 : index
    %get3A_41 = vector.load %arg0[%get3A_38, %get3A_39, %get3A_40] : memref<2x16x65536xi32, #tpu.memory_space<vmem>>, vector<1x1x65536xi32>
    %get3A_42 = vector.shape_cast %get3A_41 : vector<1x1x65536xi32> to vector<65536xi32>
    %add3A_43 = arith.addi %add3A_31, %get3A_42 : vector<65536xi32>
    %get3A_44 = arith.constant 0 : index
    %get3A_45 = arith.constant 4 : index
    %get3A_46 = arith.constant 0 : index
    %get3A_47 = vector.load %arg0[%get3A_44, %get3A_45, %get3A_46] : memref<2x16x65536xi32, #tpu.memory_space<vmem>>, vector<1x1x65536xi32>
    %get3A_48 = vector.shape_cast %get3A_47 : vector<1x1x65536xi32> to vector<65536xi32>
    %add3A_49 = arith.addi %add3A_37, %get3A_48 : vector<65536xi32>
    %get3A_50 = arith.constant 1 : index
    %get3A_51 = arith.constant 4 : index
    %get3A_52 = arith.constant 0 : index
    %get3A_53 = vector.load %arg0[%get3A_50, %get3A_51, %get3A_52] : memref<2x16x65536xi32, #tpu.memory_space<vmem>>, vector<1x1x65536xi32>
    %get3A_54 = vector.shape_cast %get3A_53 : vector<1x1x65536xi32> to vector<65536xi32>
    %add3A_55 = arith.addi %add3A_43, %get3A_54 : vector<65536xi32>
    %get3A_56 = arith.constant 0 : index
    %get3A_57 = arith.constant 5 : index
    %get3A_58 = arith.constant 0 : index
    %get3A_59 = vector.load %arg0[%get3A_56, %get3A_57, %get3A_58] : memref<2x16x65536xi32, #tpu.memory_space<vmem>>, vector<1x1x65536xi32>
    %get3A_60 = vector.shape_cast %get3A_59 : vector<1x1x65536xi32> to vector<65536xi32>
    %add3A_61 = arith.addi %add3A_49, %get3A_60 : vector<65536xi32>
    %get3A_62 = arith.constant 1 : index
    %get3A_63 = arith.constant 5 : index
    %get3A_64 = arith.constant 0 : index
    %get3A_65 = vector.load %arg0[%get3A_62, %get3A_63, %get3A_64] : memref<2x16x65536xi32, #tpu.memory_space<vmem>>, vector<1x1x65536xi32>
    %get3A_66 = vector.shape_cast %get3A_65 : vector<1x1x65536xi32> to vector<65536xi32>
    %add3A_67 = arith.addi %add3A_55, %get3A_66 : vector<65536xi32>
    %get3A_68 = arith.constant 0 : index
    %get3A_69 = arith.constant 6 : index
    %get3A_70 = arith.constant 0 : index
    %get3A_71 = vector.load %arg0[%get3A_68, %get3A_69, %get3A_70] : memref<2x16x65536xi32, #tpu.memory_space<vmem>>, vector<1x1x65536xi32>
    %get3A_72 = vector.shape_cast %get3A_71 : vector<1x1x65536xi32> to vector<65536xi32>
    %add3A_73 = arith.addi %add3A_61, %get3A_72 : vector<65536xi32>
    %get3A_74 = arith.constant 1 : index
    %get3A_75 = arith.constant 6 : index
    %get3A_76 = arith.constant 0 : index
    %get3A_77 = vector.load %arg0[%get3A_74, %get3A_75, %get3A_76] : memref<2x16x65536xi32, #tpu.memory_space<vmem>>, vector<1x1x65536xi32>
    %get3A_78 = vector.shape_cast %get3A_77 : vector<1x1x65536xi32> to vector<65536xi32>
    %add3A_79 = arith.addi %add3A_67, %get3A_78 : vector<65536xi32>
    %get3A_80 = arith.constant 0 : index
    %get3A_81 = arith.constant 7 : index
    %get3A_82 = arith.constant 0 : index
    %get3A_83 = vector.load %arg0[%get3A_80, %get3A_81, %get3A_82] : memref<2x16x65536xi32, #tpu.memory_space<vmem>>, vector<1x1x65536xi32>
    %get3A_84 = vector.shape_cast %get3A_83 : vector<1x1x65536xi32> to vector<65536xi32>
    %add3A_85 = arith.addi %add3A_73, %get3A_84 : vector<65536xi32>
    %get3A_86 = arith.constant 1 : index
    %get3A_87 = arith.constant 7 : index
    %get3A_88 = arith.constant 0 : index
    %get3A_89 = vector.load %arg0[%get3A_86, %get3A_87, %get3A_88] : memref<2x16x65536xi32, #tpu.memory_space<vmem>>, vector<1x1x65536xi32>
    %get3A_90 = vector.shape_cast %get3A_89 : vector<1x1x65536xi32> to vector<65536xi32>
    %add3A_91 = arith.addi %add3A_79, %get3A_90 : vector<65536xi32>
    %get3A_92 = arith.constant 0 : index
    %get3A_93 = arith.constant 8 : index
    %get3A_94 = arith.constant 0 : index
    %get3A_95 = vector.load %arg0[%get3A_92, %get3A_93, %get3A_94] : memref<2x16x65536xi32, #tpu.memory_space<vmem>>, vector<1x1x65536xi32>
    %get3A_96 = vector.shape_cast %get3A_95 : vector<1x1x65536xi32> to vector<65536xi32>
    %add3A_97 = arith.addi %add3A_85, %get3A_96 : vector<65536xi32>
    %get3A_98 = arith.constant 1 : index
    %get3A_99 = arith.constant 8 : index
    %get3A_100 = arith.constant 0 : index
    %get3A_101 = vector.load %arg0[%get3A_98, %get3A_99, %get3A_100] : memref<2x16x65536xi32, #tpu.memory_space<vmem>>, vector<1x1x65536xi32>
    %get3A_102 = vector.shape_cast %get3A_101 : vector<1x1x65536xi32> to vector<65536xi32>
    %add3A_103 = arith.addi %add3A_91, %get3A_102 : vector<65536xi32>
    %get3A_104 = arith.constant 0 : index
    %get3A_105 = arith.constant 9 : index
    %get3A_106 = arith.constant 0 : index
    %get3A_107 = vector.load %arg0[%get3A_104, %get3A_105, %get3A_106] : memref<2x16x65536xi32, #tpu.memory_space<vmem>>, vector<1x1x65536xi32>
    %get3A_108 = vector.shape_cast %get3A_107 : vector<1x1x65536xi32> to vector<65536xi32>
    %add3A_109 = arith.addi %add3A_97, %get3A_108 : vector<65536xi32>
    %get3A_110 = arith.constant 1 : index
    %get3A_111 = arith.constant 9 : index
    %get3A_112 = arith.constant 0 : index
    %get3A_113 = vector.load %arg0[%get3A_110, %get3A_111, %get3A_112] : memref<2x16x65536xi32, #tpu.memory_space<vmem>>, vector<1x1x65536xi32>
    %get3A_114 = vector.shape_cast %get3A_113 : vector<1x1x65536xi32> to vector<65536xi32>
    %add3A_115 = arith.addi %add3A_103, %get3A_114 : vector<65536xi32>
    %get3A_116 = arith.constant 0 : index
    %get3A_117 = arith.constant 10 : index
    %get3A_118 = arith.constant 0 : index
    %get3A_119 = vector.load %arg0[%get3A_116, %get3A_117, %get3A_118] : memref<2x16x65536xi32, #tpu.memory_space<vmem>>, vector<1x1x65536xi32>
    %get3A_120 = vector.shape_cast %get3A_119 : vector<1x1x65536xi32> to vector<65536xi32>
    %add3A_121 = arith.addi %add3A_109, %get3A_120 : vector<65536xi32>
    %get3A_122 = arith.constant 1 : index
    %get3A_123 = arith.constant 10 : index
    %get3A_124 = arith.constant 0 : index
    %get3A_125 = vector.load %arg0[%get3A_122, %get3A_123, %get3A_124] : memref<2x16x65536xi32, #tpu.memory_space<vmem>>, vector<1x1x65536xi32>
    %get3A_126 = vector.shape_cast %get3A_125 : vector<1x1x65536xi32> to vector<65536xi32>
    %add3A_127 = arith.addi %add3A_115, %get3A_126 : vector<65536xi32>
    %get3A_128 = arith.constant 0 : index
    %get3A_129 = arith.constant 11 : index
    %get3A_130 = arith.constant 0 : index
    %get3A_131 = vector.load %arg0[%get3A_128, %get3A_129, %get3A_130] : memref<2x16x65536xi32, #tpu.memory_space<vmem>>, vector<1x1x65536xi32>
    %get3A_132 = vector.shape_cast %get3A_131 : vector<1x1x65536xi32> to vector<65536xi32>
    %add3A_133 = arith.addi %add3A_121, %get3A_132 : vector<65536xi32>
    %get3A_134 = arith.constant 1 : index
    %get3A_135 = arith.constant 11 : index
    %get3A_136 = arith.constant 0 : index
    %get3A_137 = vector.load %arg0[%get3A_134, %get3A_135, %get3A_136] : memref<2x16x65536xi32, #tpu.memory_space<vmem>>, vector<1x1x65536xi32>
    %get3A_138 = vector.shape_cast %get3A_137 : vector<1x1x65536xi32> to vector<65536xi32>
    %add3A_139 = arith.addi %add3A_127, %get3A_138 : vector<65536xi32>
    %get3A_140 = arith.constant 0 : index
    %get3A_141 = arith.constant 12 : index
    %get3A_142 = arith.constant 0 : index
    %get3A_143 = vector.load %arg0[%get3A_140, %get3A_141, %get3A_142] : memref<2x16x65536xi32, #tpu.memory_space<vmem>>, vector<1x1x65536xi32>
    %get3A_144 = vector.shape_cast %get3A_143 : vector<1x1x65536xi32> to vector<65536xi32>
    %add3A_145 = arith.addi %add3A_133, %get3A_144 : vector<65536xi32>
    %get3A_146 = arith.constant 1 : index
    %get3A_147 = arith.constant 12 : index
    %get3A_148 = arith.constant 0 : index
    %get3A_149 = vector.load %arg0[%get3A_146, %get3A_147, %get3A_148] : memref<2x16x65536xi32, #tpu.memory_space<vmem>>, vector<1x1x65536xi32>
    %get3A_150 = vector.shape_cast %get3A_149 : vector<1x1x65536xi32> to vector<65536xi32>
    %add3A_151 = arith.addi %add3A_139, %get3A_150 : vector<65536xi32>
    %get3A_152 = arith.constant 0 : index
    %get3A_153 = arith.constant 13 : index
    %get3A_154 = arith.constant 0 : index
    %get3A_155 = vector.load %arg0[%get3A_152, %get3A_153, %get3A_154] : memref<2x16x65536xi32, #tpu.memory_space<vmem>>, vector<1x1x65536xi32>
    %get3A_156 = vector.shape_cast %get3A_155 : vector<1x1x65536xi32> to vector<65536xi32>
    %add3A_157 = arith.addi %add3A_145, %get3A_156 : vector<65536xi32>
    %get3A_158 = arith.constant 1 : index
    %get3A_159 = arith.constant 13 : index
    %get3A_160 = arith.constant 0 : index
    %get3A_161 = vector.load %arg0[%get3A_158, %get3A_159, %get3A_160] : memref<2x16x65536xi32, #tpu.memory_space<vmem>>, vector<1x1x65536xi32>
    %get3A_162 = vector.shape_cast %get3A_161 : vector<1x1x65536xi32> to vector<65536xi32>
    %add3A_163 = arith.addi %add3A_151, %get3A_162 : vector<65536xi32>
    %get3A_164 = arith.constant 0 : index
    %get3A_165 = arith.constant 14 : index
    %get3A_166 = arith.constant 0 : index
    %get3A_167 = vector.load %arg0[%get3A_164, %get3A_165, %get3A_166] : memref<2x16x65536xi32, #tpu.memory_space<vmem>>, vector<1x1x65536xi32>
    %get3A_168 = vector.shape_cast %get3A_167 : vector<1x1x65536xi32> to vector<65536xi32>
    %add3A_169 = arith.addi %add3A_157, %get3A_168 : vector<65536xi32>
    %get3A_170 = arith.constant 1 : index
    %get3A_171 = arith.constant 14 : index
    %get3A_172 = arith.constant 0 : index
    %get3A_173 = vector.load %arg0[%get3A_170, %get3A_171, %get3A_172] : memref<2x16x65536xi32, #tpu.memory_space<vmem>>, vector<1x1x65536xi32>
    %get3A_174 = vector.shape_cast %get3A_173 : vector<1x1x65536xi32> to vector<65536xi32>
    %add3A_175 = arith.addi %add3A_163, %get3A_174 : vector<65536xi32>
    %get3A_176 = arith.constant 0 : index
    %get3A_177 = arith.constant 15 : index
    %get3A_178 = arith.constant 0 : index
    %get3A_179 = vector.load %arg0[%get3A_176, %get3A_177, %get3A_178] : memref<2x16x65536xi32, #tpu.memory_space<vmem>>, vector<1x1x65536xi32>
    %get3A_180 = vector.shape_cast %get3A_179 : vector<1x1x65536xi32> to vector<65536xi32>
    %add3A_181 = arith.addi %add3A_169, %get3A_180 : vector<65536xi32>
    %get3A_182 = arith.constant 1 : index
    %get3A_183 = arith.constant 15 : index
    %get3A_184 = arith.constant 0 : index
    %get3A_185 = vector.load %arg0[%get3A_182, %get3A_183, %get3A_184] : memref<2x16x65536xi32, #tpu.memory_space<vmem>>, vector<1x1x65536xi32>
    %get3A_186 = vector.shape_cast %get3A_185 : vector<1x1x65536xi32> to vector<65536xi32>
    %add3A_187 = arith.addi %add3A_175, %get3A_186 : vector<65536xi32>
    %reshape3A = vector.shape_cast %add3A_181 : vector<65536xi32> to vector<256x256xi32>
    %convert_element_type3A = arith.sitofp %reshape3A : vector<256x256xi32> to vector<256x256xf32>
    %reshape3A_188 = vector.shape_cast %add3A_187 : vector<65536xi32> to vector<256x256xi32>
    %convert_element_type3A_189 = arith.sitofp %reshape3A_188 : vector<256x256xi32> to vector<256x256xf32>
    %get3A_190 = arith.constant 0 : index
    %get3A_191 = arith.constant 0 : index
    %get3A_192 = vector.load %arg1[%get3A_190, %get3A_191] : memref<1x1xf32, #tpu.memory_space<vmem>>, vector<1x1xf32>
    %get3A_193 = vector.extract %get3A_192[0, 0] : f32 from vector<1x1xf32>
    %reduce_sum3A = arith.constant dense<0.000000e+00> : vector<256xf32>
    %reduce_sum3A_194 = vector.multi_reduction <add>, %convert_element_type3A, %reduce_sum3A [1] : vector<256x256xf32> to vector<256xf32>
    %reduce_sum3A_195 = arith.constant dense<0.000000e+00> : vector<256xf32>
    %reduce_sum3A_196 = vector.multi_reduction <add>, %convert_element_type3A, %reduce_sum3A_195 [0] : vector<256x256xf32> to vector<256xf32>
    %reduce_sum3A_197 = arith.constant dense<0.000000e+00> : vector<256xf32>
    %reduce_sum3A_198 = vector.multi_reduction <add>, %convert_element_type3A_189, %reduce_sum3A_197 [0] : vector<256x256xf32> to vector<256xf32>
    %reduce_sum3A_199 = vector.shape_cast %reduce_sum3A_194 : vector<256xf32> to vector<1x256xf32>
    %reduce_sum3A_200 = arith.constant dense<0.000000e+00> : vector<1xf32>
    %reduce_sum3A_201 = vector.multi_reduction <add>, %reduce_sum3A_199, %reduce_sum3A_200 [1] : vector<1x256xf32> to vector<1xf32>
    %reduce_sum3A_202 = vector.shape_cast %reduce_sum3A_201 : vector<1xf32> to vector<1x1xf32>
    %reduce_sum3A_203 = vector.extract %reduce_sum3A_202[0, 0] : f32 from vector<1x1xf32>
    %div3A = vector.broadcast %reduce_sum3A_203 : f32 to vector<256xf32>
    %div3A_204 = arith.divf %reduce_sum3A_194, %div3A : vector<256xf32>
    %reduce_sum3A_205 = vector.shape_cast %reduce_sum3A_196 : vector<256xf32> to vector<1x256xf32>
    %reduce_sum3A_206 = arith.constant dense<0.000000e+00> : vector<1xf32>
    %reduce_sum3A_207 = vector.multi_reduction <add>, %reduce_sum3A_205, %reduce_sum3A_206 [1] : vector<1x256xf32> to vector<1xf32>
    %reduce_sum3A_208 = vector.shape_cast %reduce_sum3A_207 : vector<1xf32> to vector<1x1xf32>
    %reduce_sum3A_209 = vector.extract %reduce_sum3A_208[0, 0] : f32 from vector<1x1xf32>
    %div3A_210 = vector.broadcast %reduce_sum3A_209 : f32 to vector<256xf32>
    %div3A_211 = arith.divf %reduce_sum3A_196, %div3A_210 : vector<256xf32>
    %reduce_sum3A_212 = vector.shape_cast %reduce_sum3A_198 : vector<256xf32> to vector<1x256xf32>
    %reduce_sum3A_213 = arith.constant dense<0.000000e+00> : vector<1xf32>
    %reduce_sum3A_214 = vector.multi_reduction <add>, %reduce_sum3A_212, %reduce_sum3A_213 [1] : vector<1x256xf32> to vector<1xf32>
    %reduce_sum3A_215 = vector.shape_cast %reduce_sum3A_214 : vector<1xf32> to vector<1x1xf32>
    %reduce_sum3A_216 = vector.extract %reduce_sum3A_215[0, 0] : f32 from vector<1x1xf32>
    %div3A_217 = vector.broadcast %reduce_sum3A_216 : f32 to vector<256xf32>
    %div3A_218 = arith.divf %reduce_sum3A_198, %div3A_217 : vector<256xf32>
    %reduce_sum3A_219 = vector.shape_cast %convert_element_type3A : vector<256x256xf32> to vector<1x256x256xf32>
    %reduce_sum3A_220 = arith.constant dense<0.000000e+00> : vector<1xf32>
    %reduce_sum3A_221 = vector.multi_reduction <add>, %reduce_sum3A_219, %reduce_sum3A_220 [1, 2] : vector<1x256x256xf32> to vector<1xf32>
    %reduce_sum3A_222 = vector.shape_cast %reduce_sum3A_221 : vector<1xf32> to vector<1x1x1xf32>
    %reduce_sum3A_223 = vector.extract %reduce_sum3A_222[0, 0, 0] : f32 from vector<1x1x1xf32>
    %div3A_224 = vector.broadcast %reduce_sum3A_223 : f32 to vector<256x256xf32>
    %div3A_225 = arith.divf %convert_element_type3A, %div3A_224 : vector<256x256xf32>
    %reduce_sum3A_226 = vector.shape_cast %convert_element_type3A_189 : vector<256x256xf32> to vector<1x256x256xf32>
    %reduce_sum3A_227 = arith.constant dense<0.000000e+00> : vector<1xf32>
    %reduce_sum3A_228 = vector.multi_reduction <add>, %reduce_sum3A_226, %reduce_sum3A_227 [1, 2] : vector<1x256x256xf32> to vector<1xf32>
    %reduce_sum3A_229 = vector.shape_cast %reduce_sum3A_228 : vector<1xf32> to vector<1x1x1xf32>
    %reduce_sum3A_230 = vector.extract %reduce_sum3A_229[0, 0, 0] : f32 from vector<1x1x1xf32>
    %div3A_231 = vector.broadcast %reduce_sum3A_230 : f32 to vector<256x256xf32>
    %div3A_232 = arith.divf %convert_element_type3A_189, %div3A_231 : vector<256x256xf32>
    %add3A_233 = vector.broadcast %get3A_193 : f32 to vector<256x256xf32>
    %add3A_234 = arith.addf %div3A_225, %add3A_233 : vector<256x256xf32>
    %broadcast_in_dim3A = vector.shape_cast %div3A_211 : vector<256xf32> to vector<256x1xf32>
    %add3A_235 = vector.broadcast %get3A_193 : f32 to vector<256x1xf32>
    %add3A_236 = arith.addf %broadcast_in_dim3A, %add3A_235 : vector<256x1xf32>
    %broadcast_in_dim3A_237 = vector.shape_cast %div3A_204 : vector<256xf32> to vector<1x256xf32>
    %add3A_238 = vector.broadcast %get3A_193 : f32 to vector<1x256xf32>
    %add3A_239 = arith.addf %broadcast_in_dim3A_237, %add3A_238 : vector<1x256xf32>
    %mul3A = vector.broadcast %add3A_236 : vector<256x1xf32> to vector<256x256xf32>
    %mul3A_240 = vector.broadcast %add3A_239 : vector<1x256xf32> to vector<256x256xf32>
    %mul3A_241 = arith.mulf %mul3A, %mul3A_240 : vector<256x256xf32>
    %div3A_242 = arith.divf %add3A_234, %mul3A_241 : vector<256x256xf32>
    %log3A = math.log %div3A_242 : vector<256x256xf32>
    %mul3A_243 = arith.mulf %div3A_225, %log3A : vector<256x256xf32>
    %reduce_sum3A_244 = vector.shape_cast %mul3A_243 : vector<256x256xf32> to vector<1x256x256xf32>
    %reduce_sum3A_245 = arith.constant dense<0.000000e+00> : vector<1xf32>
    %reduce_sum3A_246 = vector.multi_reduction <add>, %reduce_sum3A_244, %reduce_sum3A_245 [1, 2] : vector<1x256x256xf32> to vector<1xf32>
    %reduce_sum3A_247 = vector.shape_cast %reduce_sum3A_246 : vector<1xf32> to vector<1x1x1xf32>
    %reduce_sum3A_248 = vector.extract %reduce_sum3A_247[0, 0, 0] : f32 from vector<1x1x1xf32>
    %add3A_249 = vector.broadcast %get3A_193 : f32 to vector<256x256xf32>
    %add3A_250 = arith.addf %div3A_232, %add3A_249 : vector<256x256xf32>
    %broadcast_in_dim3A_251 = vector.shape_cast %div3A_218 : vector<256xf32> to vector<256x1xf32>
    %add3A_252 = vector.broadcast %get3A_193 : f32 to vector<256x1xf32>
    %add3A_253 = arith.addf %broadcast_in_dim3A_251, %add3A_252 : vector<256x1xf32>
    %broadcast_in_dim3A_254 = vector.shape_cast %div3A_204 : vector<256xf32> to vector<1x256xf32>
    %add3A_255 = vector.broadcast %get3A_193 : f32 to vector<1x256xf32>
    %add3A_256 = arith.addf %broadcast_in_dim3A_254, %add3A_255 : vector<1x256xf32>
    %mul3A_257 = vector.broadcast %add3A_253 : vector<256x1xf32> to vector<256x256xf32>
    %mul3A_258 = vector.broadcast %add3A_256 : vector<1x256xf32> to vector<256x256xf32>
    %mul3A_259 = arith.mulf %mul3A_257, %mul3A_258 : vector<256x256xf32>
    %div3A_260 = arith.divf %add3A_250, %mul3A_259 : vector<256x256xf32>
    %log3A_261 = math.log %div3A_260 : vector<256x256xf32>
    %mul3A_262 = arith.mulf %div3A_232, %log3A_261 : vector<256x256xf32>
    %reduce_sum3A_263 = vector.shape_cast %mul3A_262 : vector<256x256xf32> to vector<1x256x256xf32>
    %reduce_sum3A_264 = arith.constant dense<0.000000e+00> : vector<1xf32>
    %reduce_sum3A_265 = vector.multi_reduction <add>, %reduce_sum3A_263, %reduce_sum3A_264 [1, 2] : vector<1x256x256xf32> to vector<1xf32>
    %reduce_sum3A_266 = vector.shape_cast %reduce_sum3A_265 : vector<1xf32> to vector<1x1x1xf32>
    %reduce_sum3A_267 = vector.extract %reduce_sum3A_266[0, 0, 0] : f32 from vector<1x1x1xf32>
    %add3A_268 = arith.addf %reduce_sum3A_248, %reduce_sum3A_267 : f32
    %mul3A_269 = arith.constant -1.000000e+00 : f32
    %mul3A_270 = arith.mulf %mul3A_269, %add3A_268 : f32
    %reshape3A_271 = vector.broadcast %mul3A_270 : f32 to vector<1x1xf32>
    %swap3A = arith.constant 0 : index
    %swap3A_272 = arith.constant 0 : index
    %swap3A_273 = vector.load %arg2[%swap3A, %swap3A_272] : memref<1x1xf32, #tpu.memory_space<vmem>>, vector<1x1xf32>
    tpu.vector_store %arg2[%swap3A, %swap3A_272], %reshape3A_271 {strides = array<i32>} : memref<1x1xf32, #tpu.memory_space<vmem>>, vector<1x1xf32>,
    return
  }
}

</mosaic_0001>

<sc_bundles>
// kernel: kernel.4.cloned.1.call-start
scs
__scs_entry_jumppad:
0x0: {  	(pc) =	sbr.rel $0x88, $3  }
0x1: {  	(tag) =	ssettag $0x0;
	lr =	simm.s32 $0x1  }
0x2: {  	[smem:$0x3F9D] =	sst lr;
	_ =	strace $0xD0000000  }
0x3: {  	_ = 	snop  }
0x4: {  	_ = 	snop  }
0x5: {  	_ = 	snop  }
0x6: {  	_ = 	snop  }
0x7: {  	_ = 	snop  }
__scs_overlays_trampoline_lowered:
0x8: {  	[smem:$0x3FAC] =	sst s0  }
0x9: {  	[smem:$0x3FAD] =	sst s1  }
0xa: {  	[smem:$0x3FAE] =	sst s2  }
0xb: {  	[smem:$0x3FAF] =	sst s3  }
0xc: {  	[smem:$0x3FB0] =	sst s4  }
0xd: {  	[smem:$0x3FB1] =	sst s5  }
0xe: {  	[smem:$0x3FB2] =	sst s6  }
0xf: {  	[smem:$0x3FB3] =	sst s7  }
0x10: {  	[smem:$0x3FB4] =	sst s8  }
0x11: {  	[smem:$0x3FB5] =	sst s9;
	s0 =	simm.s32 @!p0 $0x0  }
0x12: {  	s1 =	sld [smem:$0x3F9B];
	s0 =	simm.s32 @p0 $0x1  }
0x13: {  	[smem:$0x3FB6] =	sst s0;
	s0 =	simm.s32 @!p1 $0x0  }
0x14: {  	s2 =	sld [smem:$0x3F9A];
	s0 =	simm.s32 @p1 $0x1  }
0x15: {  	[smem:$0x3FB7] =	sst s0;
	s0 =	simm.s32 @!p2 $0x0  }
0x16: {  	s3 =	sld [smem:$0x3FDB];
	s0 =	simm.s32 @p2 $0x1  }
0x17: {  	s4 =	simm.s32 $0x1BF5;
	[smem:$0x3FB9] =	sst s0  }
0x18: {  	s0 =	sld [smem:$0x3F9C];
	_ =	swait.ge [sflag:s4], $0x0  }
0x19: {  	s7 =	sld [smem:$0x3F9D]  }
0x1a: {  	s8 =	sadd.s32 $0xFFFFE003, lr  }
0x1b: {  	s9 =	sadd.s32 $0xFFFFFEF7, lr;
	s5 =	simm.s32 $0xFFFFFFFF;
	p2 =	slt.u32 s8, $0xFFFFF086  }
0x1c: {  	p1 =	slt.u32 s9, $0xF7A;
	s5 =	simm.s32 @!p2 $0x0  }
0x1d: {  	s5 =	simm.s32 @p1 $0x1;
	p0 =	seq.s32 s7, s2  }
0x1e: {  	s7 =	smul.u32 @!p0 $0xF7A, s2;
	p2 =	seq.s32 @!p0 s5, $0x0  }
0x1f: {  	s9 =	smul.u32 $0xF7A, s1;
	s8 =	simm.s32 @!p0 $0x1BF5;
	p2 =	por !p2, p0  }
0x20: {  	[sflag:s8] =	ssyncset.s32 @!p0 $0xFFFFF086;
	s6 =	sadd.s32 @!p0 s3, s7;
	s7 =	simm.s32 @!p0 $0x108  }
0x21: {  	s3 =	sadd.s32 s3, s9;
	s6 =	sadd.s32 @!p0 $0x88, s6;
	s7 =	simm.s32 @p2 $0x1082  }
0x22: {  	[simem:s7], [sflag:s8] =	dma.local @!p0 [hbm:s6], $0xF7A  }
0x23: {  	s9 =	sor.u32 $0xD0000000, s2;
	s6 =	simm.s32 $0x108;
	_ =	swait.ge @!p0 [sflag:s8], $0x0  }
0x24: {  	s3 =	sadd.s32 $0x88, s3;
	s6 =	simm.s32 @!p1 $0x1082;
	[sflag:s4] =	ssyncset.s32 $0xFFFFF086  }
0x25: {  	[simem:s6], [sflag:s4] =	dma.local [hbm:s3], $0xF7A  }
0x26: {  	[smem:$0x3F9D] =	sst s1;
	(tag) =	ssettag s2;
	_ =	strace s9  }
0x27: {  	s1 =	sld [smem:$0x3FAD]  }
0x28: {  	s2 =	sld [smem:$0x3FAE]  }
0x29: {  	s4 =	sld [smem:$0x3FB0]  }
0x2a: {  	p0 =	seq.s32 s5, $0x0;
	s5 =	sld [smem:$0x3FB1]  }
0x2b: {  	s6 =	sld [smem:$0x3FB2]  }
0x2c: {  	s7 =	sld [smem:$0x3FB3]  }
0x2d: {  	s3 =	simm.s32 $0x108;
	s8 =	sld [smem:$0x3FB4]  }
0x2e: {  	s3 =	simm.s32 @!p0 $0x1082;
	s9 =	sld [smem:$0x3FB5]  }
0x2f: {  	lr =	sadd.s32 s0, s3;
	s0 =	sld [smem:$0x3FAC]  }
0x30: {  	s3 =	sld [smem:$0x3FAF]  }
0x31: {  	[smem:$0x3FB8] =	sst s10  }
0x32: {  	s10 =	sld [smem:$0x3FB6];
	_ =	sdelay $0x3  }
0x33: {  	p0 =	seq.s32 s10, $0x1;
	s10 =	sld [smem:$0x3FB8];
	_ =	sdelay $0x3  }
0x34: {  	[smem:$0x3FB8] =	sst s10  }
0x35: {  	s10 =	sld [smem:$0x3FB7];
	_ =	sdelay $0x3  }
0x36: {  	p1 =	seq.s32 s10, $0x1;
	s10 =	sld [smem:$0x3FB8];
	_ =	sdelay $0x3  }
0x37: {  	[smem:$0x3FB8] =	sst s10  }
0x38: {  	s10 =	sld [smem:$0x3FB9]  }
0x39: {  	_ = 	snop;
	(pc) =	sbr.ind lr, $3  }
0x3a: {  	_ = 	snop  }
0x3b: {  	_ = 	snop  }
0x3c: {  	p2 =	seq.s32 s10, $0x1;
	s10 =	sld [smem:$0x3FB8]  }
0x3d: {  	_ =	shalt  }
0x3e: {  	_ =	shalt  }
0x3f: {  	_ =	shalt  }
0x40: {  	_ =	shalt  }
0x41: {  	_ =	shalt  }
0x42: {  	_ =	shalt  }
0x43: {  	_ =	shalt  }
0x44: {  	_ =	shalt  }
0x45: {  	_ =	shalt  }
0x46: {  	_ =	shalt  }
0x47: {  	_ =	shalt  }
0x48: {  	_ =	shalt  }
0x49: {  	_ =	shalt  }
0x4a: {  	_ =	shalt  }
0x4b: {  	_ =	shalt  }
0x4c: {  	_ =	shalt  }
0x4d: {  	_ =	shalt  }
0x4e: {  	_ =	shalt  }
0x4f: {  	_ =	shalt  }
0x50: {  	_ =	shalt  }
0x51: {  	_ =	shalt  }
0x52: {  	_ =	shalt  }
0x53: {  	_ =	shalt  }
0x54: {  	_ =	shalt  }
0x55: {  	_ =	shalt  }
0x56: {  	_ =	shalt  }
0x57: {  	_ =	shalt  }
0x58: {  	_ =	shalt  }
0x59: {  	_ =	shalt  }
0x5a: {  	_ =	shalt  }
0x5b: {  	_ =	shalt  }
0x5c: {  	_ =	shalt  }
0x5d: {  	_ =	shalt  }
0x5e: {  	_ =	shalt  }
0x5f: {  	_ =	shalt  }
0x60: {  	_ =	shalt  }
0x61: {  	_ =	shalt  }
0x62: {  	_ =	shalt  }
0x63: {  	_ =	shalt  }
0x64: {  	_ =	shalt  }
0x65: {  	_ =	shalt  }
0x66: {  	_ =	shalt  }
0x67: {  	_ =	shalt  }
0x68: {  	_ =	shalt  }
0x69: {  	_ =	shalt  }
0x6a: {  	_ =	shalt  }
0x6b: {  	_ =	shalt  }
0x6c: {  	_ =	shalt  }
0x6d: {  	_ =	shalt  }
0x6e: {  	_ =	shalt  }
0x6f: {  	_ =	shalt  }
0x70: {  	_ =	shalt  }
0x71: {  	_ =	shalt  }
0x72: {  	_ =	shalt  }
0x73: {  	_ =	shalt  }
0x74: {  	_ =	shalt  }
0x75: {  	_ =	shalt  }
0x76: {  	_ =	shalt  }
0x77: {  	_ =	shalt  }
0x78: {  	_ =	shalt  }
0x79: {  	_ =	shalt  }
0x7a: {  	_ =	shalt  }
0x7b: {  	_ =	shalt  }
0x7c: {  	_ =	shalt  }
0x7d: {  	_ =	shalt  }
0x7e: {  	_ =	shalt  }
0x7f: {  	_ =	shalt  }
0x80: {  	_ =	shalt  }
0x81: {  	_ =	shalt  }
0x82: {  	_ =	shalt  }
0x83: {  	_ =	shalt  }
0x84: {  	_ =	shalt  }
0x85: {  	_ =	shalt  }
0x86: {  	_ =	shalt  }
0x87: {  	_ =	shalt  }
.Lfunc_end0:
.L_simem_size_0:
called_computation_lowered:
.L_overlay_start_0:
0x88: {  	s2 =	sld [smem:$0x3FD9]  }
0x89: {  	s3 =	sld [smem:$0x3FFE];
	_ =	sdelay $0x1  }
0x8a: {  	s1 =	srdreg.scid  }
0x8b: {  	s0 =	sand.u32 $0x1, s1  }
0x8c: {  	s17 =	sshll.u32 s0, $0xA;
	s2 =	sadd.s32 s3, s2  }
0x8d: {  	s2 =	sadd.s32 s2, s17  }
0x8e: {  	[smem:$0x3FC4] =	sst s2  }
0x8f: {  	_ = 	snop  }
0x90: {  	s2 =	sld [smem:$0x3FC9]  }
0x91: {  	s18 =	sld [smem:$0x3FC8]  }
0x92: {  	s4 =	sld [smem:$0x3FC7];
	(tm) =	ssettm $0x1  }
0x93: {  	s5 =	sld [smem:$0x3FFB];
	_ =	sdelay $0x3  }
0x94: {  	_ =	strace s5  }
0x95: {  	s5 =	sld [smem:$0x3FFC];
	_ =	sdelay $0x3  }
0x96: {  	_ =	strace s5  }
0x97: {  	s5 =	sld [smem:$0x3FFD];
	_ =	sdelay $0x3  }
0x98: {  	_ =	strace s5  }
0x99: {  	_ =	strace $0x8FFFFFFF  }
0x9a: {  	s19 =	sld [smem:$0x3FDB];
	_ =	sdelay $0x1  }
0x9b: {  	s6 =	simm.s32 $_scs_section_size  }
0x9c: {  	s7 =	simm.s32 $_size__tile_overlayer_lowered;
	s8 =	simm.s32 $_tile_overlayer_lowered  }
0x9d: {  	s22 =	simm.s32 $0x1BFF;
	s21 =	sshll.u32 s8, $0x1;
	s5 =	sadd.s32 s6, s19  }
0x9e: {  	s9 =	simm.s32 $0x0;
	s20 =	sshll.u32 s7, $0x1;
	s7 =	sadd.s32 s21, s5  }
0x9f: {  	[timem:s9], [sflag:s22] =	dma.local [hbm:s7], s20  }
0xa0: {  	_ =	swait.ge [sflag:s22], s20  }
0xa1: {  	s6 =	ssub.s32 $0x0, s20;
	[sflag:s22] =	ssyncset.done $0x0  }
0xa2: {  	[sflag:s22] =	ssyncadd.s32 s6;
	_ =	sdelay $0x1  }
0xa3: {  	s23 =	simm.s32 $0x1B8B  }
0xa4: {  	_ =	swait.ge [sflag:s23], $0x1  }
0xa5: {  	[sflag:s23] =	ssyncset.done $0x0  }
0xa6: {  	s25 =	simm.s32 $0x1B8E;
	s24 =	sld [smem:$0x3FFE];
	[sflag:s23] =	ssyncadd.s32 $0xFFFFFFFF  }
0xa7: {  	s26 =	simm.s32 $execute0_lowered;
	[smem:$0x3FD2] =	sst s25  }
0xa8: {  	s7 =	sshll.u32 s26, $0x1;
	_ =	strace $0x80000046;
	[dreg:$0x1] =	wrdreg $0xFFFFFFFF  }
0xa9: {  	s28 =	simm.s32 $_size_execute0_lowered;
	s5 =	sadd.s32 s5, s7;
	[dreg:$0x0] =	wrdreg $0x0  }
0xaa: {  	s7 =	sshll.u32 s28, $0x1;
	[dreg:$0x2] =	wrdreg s5  }
0xab: {  	[dreg:$0x3] =	wrdreg s7  }
0xac: {  	[dreg:$0x4] =	wrdreg $0xC0  }
0xad: {  	_ =	task [dreg:s9], $0x5FFFF  }
0xae: {  	[dreg:$0x1] =	wrdreg $0xFFFFFFFF  }
0xaf: {  	[dreg:$0x0] =	wrdreg $0x60  }
0xb0: {  	[dreg:$0x2] =	wrdreg s2  }
0xb1: {  	[dreg:$0x3] =	wrdreg s18  }
0xb2: {  	[dreg:$0x4] =	wrdreg s4  }
0xb3: {  	[dreg:$0x5] =	wrdreg s24  }
0xb4: {  	[dreg:$0x6] =	wrdreg $0x9  }
0xb5: {  	_ =	task.clear_ibuf [dreg:s9], $0x7FFFF;
	_ =	strace $0x90000046  }
0xb6: {  	s29 =	simm.s32 $0x9;
	_ =	strace $0x80000048  }
0xb7: {  	_ =	swait.ge [sflag:s29], $0x1  }
0xb8: {  	[sflag:s29] =	ssyncadd.s32 $0xFFFFFFFF  }
0xb9: {  	_ =	strace $0x90000048  }
0xba: {  	_ =	sfence  }
0xbb: {  	s30 =	sld [smem:$0x0];
	_ =	sdelay $0x2  }
0xbc: {  	s31 =	sshll.u32 s1, $0xD;
	s1 =	sshrl.u32 s1, $0x2  }
0xbd: {  	s3 =	sand.u32 $0x4000, s31;
	s1 =	sadd.s32 s1, s30  }
0xbe: {  	s0 =	sor.u32 s3, s0;
	s1 =	sshll.u32 s1, $0x11  }
0xbf: {  	s0 =	sor.u32 s1, s0  }
0xc0: {  	s0 =	sadd.s32 $0x8F2B, s0  }
0xc1: {  	[sflag:s0] =	ssyncadd.remote.s32 $0x1  }
0xc2: {  	_ =	sfence.sel $0xFFFF  }
0xc3: {  	[dreg:$0x0] =	wrdreg $0xFFFFFFFF;
	(pc) =	sbr.abs _section_cstart, $3  }
0xc4: {  	[dreg:$0x1] =	wrdreg $0xFFFFFFFF  }
0xc5: {  	_ =	task.clear_ibuf [dreg:s9], $0x2FFFF;
	_ =	strace $0x9FFFFFFF  }
0xc6: {  	(tm) =	ssettm $0x7FFFFFFF  }
0xc7: {  	_ =	shalt  }
tec
execute0_lowered:
.L_overlay_start_1:
0x0: {  	(tag) =	ssettag $0x1  }
0x1: {  	s1 =	rddreg [dreg:$0x0]  }
0x2: {  	s2 =	rddreg [dreg:$0x1]  }
0x3: {  	s3 =	rddreg [dreg:$0x2]  }
0x4: {  	s5 =	rddreg [dreg:$0x3]  }
0x5: {  	s0 =	rddreg [dreg:$0x4];
	s4 =	simm.s32 $0x0;
	s6 =	srdreg.scid  }
0x6: {  	s13 =	simm.s32 $0x4000;
	s14 =	simm.s32 $0x6000;
	s15 =	simm.s32 $0x1  }
0x7: {  	s16 =	simm.s32 $0x2;
	s17 =	simm.s32 $0x8000;
	s18 =	simm.s32 $0x3  }
0x8: {  	s19 =	simm.s32 $0x4;
	s20 =	simm.s32 $0x80;
	s21 =	simm.s32 $0x400  }
0x9: {  	s22 =	simm.s32 $0x5;
	[smem:$0x7FF] =	sst s4;
	s7 =	sand.u32 $0x1, s6  }
0xa: {  	s23 =	simm.s32 $0x0;
	_ =	strace $0x80000047;
	s6 =	sshll.u32 s7, $0x11  }
0xb: {  	s8 =	ssub.s32 $0x2, s7;
	s9 =	sadd.s32 s6, s5;
	s5 =	stileid.u32  }
0xc: {  	p0 =	seq.s32 s7, $0x1;
	s30 =	sshrl.u32 s8, $0x1;
	s6 =	smul.u32 $0x3, s5  }
.Ltmp0:
0xd: {  	s11 =	ssub.s32 s8, s30;
	s31 =	sshll.u32 s5, $0xD;
	(pc) =	sbr.rel .LBB2_1-.Ltmp0, $4  }
0xe: {  	s10 =	smul.u32 $0x18000, s5;
	s12 =	sshll.u32 s5, $0x4;
	s8 =	sand.u32 $0x10000, s31  }
0xf: {  	s12 =	sand.u32 $0x70, s12;
	s11 =	smax.u32 s11, $0x1;
	s9 =	sadd.s32 s8, s9  }
0x10: {  	s7 =	sadd.s32 s1, s10;
	s8 =	sadd.s32 s2, s10;
	s12 =	sadd.s32 s12, s9  }
0x11: {  	v0 =	vimm.s32 $0x0;
	s9 =	sadd.s32 s3, s10;
	s10 =	sadd.s32 $0x600, s12;
	s12 =	simm.s32 $0x2000  }
.LBB2_18:
0x12: {  	s23 =	sadd.s32 $0x1, s23  }
0x13: {  	p1 =	sne.s32 s23, s11  }
.Ltmp1:
0x14: {  	_ = 	snop;
	(pc) =	sbr.rel @!p1 .LBB2_19-.Ltmp1, $4  }
0x15: {  	[hbm4b:s10+s20] =	stream.strided.scatter [tilespmem:s17], [sflag:$0x5], $0x10000, s21, s20, $0x38;
	[tilespmem:$0x18000] =	vst v63  }
0x16: {  	_ =	swait.ge [sflag:s22], $0x10000  }
0x17: {  	[sflag:s22] =	ssyncset.done $0x0  }
0x18: {  	[sflag:s22] =	ssyncadd.s32 $0xFFFF0000  }
.LBB2_1:
.Ltmp2:
0x19: {  	(pc) =	sbr.rel @!p0 .LBB2_2-.Ltmp2, $2  }
0x1a: {  	_ =	sdelay $0x2  }
0x1b: {  	[tilespmem:s4], [sflag:$0x1] =	stream.linear.gather [hbm4b:s7+s4], $0x2000, $0x38;
	[tilespmem:$0x18000] =	vst v63  }
0x1c: {  	[tilespmem:s12], [sflag:$0x2] =	stream.linear.gather [hbm4b:s9+s4], $0x2000, $0x38;
	[tilespmem:$0x18000] =	vst v63  }
0x1d: {  	s24 =	simm.s32 $0x8040  }
0x1e: {  	[tilespmem:s24+$0xFFFFFFC0] =	vst v0  }
0x1f: {  	[tilespmem:s24+$0x30] =	vst v0  }
0x20: {  	[tilespmem:s24+$0x20] =	vst v0  }
0x21: {  	[tilespmem:s24+$0x10] =	vst v0  }
0x22: {  	[tilespmem:s24+$0x0] =	vst v0  }
0x23: {  	[tilespmem:s24+$0xFFFFFFF0] =	vst v0  }
0x24: {  	s25 =	simm.s32 $0x0;
	[tilespmem:s24+$0xFFFFFFE0] =	vst v0  }
.LBB2_11:
0x25: {  	s25 =	sadd.s32 $0x80, s25;
	[tilespmem:s24+$0xFFFFFFD0] =	vst v0;
	s24 =	sadd.s32 $0x80, s24  }
0x26: {  	[tilespmem:s24+$0xFFFFFFC0] =	vst v0;
	p1 =	slt.u32 s25, $0xFF80  }
0x27: {  	[tilespmem:s24+$0x30] =	vst v0  }
.Ltmp3:
0x28: {  	[tilespmem:s24+$0x20] =	vst v0;
	(pc) =	sbr.rel @p1 .LBB2_11-.Ltmp3, $4  }
0x29: {  	[tilespmem:s24+$0x10] =	vst v0  }
0x2a: {  	[tilespmem:s24+$0x0] =	vst v0  }
0x2b: {  	[tilespmem:s24+$0xFFFFFFF0] =	vst v0  }
0x2c: {  	[tilespmem:s24+$0xFFFFFFE0] =	vst v0  }
0x2d: {  	[tilespmem:s24+$0xFFFFFFD0] =	vst v0;
	s24 =	simm.s32 $0x0;
	s25 =	simm.s32 $0x0  }
.LBB2_13:
0x2e: {  	s26 =	sshrl.u32 s25, $0x4  }
0x2f: {  	s26 =	sadd.s32 s6, s26  }
0x30: {  	s28 =	smulhi.u32 $0x55555556, s26;
	_ =	sdelay $0x1  }
0x31: {  	s29 =	smul.u32 $0x3, s28;
	_ =	sdelay $0x1  }
0x32: {  	s28 =	smul.u32 $0xC0000, s28;
	s26 =	ssub.s32 s26, s29  }
0x33: {  	s31 =	sshll.u32 s25, $0xE;
	s26 =	sshll.u32 s26, $0x12  }
0x34: {  	s26 =	sadd.s32 s26, s28;
	s28 =	sand.u32 $0x3C000, s31  }
0x35: {  	s26 =	sor.u32 s26, s28  }
0x36: {  	s26 =	sor.u32 $0x2000, s26  }
0x37: {  	s26 =	sshrl.u32 s26, $0x3  }
0x38: {  	s28 =	sadd.s32 s1, s26  }
0x39: {  	[tilespmem:s13], [sflag:$0x3] =	stream.linear.gather [hbm4b:s28+s24], $0x2000, $0x38;
	[tilespmem:$0x18000] =	vst v63  }
0x3a: {  	s26 =	sadd.s32 s3, s26  }
0x3b: {  	[tilespmem:s14], [sflag:$0x4] =	stream.linear.gather [hbm4b:s26+s24], $0x2000, $0x38;
	[tilespmem:$0x18000] =	vst v63  }
0x3c: {  	_ =	swait.ge [sflag:s15], $0x2000  }
0x3d: {  	[sflag:s15] =	ssyncset.done $0x0  }
0x3e: {  	s30 =	simm.s32 $0x0;
	s31 =	simm.s32 $0x0;
	[sflag:s15] =	ssyncadd.s32 $0xFFFFE000  }
0x3f: {  	s28 =	sand.u32 $0xC00, s24;
	s26 =	sand.u32 $0x1000, s30;
	_ =	swait.ge [sflag:s16], $0x2000  }
0x40: {  	s26 =	sor.u32 s28, s26;
	s28 =	sand.u32 $0x380, s31;
	[sflag:s16] =	ssyncset.done $0x0  }
0x41: {  	s26 =	sor.u32 s28, s26;
	[sflag:s16] =	ssyncadd.s32 $0xFFFFE000  }
0x42: {  	v1 =	vld [tilespmem:s26+$0x70]  }
0x43: {  	v2 =	vld [tilespmem:s26+$0x2070]  }
0x44: {  	v3 =	vld [tilespmem:s26+$0x0]  }
0x45: {  	v4 =	vld [tilespmem:s26+$0x10]  }
0x46: {  	v5 =	vld [tilespmem:s26+$0x20]  }
0x47: {  	v6 =	vld [tilespmem:s26+$0x30]  }
0x48: {  	v7 =	vld [tilespmem:s26+$0x40]  }
0x49: {  	v8 =	vld [tilespmem:s26+$0x50]  }
0x4a: {  	v9 =	vld [tilespmem:s26+$0x60]  }
0x4b: {  	v10 =	vld [tilespmem:s26+$0x2000]  }
0x4c: {  	v11 =	vld [tilespmem:s26+$0x2010]  }
0x4d: {  	v12 =	vld [tilespmem:s26+$0x2020]  }
0x4e: {  	v13 =	vld [tilespmem:s26+$0x2030];
	v1 =	vmul.f32 $2.560000000e+02, v1  }
0x4f: {  	v14 =	vld [tilespmem:s26+$0x2040];
	v2 =	vmul.f32 $2.560000000e+02, v2;
	v3 =	vmul.f32 $2.560000000e+02, v3  }
0x50: {  	v15 =	vld [tilespmem:s26+$0x2050];
	v4 =	vmul.f32 $2.560000000e+02, v4;
	v5 =	vmul.f32 $2.560000000e+02, v5  }
0x51: {  	v6 =	vmul.f32 $2.560000000e+02, v6;
	v7 =	vmul.f32 $2.560000000e+02, v7  }
0x52: {  	v8 =	vmul.f32 $2.560000000e+02, v8;
	v9 =	vmul.f32 $2.560000000e+02, v9  }
0x53: {  	v10 =	vmul.f32 $2.560000000e+02, v10;
	v11 =	vmul.f32 $2.560000000e+02, v11  }
0x54: {  	v12 =	vmul.f32 $2.560000000e+02, v12;
	v13 =	vmul.f32 $2.560000000e+02, v13  }
0x55: {  	v14 =	vmul.f32 $2.560000000e+02, v14;
	v15 =	vmul.f32 $2.560000000e+02, v15  }
0x56: {  	s29 =	simm.s32 $0x80;
	s28 =	simm.s32 $0x400;
	v1 =	vtrunc.f32 v1;
	v2 =	vtrunc.f32 v2  }
0x57: {  	s30 =	simm.s32 $0x20;
	s28 =	sand.u32 $0xC00, s28;
	v16 =	vld [tilespmem:s26+$0x2060];
	s26 =	sand.u32 $0x1000, s29;
	v3 =	vtrunc.f32 v3;
	v4 =	vtrunc.f32 v4  }
0x58: {  	s26 =	sor.u32 s28, s26;
	s28 =	sand.u32 $0x380, s30;
	v5 =	vtrunc.f32 v5;
	v6 =	vtrunc.f32 v6  }
0x59: {  	s26 =	sor.u32 s28, s26;
	v7 =	vtrunc.f32 v7;
	v8 =	vtrunc.f32 v8  }
0x5a: {  	v23 =	vld [tilespmem:s26+$0x2050];
	v9 =	vtrunc.f32 v9;
	v12 =	vtrunc.f32 v12  }
0x5b: {  	v24 =	vld [tilespmem:s26+$0x2060];
	v13 =	vtrunc.f32 v13;
	v14 =	vtrunc.f32 v14  }
0x5c: {  	v15 =	vtrunc.f32 v15;
	v1 =	vcvt.f32.s32 v1  }
0x5d: {  	v2 =	vcvt.f32.s32 v2;
	v3 =	vcvt.f32.s32 v3  }
0x5e: {  	v4 =	vcvt.f32.s32 v4;
	v5 =	vcvt.f32.s32 v5  }
0x5f: {  	v6 =	vcvt.f32.s32 v6;
	v23 =	vmul.f32 $2.560000000e+02, v23;
	v1 =	vshll.u32 v1, $0x8  }
0x60: {  	v24 =	vmul.f32 $2.560000000e+02, v24;
	v17 =	vadd.s32 v2, v1;
	v1 =	vcvt.f32.s32 v7  }
0x61: {  	v7 =	vcvt.f32.s32 v8;
	v8 =	vcvt.f32.s32 v9  }
0x62: {  	v9 =	vtrunc.f32 v10;
	v10 =	vtrunc.f32 v11;
	v11 =	vld [tilespmem:s26+$0x70]  }
0x63: {  	v3 =	vshll.u32 v3, $0x8;
	v4 =	vshll.u32 v4, $0x8;
	v2 =	vmul.f32 $2.560000000e+02, v16;
	v16 =	vld [tilespmem:s26+$0x2070]  }
0x64: {  	v23 =	vtrunc.f32 v23;
	v9 =	vcvt.f32.s32 v9;
	v20 =	vshll.u32 v1, $0x8;
	v1 =	vld [tilespmem:s26+$0x0]  }
0x65: {  	v5 =	vshll.u32 v5, $0x8;
	(xrf1) =	vunique.msk.u32 $0xffff, v17;
	v21 =	vtrunc.f32 v2;
	v2 =	vcvt.f32.s32 v10  }
0x66: {  	v10 =	vcvt.f32.s32 v12;
	v18 =	vadd.s32 v9, v3;
	v3 =	vcvt.f32.s32 v13  }
0x67: {  	v6 =	vshll.u32 v6, $0x8;
	v9 =	vcvt.f32.s32 v14;
	v11 =	vmul.f32 $2.560000000e+02, v11  }
0x68: {  	v22 =	vld [tilespmem:s26+$0x10];
	v19 =	vadd.s32 v2, v4;
	v4 =	vcvt.f32.s32 v15;
	(xrf1) =	vunique.msk.u32 $0xffff, v18;
	v15 =	vmul.f32 $2.560000000e+02, v16  }
0x69: {  	v12 =	vld [tilespmem:s26+$0x20];
	v2 =	vadd.s32 v10, v5;
	(xrf1) =	vunique.msk.u32 $0xffff, v19;
	v5 =	vmul.f32 $2.560000000e+02, v1;
	v11 =	vtrunc.f32 v11  }
0x6a: {  	v13 =	vld [tilespmem:s26+$0x30];
	(xrf1) =	vunique.msk.u32 $0xffff, v2;
	v1 =	vadd.s32 v3, v6;
	v6 =	vcvt.f32.s32 v11;
	v11 =	vtrunc.f32 v15  }
0x6b: {  	v7 =	vshll.u32 v7, $0x8;
	v14 =	vld [tilespmem:s26+$0x40];
	v3 =	vadd.s32 v9, v20;
	(xrf1) =	vunique.msk.u32 $0xffff, v1;
	v11 =	vcvt.f32.s32 v11  }
0x6c: {  	v10 =	vcvt.f32.s32 v21;
	v21 =	vld [tilespmem:s26+$0x2030];
	v4 =	vadd.s32 v4, v7;
	(xrf1) =	vunique.msk.u32 $0xffff, v3;
	v6 =	vshll.u32 v6, $0x8  }
0x6d: {  	v24 =	vtrunc.f32 v24;
	v23 =	vcvt.f32.s32 v23;
	v16 =	vld [tilespmem:s26+$0x50];
	(xrf1) =	vunique.msk.u32 $0xffff, v4;
	v11 =	vadd.s32 v11, v6  }
0x6e: {  	v38 =	vcvt.f32.s32 v24;
	v9 =	vmul.f32 $2.560000000e+02, v22;
	(xrf1) =	vunique.msk.u32 $0xffff, v11  }
0x6f: {  	v12 =	vmul.f32 $2.560000000e+02, v12;
	v13 =	vmul.f32 $2.560000000e+02, v13  }
0x70: {  	v7 =	vld [tilespmem:s26+$0x2000];
	v14 =	vmul.f32 $2.560000000e+02, v14;
	v5 =	vtrunc.f32 v5  }
0x71: {  	v12 =	vtrunc.f32 v12;
	v6 =	vtrunc.f32 v9;
	v9 =	vld [tilespmem:s26+$0x2020]  }
0x72: {  	v15 =	vld [tilespmem:s26+$0x60];
	v21 =	vmul.f32 $2.560000000e+02, v21;
	v16 =	vmul.f32 $2.560000000e+02, v16  }
0x73: {  	v20 =	vld [tilespmem:s26+$0x2010];
	v13 =	vtrunc.f32 v13;
	v14 =	vtrunc.f32 v14;
	_, v25, vm1 =	vpop (xrf1)  }
0x74: {  	s28 =	simm.s32 $0x100;
	v22 =	vld [tilespmem:s26+$0x2040];
	v26 =	vcvt.f32.s32 v5;
	v12 =	vcvt.f32.s32 v12;
	s26 =	simm.s32 $0x800  }
0x75: {  	s30 =	simm.s32 $0x40;
	s28 =	sand.u32 $0x1000, s28;
	v7 =	vmul.f32 $2.560000000e+02, v7;
	v13 =	vcvt.f32.s32 v13;
	s31 =	sand.u32 $0xC00, s26  }
0x76: {  	v14 =	vcvt.f32.s32 v14;
	s28 =	sor.u32 s31, s28;
	s31 =	sand.u32 $0x380, s30;
	v9 =	vmul.f32 $2.560000000e+02, v9;
	_, v34, vm4 =	vpop (xrf1)  }
0x77: {  	v8 =	vshll.u32 v8, $0x8;
	v21 =	vtrunc.f32 v21;
	v15 =	vmul.f32 $2.560000000e+02, v15;
	s28 =	sor.u32 s31, s28;
	_, v35, vm5 =	vpop (xrf1)  }
0x78: {  	v10 =	vadd.s32 v10, v8;
	v16 =	vtrunc.f32 v16;
	v20 =	vmul.f32 $2.560000000e+02, v20;
	v8 =	vld [tilespmem:s28+$0x2070];
	_, v5, vm0 =	vpop (xrf1)  }
0x79: {  	v27 =	vcvt.f32.s32 v6;
	v15 =	vtrunc.f32 v15;
	[tilespmem:v17+s17+$0x0] =	vst.idx.add.s32.msk vm1, v25;
	_, v6, vm1 =	vpop (xrf1)  }
0x7a: {  	v28 =	vcvt.f32.s32 v15;
	v15 =	vtrunc.f32 v7;
	_, v7, vm2 =	vpop (xrf1)  }
0x7b: {  	v22 =	vmul.f32 $2.560000000e+02, v22;
	v25 =	vtrunc.f32 v9;
	_, v9, vm3 =	vpop (xrf1)  }
0x7c: {  	v26 =	vshll.u32 v26, $0x8;
	v12 =	vshll.u32 v12, $0x8;
	v21 =	vcvt.f32.s32 v21;
	v29 =	vld [tilespmem:s28+$0x0];
	(xrf1) =	vunique.msk.u32 $0xffff, v10;
	_, v30, vm6 =	vpop (xrf1)  }
0x7d: {  	v16 =	vcvt.f32.s32 v16;
	v13 =	vshll.u32 v13, $0x8;
	v17 =	vtrunc.f32 v20;
	v20 =	vld [tilespmem:s28+$0x70]  }
0x7e: {  	v36 =	vshll.u32 v14, $0x8;
	v31 =	vld [tilespmem:s28+$0x10];
	v15 =	vcvt.f32.s32 v15;
	v14 =	vmul.f32 $2.560000000e+02, v8  }
0x7f: {  	v22 =	vtrunc.f32 v22;
	v27 =	vshll.u32 v27, $0x8;
	v37 =	vld [tilespmem:s28+$0x40];
	v25 =	vcvt.f32.s32 v25  }
0x80: {  	v24 =	vld [tilespmem:s28+$0x50];
	v8 =	vadd.s32 v15, v26;
	v17 =	vcvt.f32.s32 v17;
	v14 =	vtrunc.f32 v14  }
0x81: {  	v15 =	vmul.f32 $2.560000000e+02, v29;
	v39 =	vcvt.f32.s32 v14;
	v14 =	vadd.s32 v25, v12;
	v25 =	vld [tilespmem:s28+$0x2000]  }
0x82: {  	v20 =	vmul.f32 $2.560000000e+02, v20;
	(xrf1) =	vunique.msk.u32 $0xffff, v8;
	[tilespmem:v11+s17+$0x0] =	vst.idx.add.s32.msk vm6, v30;
	v11 =	vadd.s32 v17, v27  }
0x83: {  	v32 =	vld [tilespmem:s28+$0x20];
	v22 =	vcvt.f32.s32 v22;
	v26 =	vshll.u32 v16, $0x8;
	v61 =	vtrunc.f32 v15;
	(xrf1) =	vunique.msk.u32 $0xffff, v11  }
0x84: {  	v33 =	vld [tilespmem:s28+$0x30];
	v16 =	vadd.s32 v21, v13;
	v20 =	vtrunc.f32 v20;
	v17 =	vmul.f32 $2.560000000e+02, v31;
	(xrf1) =	vunique.msk.u32 $0xffff, v14  }
0x85: {  	v13 =	vadd.s32 v23, v26;
	v15 =	vmul.f32 $2.560000000e+02, v37;
	v20 =	vcvt.f32.s32 v20  }
0x86: {  	v40 =	vld [tilespmem:s28+$0x2010];
	v12 =	vadd.s32 v22, v36;
	v62 =	vtrunc.f32 v17;
	v17 =	vmul.f32 $2.560000000e+02, v24;
	(xrf1) =	vunique.msk.u32 $0xffff, v16  }
0x87: {  	v26 =	vld [tilespmem:s28+$0x2030];
	v21 =	vmul.f32 $2.560000000e+02, v25;
	v20 =	vshll.u32 v20, $0x8;
	v24 =	vtrunc.f32 v15;
	(xrf1) =	vunique.msk.u32 $0xffff, v12  }
0x88: {  	v30 =	vld [tilespmem:s28+$0x60];
	v15 =	vadd.s32 v39, v20;
	v25 =	vtrunc.f32 v17;
	v17 =	vshll.u32 v28, $0x8;
	(xrf1) =	vunique.msk.u32 $0xffff, v13  }
0x89: {  	v63 =	vld [tilespmem:s28+$0x2020];
	v27 =	vmul.f32 $2.560000000e+02, v32;
	v31 =	vmul.f32 $2.560000000e+02, v33;
	v17 =	vadd.s32 v38, v17;
	(xrf1) =	vunique.msk.u32 $0xffff, v15  }
0x8a: {  	[tilespmem:v18+s17+$0x0] =	vst.idx.add.s32.msk vm4, v34;
	_, v18, vm4 =	vpop (xrf1);
	(xrf1) =	vunique.msk.u32 $0xffff, v17  }
0x8b: {  	v29 =	vtrunc.f32 v27;
	v27 =	vtrunc.f32 v31;
	v31 =	vld [tilespmem:s28+$0x2040]  }
0x8c: {  	v22 =	vmul.f32 $2.560000000e+02, v40;
	v32 =	vld [tilespmem:s28+$0x2050]  }
0x8d: {  	v26 =	vmul.f32 $2.560000000e+02, v26;
	v23 =	vmul.f32 $2.560000000e+02, v30;
	v30 =	vld [tilespmem:s28+$0x2060]  }
0x8e: {  	v33 =	vcvt.f32.s32 v61;
	v34 =	vcvt.f32.s32 v62  }
0x8f: {  	[tilespmem:v19+s17+$0x0] =	vst.idx.add.s32.msk vm5, v35;
	s28 =	simm.s32 $0x10;
	v28 =	vtrunc.f32 v23;
	v23 =	vmul.f32 $2.560000000e+02, v63  }
.LBB2_14:
0x90: {  	s28 =	sadd.s32 $0x8, s28;
	v33 =	vshll.u32 v33, $0x8;
	v29 =	vcvt.f32.s32 v29;
	v31 =	vmul.f32 $2.560000000e+02, v31;
	_, v19, vm5 =	vpop (xrf1);
	[tilespmem:v2+s17+$0x0] =	vst.idx.add.s32.msk vm0, v5  }
0x91: {  	v35 =	vcvt.f32.s32 v27;
	s26 =	sadd.s32 $0x400, s26;
	s29 =	sshll.u32 s28, $0x4;
	p1 =	slt.u32 s28, $0x1F8;
	v34 =	vshll.u32 v34, $0x8;
	v27 =	vmul.f32 $2.560000000e+02, v32;
	_, v20, vm6 =	vpop (xrf1);
	[tilespmem:v1+s17+$0x0] =	vst.idx.add.s32.msk vm1, v6  }
0x92: {  	s30 =	sand.u32 $0xC00, s26;
	s31 =	sshll.u32 s28, $0x2;
	v32 =	vcvt.f32.s32 v24;
	s29 =	sand.u32 $0x1000, s29;
	v29 =	vshll.u32 v29, $0x8;
	v24 =	vmul.f32 $2.560000000e+02, v30;
	_, v5, vm0 =	vpop (xrf1);
	[tilespmem:v3+s17+$0x0] =	vst.idx.add.s32.msk vm2, v7  }
0x93: {  	v2 =	vmovc v14;
	v1 =	vmovc v16;
	v30 =	vshll.u32 v35, $0x8;
	v3 =	vcvt.f32.s32 v25;
	v25 =	vcvt.f32.s32 v28;
	s29 =	sor.u32 s30, s29;
	s30 =	sand.u32 $0x380, s31;
	[tilespmem:v4+s17+$0x0] =	vst.idx.add.s32.msk vm3, v9  }
0x94: {  	v14 =	vtrunc.f32 v22;
	v4 =	vtrunc.f32 v21;
	v21 =	vshll.u32 v32, $0x8;
	s29 =	sor.u32 s30, s29;
	_, v6, vm1 =	vpop (xrf1);
	[tilespmem:v10+s17+$0x0] =	vst.idx.add.s32.msk vm4, v18  }
0x95: {  	v22 =	vtrunc.f32 v26;
	v10 =	vtrunc.f32 v23;
	v23 =	vshll.u32 v3, $0x8;
	v16 =	vld [tilespmem:s29+$0x70];
	_, v7, vm2 =	vpop (xrf1)  }
0x96: {  	v28 =	vtrunc.f32 v31;
	v27 =	vtrunc.f32 v27;
	v25 =	vshll.u32 v25, $0x8;
	v26 =	vld [tilespmem:s29+$0x2070];
	_, v9, vm3 =	vpop (xrf1)  }
0x97: {  	v32 =	vcvt.f32.s32 v4;
	v24 =	vtrunc.f32 v24;
	v3 =	vmov v12;
	v31 =	vld [tilespmem:s29+$0x0];
	_, v35, vm7 =	vpop (xrf1)  }
0x98: {  	v12 =	vcvt.f32.s32 v14;
	v14 =	vcvt.f32.s32 v10;
	v4 =	vmov v13;
	v36 =	vld [tilespmem:s29+$0x10];
	_, v18, vm4 =	vpop (xrf1)  }
0x99: {  	v38 =	vadd.s32 v32, v33;
	v13 =	vcvt.f32.s32 v22;
	v22 =	vcvt.f32.s32 v28;
	v10 =	vmovc v17;
	v37 =	vld [tilespmem:s29+$0x20]  }
0x9a: {  	v27 =	vcvt.f32.s32 v27;
	v39 =	vadd.s32 v12, v34;
	v17 =	vld [tilespmem:s29+$0x30];
	v16 =	vmul.f32 $2.560000000e+02, v16;
	(xrf1) =	vunique.msk.u32 $0xffff, v38  }
0x9b: {  	v24 =	vcvt.f32.s32 v24;
	v14 =	vadd.s32 v14, v29;
	v28 =	vld [tilespmem:s29+$0x40];
	v12 =	vmul.f32 $2.560000000e+02, v26;
	(xrf1) =	vunique.msk.u32 $0xffff, v39  }
0x9c: {  	v26 =	vmul.f32 $2.560000000e+02, v31;
	v29 =	vld [tilespmem:s29+$0x50];
	v31 =	vtrunc.f32 v16;
	v16 =	vadd.s32 v13, v30;
	(xrf1) =	vunique.msk.u32 $0xffff, v14  }
0x9d: {  	v30 =	vcvt.f32.s32 v31;
	v13 =	vtrunc.f32 v12;
	v12 =	vadd.s32 v22, v21;
	[tilespmem:v15+s17+$0x0] =	vst.idx.add.s32.msk vm7, v35  }
0x9e: {  	v21 =	vmul.f32 $2.560000000e+02, v36;
	v22 =	vld [tilespmem:s29+$0x60];
	v15 =	vcvt.f32.s32 v13;
	v13 =	vadd.s32 v27, v23;
	(xrf1) =	vunique.msk.u32 $0xffff, v16  }
0x9f: {  	v27 =	vmul.f32 $2.560000000e+02, v37;
	v23 =	vld [tilespmem:s29+$0x2000];
	v31 =	vmul.f32 $2.560000000e+02, v17;
	v17 =	vshll.u32 v30, $0x8;
	(xrf1) =	vunique.msk.u32 $0xffff, v12  }
0xa0: {  	v26 =	vtrunc.f32 v26;
	v30 =	vld [tilespmem:s29+$0x2010];
	v28 =	vmul.f32 $2.560000000e+02, v28;
	v15 =	vadd.s32 v15, v17;
	(xrf1) =	vunique.msk.u32 $0xffff, v13  }
0xa1: {  	v34 =	vtrunc.f32 v21;
	v17 =	vadd.s32 v24, v25;
	v35 =	vld [tilespmem:s29+$0x2020];
	v32 =	vmul.f32 $2.560000000e+02, v29;
	(xrf1) =	vunique.msk.u32 $0xffff, v15  }
0xa2: {  	v29 =	vtrunc.f32 v27;
	v27 =	vtrunc.f32 v31;
	v36 =	vld [tilespmem:s29+$0x2030];
	(xrf1) =	vunique.msk.u32 $0xffff, v17  }
.Ltmp4:
0xa3: {  	v24 =	vtrunc.f32 v28;
	v31 =	vld [tilespmem:s29+$0x2040];
	v28 =	vmul.f32 $2.560000000e+02, v22;
	(pc) =	sbr.rel @p1 .LBB2_14-.Ltmp4, $4  }
0xa4: {  	v25 =	vtrunc.f32 v32;
	v21 =	vmul.f32 $2.560000000e+02, v23;
	v32 =	vld [tilespmem:s29+$0x2050]  }
0xa5: {  	v22 =	vmul.f32 $2.560000000e+02, v30;
	v28 =	vtrunc.f32 v28;
	v30 =	vld [tilespmem:s29+$0x2060]  }
0xa6: {  	v33 =	vcvt.f32.s32 v26;
	v23 =	vmul.f32 $2.560000000e+02, v35;
	[tilespmem:v8+s17+$0x0] =	vst.idx.add.s32.msk vm5, v19;
	v8 =	vmov v38  }
0xa7: {  	v34 =	vcvt.f32.s32 v34;
	v26 =	vmul.f32 $2.560000000e+02, v36;
	[tilespmem:v11+s17+$0x0] =	vst.idx.add.s32.msk vm6, v20;
	v11 =	vmov v39  }
0xa8: {  	v19 =	vcvt.f32.s32 v29;
	v20 =	vmul.f32 $2.560000000e+02, v31  }
0xa9: {  	v27 =	vcvt.f32.s32 v27;
	v24 =	vcvt.f32.s32 v24  }
0xaa: {  	v25 =	vcvt.f32.s32 v25;
	v21 =	vtrunc.f32 v21  }
0xab: {  	v22 =	vtrunc.f32 v22;
	v23 =	vtrunc.f32 v23  }
0xac: {  	v29 =	vshll.u32 v33, $0x8;
	v31 =	vmul.f32 $2.560000000e+02, v32;
	v21 =	vcvt.f32.s32 v21  }
0xad: {  	v57 =	vshll.u32 v34, $0x8;
	v22 =	vcvt.f32.s32 v22;
	v26 =	vtrunc.f32 v26  }
0xae: {  	v23 =	vcvt.f32.s32 v23;
	v30 =	vmul.f32 $2.560000000e+02, v30;
	v19 =	vshll.u32 v19, $0x8  }
0xaf: {  	v27 =	vshll.u32 v27, $0x8;
	v24 =	vshll.u32 v24, $0x8;
	v20 =	vtrunc.f32 v20  }
0xb0: {  	v26 =	vcvt.f32.s32 v26;
	v21 =	vadd.s32 v21, v29;
	v31 =	vtrunc.f32 v31  }
0xb1: {  	v22 =	vadd.s32 v22, v57;
	_, v29, vm5 =	vpop (xrf1);
	(xrf1) =	vunique.msk.u32 $0xffff, v21;
	v30 =	vtrunc.f32 v30;
	v31 =	vcvt.f32.s32 v31  }
0xb2: {  	v20 =	vcvt.f32.s32 v20;
	v19 =	vadd.s32 v23, v19;
	_, v58, vm6 =	vpop (xrf1);
	(xrf1) =	vunique.msk.u32 $0xffff, v22;
	v30 =	vcvt.f32.s32 v30  }
0xb3: {  	v28 =	vcvt.f32.s32 v28;
	v26 =	vadd.s32 v26, v27;
	_, v23, vm7 =	vpop (xrf1);
	(xrf1) =	vunique.msk.u32 $0xffff, v19  }
0xb4: {  	v25 =	vshll.u32 v25, $0x8;
	v20 =	vadd.s32 v20, v24;
	_, v27, vm8 =	vpop (xrf1);
	(xrf1) =	vunique.msk.u32 $0xffff, v26  }
0xb5: {  	v28 =	vshll.u32 v28, $0x8;
	v25 =	vadd.s32 v31, v25;
	_, v24, vm9 =	vpop (xrf1);
	(xrf1) =	vunique.msk.u32 $0xffff, v20  }
0xb6: {  	v28 =	vadd.s32 v30, v28;
	_, v31, vm10 =	vpop (xrf1);
	(xrf1) =	vunique.msk.u32 $0xffff, v25  }
0xb7: {  	_, v30, vm11 =	vpop (xrf1);
	(xrf1) =	vunique.msk.u32 $0xffff, v28  }
0xb8: {  	[tilespmem:v2+s17+$0x0] =	vst.idx.add.s32.msk vm0, v5  }
0xb9: {  	[tilespmem:v1+s17+$0x0] =	vst.idx.add.s32.msk vm1, v6  }
0xba: {  	[tilespmem:v3+s17+$0x0] =	vst.idx.add.s32.msk vm2, v7  }
0xbb: {  	[tilespmem:v4+s17+$0x0] =	vst.idx.add.s32.msk vm3, v9  }
0xbc: {  	[tilespmem:v10+s17+$0x0] =	vst.idx.add.s32.msk vm4, v18  }
0xbd: {  	p1 =	seq.s32 s25, $0x2F;
	[tilespmem:v8+s17+$0x0] =	vst.idx.add.s32.msk vm5, v29  }
0xbe: {  	s26 =	sshll.u32 @!p1 s25, $0x1;
	_, v1, vm0 =	vpop (xrf1);
	[tilespmem:v11+s17+$0x0] =	vst.idx.add.s32.msk vm6, v58  }
0xbf: {  	s26 =	sadd.s32 @!p1 $0x2, s26;
	[tilespmem:v14+s17+$0x0] =	vst.idx.add.s32.msk vm7, v23;
	_, v2, vm1 =	vpop (xrf1)  }
0xc0: {  	s28 =	sshrl.u32 @!p1 s26, $0x5;
	[tilespmem:v16+s17+$0x0] =	vst.idx.add.s32.msk vm8, v27;
	_, v3, vm2 =	vpop (xrf1)  }
0xc1: {  	s28 =	sadd.s32 @!p1 s6, s28;
	[tilespmem:v12+s17+$0x0] =	vst.idx.add.s32.msk vm9, v24;
	_, v4, vm3 =	vpop (xrf1)  }
0xc2: {  	s29 =	smulhi.u32 @!p1 $0x55555556, s28;
	[tilespmem:v13+s17+$0x0] =	vst.idx.add.s32.msk vm10, v31;
	_, v5, vm4 =	vpop (xrf1)  }
0xc3: {  	[tilespmem:v15+s17+$0x0] =	vst.idx.add.s32.msk vm11, v30;
	_, v6, vm5 =	vpop (xrf1)  }
0xc4: {  	s30 =	smul.u32 @!p1 $0x3, s29;
	[tilespmem:v17+s17+$0x0] =	vst.idx.add.s32.msk vm0, v1;
	_, v1, vm0 =	vpop (xrf1)  }
0xc5: {  	_, v7, vm6 =	vpop (xrf1);
	[tilespmem:v21+s17+$0x0] =	vst.idx.add.s32.msk vm1, v2  }
0xc6: {  	s29 =	smul.u32 @!p1 $0xC0000, s29;
	s28 =	ssub.s32 @!p1 s28, s30;
	[tilespmem:v22+s17+$0x0] =	vst.idx.add.s32.msk vm2, v3  }
0xc7: {  	s26 =	sshll.u32 @!p1 s26, $0xD;
	s28 =	sshll.u32 @!p1 s28, $0x12;
	[tilespmem:v19+s17+$0x0] =	vst.idx.add.s32.msk vm3, v4  }
0xc8: {  	s26 =	sand.u32 @!p1 $0x3C000, s26;
	s28 =	sadd.s32 @!p1 s28, s29;
	[tilespmem:v26+s17+$0x0] =	vst.idx.add.s32.msk vm4, v5  }
0xc9: {  	s26 =	sor.u32 @!p1 s26, s28;
	[tilespmem:v20+s17+$0x0] =	vst.idx.add.s32.msk vm5, v6  }
0xca: {  	s26 =	sshrl.u32 @!p1 s26, $0x3;
	[tilespmem:v25+s17+$0x0] =	vst.idx.add.s32.msk vm0, v1  }
0xcb: {  	s29 =	simm.s32 @!p1 $0x0;
	s28 =	sadd.s32 @!p1 s1, s26;
	[tilespmem:v28+s17+$0x0] =	vst.idx.add.s32.msk vm6, v7  }
0xcc: {  	[tilespmem:s29], [sflag:$0x1] =	stream.linear.gather @!p1 [hbm4b:s28+s29], $0x2000, $0x38;
	[tilespmem:$0x18000] =	vst v63  }
0xcd: {  	s26 =	sadd.s32 @!p1 s3, s26;
	s28 =	simm.s32 @!p1 $0x2000  }
0xce: {  	[tilespmem:s28], [sflag:$0x2] =	stream.linear.gather @!p1 [hbm4b:s26+s29], $0x2000, $0x38;
	[tilespmem:$0x18000] =	vst v63  }
0xcf: {  	_ =	swait.ge [sflag:s18], $0x2000  }
0xd0: {  	s31 =	simm.s32 $0x0;
	[sflag:s18] =	ssyncset.done $0x0  }
0xd1: {  	s30 =	simm.s32 $0x0;
	s28 =	simm.s32 $0x0;
	[sflag:s18] =	ssyncadd.s32 $0xFFFFE000  }
0xd2: {  	s26 =	sand.u32 $0xC00, s30;
	s28 =	sand.u32 $0x1000, s28;
	_ =	swait.ge [sflag:s19], $0x2000  }
0xd3: {  	s26 =	sor.u32 s26, s28;
	s28 =	sand.u32 $0x380, s31;
	[sflag:s19] =	ssyncset.done $0x0  }
0xd4: {  	s26 =	sor.u32 s28, s26;
	[sflag:s19] =	ssyncadd.s32 $0xFFFFE000  }
0xd5: {  	v1 =	vld [tilespmem:s26+$0x4070]  }
0xd6: {  	v2 =	vld [tilespmem:s26+$0x6070]  }
0xd7: {  	v3 =	vld [tilespmem:s26+$0x4000]  }
0xd8: {  	v4 =	vld [tilespmem:s26+$0x4010]  }
0xd9: {  	v5 =	vld [tilespmem:s26+$0x4020]  }
0xda: {  	v6 =	vld [tilespmem:s26+$0x4030]  }
0xdb: {  	v7 =	vld [tilespmem:s26+$0x4040]  }
0xdc: {  	v8 =	vld [tilespmem:s26+$0x4050]  }
0xdd: {  	v9 =	vld [tilespmem:s26+$0x4060]  }
0xde: {  	v10 =	vld [tilespmem:s26+$0x6000]  }
0xdf: {  	v11 =	vld [tilespmem:s26+$0x6010]  }
0xe0: {  	v12 =	vld [tilespmem:s26+$0x6020]  }
0xe1: {  	v13 =	vld [tilespmem:s26+$0x6030];
	v1 =	vmul.f32 $2.560000000e+02, v1;
	v2 =	vmul.f32 $2.560000000e+02, v2  }
0xe2: {  	v14 =	vld [tilespmem:s26+$0x6040];
	v3 =	vmul.f32 $2.560000000e+02, v3;
	v4 =	vmul.f32 $2.560000000e+02, v4  }
0xe3: {  	v15 =	vld [tilespmem:s26+$0x6050];
	v5 =	vmul.f32 $2.560000000e+02, v5;
	v6 =	vmul.f32 $2.560000000e+02, v6  }
0xe4: {  	v7 =	vmul.f32 $2.560000000e+02, v7;
	v8 =	vmul.f32 $2.560000000e+02, v8  }
0xe5: {  	v9 =	vmul.f32 $2.560000000e+02, v9;
	v10 =	vmul.f32 $2.560000000e+02, v10  }
0xe6: {  	v11 =	vmul.f32 $2.560000000e+02, v11;
	v12 =	vmul.f32 $2.560000000e+02, v12  }
0xe7: {  	v13 =	vmul.f32 $2.560000000e+02, v13;
	v14 =	vmul.f32 $2.560000000e+02, v14  }
0xe8: {  	v15 =	vmul.f32 $2.560000000e+02, v15;
	v1 =	vtrunc.f32 v1  }
0xe9: {  	s29 =	simm.s32 $0x80;
	s28 =	simm.s32 $0x400;
	v2 =	vtrunc.f32 v2;
	v3 =	vtrunc.f32 v3  }
0xea: {  	s30 =	simm.s32 $0x20;
	s28 =	sand.u32 $0xC00, s28;
	v16 =	vld [tilespmem:s26+$0x6060];
	s26 =	sand.u32 $0x1000, s29;
	v4 =	vtrunc.f32 v4;
	v5 =	vtrunc.f32 v5  }
0xeb: {  	s26 =	sor.u32 s28, s26;
	s28 =	sand.u32 $0x380, s30;
	v6 =	vtrunc.f32 v6;
	v7 =	vtrunc.f32 v7  }
0xec: {  	s26 =	sor.u32 s28, s26;
	v8 =	vtrunc.f32 v8;
	v9 =	vtrunc.f32 v9  }
0xed: {  	v23 =	vld [tilespmem:s26+$0x6050];
	v12 =	vtrunc.f32 v12;
	v13 =	vtrunc.f32 v13  }
0xee: {  	v14 =	vtrunc.f32 v14;
	v15 =	vtrunc.f32 v15  }
0xef: {  	v1 =	vcvt.f32.s32 v1;
	v2 =	vcvt.f32.s32 v2  }
0xf0: {  	v24 =	vld [tilespmem:s26+$0x6060];
	v3 =	vcvt.f32.s32 v3;
	v4 =	vcvt.f32.s32 v4  }
0xf1: {  	v5 =	vcvt.f32.s32 v5;
	v6 =	vcvt.f32.s32 v6;
	v1 =	vshll.u32 v1, $0x8  }
0xf2: {  	v23 =	vmul.f32 $2.560000000e+02, v23;
	v18 =	vadd.s32 v2, v1;
	v1 =	vcvt.f32.s32 v7  }
0xf3: {  	v7 =	vcvt.f32.s32 v8;
	v8 =	vcvt.f32.s32 v9  }
0xf4: {  	v9 =	vtrunc.f32 v10;
	v10 =	vtrunc.f32 v11;
	v11 =	vld [tilespmem:s26+$0x4070]  }
0xf5: {  	v24 =	vmul.f32 $2.560000000e+02, v24;
	v3 =	vshll.u32 v3, $0x8;
	v2 =	vmul.f32 $2.560000000e+02, v16;
	v16 =	vld [tilespmem:s26+$0x6070]  }
0xf6: {  	v4 =	vshll.u32 v4, $0x8;
	v9 =	vcvt.f32.s32 v9;
	v20 =	vshll.u32 v1, $0x8;
	v1 =	vld [tilespmem:s26+$0x4000]  }
0xf7: {  	v5 =	vshll.u32 v5, $0x8;
	(xrf1) =	vunique.msk.u32 $0xffff, v18;
	v21 =	vtrunc.f32 v2;
	v2 =	vcvt.f32.s32 v10  }
0xf8: {  	v10 =	vcvt.f32.s32 v12;
	v17 =	vadd.s32 v9, v3;
	v3 =	vcvt.f32.s32 v13  }
0xf9: {  	v6 =	vshll.u32 v6, $0x8;
	v9 =	vcvt.f32.s32 v14;
	v11 =	vmul.f32 $2.560000000e+02, v11  }
0xfa: {  	v22 =	vld [tilespmem:s26+$0x4010];
	v19 =	vadd.s32 v2, v4;
	v4 =	vcvt.f32.s32 v15;
	(xrf1) =	vunique.msk.u32 $0xffff, v17;
	v15 =	vmul.f32 $2.560000000e+02, v16  }
0xfb: {  	v12 =	vld [tilespmem:s26+$0x4020];
	v2 =	vadd.s32 v10, v5;
	(xrf1) =	vunique.msk.u32 $0xffff, v19;
	v5 =	vmul.f32 $2.560000000e+02, v1;
	v11 =	vtrunc.f32 v11  }
0xfc: {  	v13 =	vld [tilespmem:s26+$0x4030];
	(xrf1) =	vunique.msk.u32 $0xffff, v2;
	v1 =	vadd.s32 v3, v6;
	v6 =	vcvt.f32.s32 v11;
	v11 =	vtrunc.f32 v15  }
0xfd: {  	v7 =	vshll.u32 v7, $0x8;
	v14 =	vld [tilespmem:s26+$0x4040];
	v3 =	vadd.s32 v9, v20;
	(xrf1) =	vunique.msk.u32 $0xffff, v1;
	v11 =	vcvt.f32.s32 v11  }
0xfe: {  	v23 =	vtrunc.f32 v23;
	v4 =	vadd.s32 v4, v7;
	(xrf1) =	vunique.msk.u32 $0xffff, v3;
	v6 =	vshll.u32 v6, $0x8  }
0xff: {  	v24 =	vtrunc.f32 v24;
	v10 =	vcvt.f32.s32 v21;
	v21 =	vld [tilespmem:s26+$0x6030];
	(xrf1) =	vunique.msk.u32 $0xffff, v4;
	v11 =	vadd.s32 v11, v6  }
0x100: {  	v23 =	vcvt.f32.s32 v23;
	v38 =	vcvt.f32.s32 v24;
	v16 =	vld [tilespmem:s26+$0x4050];
	(xrf1) =	vunique.msk.u32 $0xffff, v11  }
0x101: {  	v7 =	vld [tilespmem:s26+$0x6000];
	v9 =	vmul.f32 $2.560000000e+02, v22;
	v12 =	vmul.f32 $2.560000000e+02, v12  }
0x102: {  	v15 =	vld [tilespmem:s26+$0x4060];
	v13 =	vmul.f32 $2.560000000e+02, v13;
	v14 =	vmul.f32 $2.560000000e+02, v14  }
0x103: {  	v5 =	vtrunc.f32 v5;
	v6 =	vtrunc.f32 v9;
	v9 =	vld [tilespmem:s26+$0x6020]  }
0x104: {  	v12 =	vtrunc.f32 v12;
	v21 =	vmul.f32 $2.560000000e+02, v21  }
0x105: {  	v20 =	vld [tilespmem:s26+$0x6010];
	v16 =	vmul.f32 $2.560000000e+02, v16;
	v13 =	vtrunc.f32 v13;
	_, v25, vm1 =	vpop (xrf1)  }
0x106: {  	s28 =	simm.s32 $0x100;
	v22 =	vld [tilespmem:s26+$0x6040];
	v14 =	vtrunc.f32 v14;
	v26 =	vcvt.f32.s32 v5;
	s26 =	simm.s32 $0x800  }
0x107: {  	s31 =	simm.s32 $0x40;
	s28 =	sand.u32 $0x1000, s28;
	v12 =	vcvt.f32.s32 v12;
	v7 =	vmul.f32 $2.560000000e+02, v7;
	s29 =	sand.u32 $0xC00, s26  }
0x108: {  	s31 =	sand.u32 $0x380, s31;
	v15 =	vmul.f32 $2.560000000e+02, v15;
	s28 =	sor.u32 s29, s28;
	v9 =	vmul.f32 $2.560000000e+02, v9;
	_, v59, vm4 =	vpop (xrf1)  }
0x109: {  	v8 =	vshll.u32 v8, $0x8;
	v13 =	vcvt.f32.s32 v13;
	v14 =	vcvt.f32.s32 v14;
	s28 =	sor.u32 s31, s28;
	_, v35, vm5 =	vpop (xrf1)  }
0x10a: {  	v10 =	vadd.s32 v10, v8;
	v20 =	vmul.f32 $2.560000000e+02, v20;
	v15 =	vtrunc.f32 v15;
	v8 =	vld [tilespmem:s28+$0x6070];
	_, v5, vm0 =	vpop (xrf1)  }
0x10b: {  	v27 =	vcvt.f32.s32 v6;
	v28 =	vcvt.f32.s32 v15;
	[tilespmem:v18+s17+$0x0] =	vst.idx.add.s32.msk vm1, v25;
	_, v6, vm1 =	vpop (xrf1)  }
0x10c: {  	v15 =	vtrunc.f32 v7;
	v18 =	vtrunc.f32 v20;
	v20 =	vld [tilespmem:s28+$0x4070];
	_, v7, vm2 =	vpop (xrf1)  }
0x10d: {  	v21 =	vtrunc.f32 v21;
	v29 =	vld [tilespmem:s28+$0x4000];
	v25 =	vtrunc.f32 v9;
	_, v9, vm3 =	vpop (xrf1)  }
0x10e: {  	v16 =	vtrunc.f32 v16;
	v22 =	vmul.f32 $2.560000000e+02, v22;
	v26 =	vshll.u32 v26, $0x8;
	(xrf1) =	vunique.msk.u32 $0xffff, v10;
	_, v30, vm6 =	vpop (xrf1)  }
0x10f: {  	v12 =	vshll.u32 v12, $0x8;
	v21 =	vcvt.f32.s32 v21;
	v16 =	vcvt.f32.s32 v16  }
0x110: {  	v13 =	vshll.u32 v13, $0x8;
	v22 =	vtrunc.f32 v22;
	v31 =	vld [tilespmem:s28+$0x4010];
	v15 =	vcvt.f32.s32 v15  }
0x111: {  	v14 =	vshll.u32 v14, $0x8;
	v60 =	vld [tilespmem:s28+$0x4020];
	v37 =	vmul.f32 $2.560000000e+02, v8;
	v20 =	vmul.f32 $2.560000000e+02, v20  }
0x112: {  	v36 =	vld [tilespmem:s28+$0x4040];
	v8 =	vadd.s32 v15, v26;
	v24 =	vmul.f32 $2.560000000e+02, v29;
	v18 =	vcvt.f32.s32 v18  }
0x113: {  	v27 =	vshll.u32 v27, $0x8;
	v26 =	vld [tilespmem:s28+$0x4050];
	v25 =	vcvt.f32.s32 v25;
	(xrf1) =	vunique.msk.u32 $0xffff, v8;
	v15 =	vtrunc.f32 v20  }
0x114: {  	v39 =	vcvt.f32.s32 v15;
	v15 =	vtrunc.f32 v37;
	[tilespmem:v11+s17+$0x0] =	vst.idx.add.s32.msk vm6, v30;
	v11 =	vadd.s32 v18, v27  }
0x115: {  	v22 =	vcvt.f32.s32 v22;
	v37 =	vcvt.f32.s32 v15;
	v15 =	vadd.s32 v25, v12;
	v25 =	vld [tilespmem:s28+$0x6000];
	(xrf1) =	vunique.msk.u32 $0xffff, v11  }
0x116: {  	v61 =	vld [tilespmem:s28+$0x4030];
	v62 =	vtrunc.f32 v24;
	v20 =	vshll.u32 v16, $0x8;
	v18 =	vmul.f32 $2.560000000e+02, v31;
	(xrf1) =	vunique.msk.u32 $0xffff, v15  }
0x117: {  	v16 =	vadd.s32 v21, v13;
	v21 =	vmul.f32 $2.560000000e+02, v36;
	v12 =	vadd.s32 v22, v14  }
0x118: {  	v40 =	vld [tilespmem:s28+$0x6010];
	v14 =	vshll.u32 v39, $0x8;
	v63 =	vtrunc.f32 v18;
	v18 =	vmul.f32 $2.560000000e+02, v26;
	(xrf1) =	vunique.msk.u32 $0xffff, v16  }
0x119: {  	v41 =	vld [tilespmem:s28+$0x6020];
	v13 =	vadd.s32 v23, v20;
	v24 =	vtrunc.f32 v21;
	v14 =	vadd.s32 v37, v14;
	(xrf1) =	vunique.msk.u32 $0xffff, v12  }
0x11a: {  	v30 =	vld [tilespmem:s28+$0x4060];
	v21 =	vmul.f32 $2.560000000e+02, v25;
	v25 =	vtrunc.f32 v18;
	v18 =	vshll.u32 v28, $0x8;
	(xrf1) =	vunique.msk.u32 $0xffff, v13  }
0x11b: {  	v20 =	vld [tilespmem:s28+$0x6030];
	v27 =	vmul.f32 $2.560000000e+02, v60;
	v31 =	vmul.f32 $2.560000000e+02, v61;
	v18 =	vadd.s32 v38, v18;
	(xrf1) =	vunique.msk.u32 $0xffff, v14  }
0x11c: {  	[tilespmem:v17+s17+$0x0] =	vst.idx.add.s32.msk vm4, v59;
	_, v17, vm4 =	vpop (xrf1);
	(xrf1) =	vunique.msk.u32 $0xffff, v18  }
0x11d: {  	v29 =	vtrunc.f32 v27;
	v27 =	vtrunc.f32 v31;
	v31 =	vld [tilespmem:s28+$0x6040]  }
0x11e: {  	v32 =	vld [tilespmem:s28+$0x6050];
	v33 =	vcvt.f32.s32 v62  }
0x11f: {  	v22 =	vmul.f32 $2.560000000e+02, v40;
	v23 =	vmul.f32 $2.560000000e+02, v30;
	v30 =	vld [tilespmem:s28+$0x6060]  }
0x120: {  	v26 =	vmul.f32 $2.560000000e+02, v20;
	v34 =	vcvt.f32.s32 v63  }
0x121: {  	[tilespmem:v19+s17+$0x0] =	vst.idx.add.s32.msk vm5, v35;
	s28 =	simm.s32 $0x10;
	v28 =	vtrunc.f32 v23;
	v23 =	vmul.f32 $2.560000000e+02, v41  }
.LBB2_16:
0x122: {  	s28 =	sadd.s32 $0x8, s28;
	v33 =	vshll.u32 v33, $0x8;
	v29 =	vcvt.f32.s32 v29;
	v31 =	vmul.f32 $2.560000000e+02, v31;
	_, v19, vm5 =	vpop (xrf1);
	[tilespmem:v2+s17+$0x0] =	vst.idx.add.s32.msk vm0, v5  }
0x123: {  	v35 =	vcvt.f32.s32 v27;
	s26 =	sadd.s32 $0x400, s26;
	s29 =	sshll.u32 s28, $0x4;
	p1 =	slt.u32 s28, $0x1F8;
	v34 =	vshll.u32 v34, $0x8;
	v27 =	vmul.f32 $2.560000000e+02, v32;
	_, v20, vm6 =	vpop (xrf1);
	[tilespmem:v1+s17+$0x0] =	vst.idx.add.s32.msk vm1, v6  }
0x124: {  	s30 =	sand.u32 $0xC00, s26;
	s31 =	sshll.u32 s28, $0x2;
	v32 =	vcvt.f32.s32 v24;
	s29 =	sand.u32 $0x1000, s29;
	v29 =	vshll.u32 v29, $0x8;
	v24 =	vmul.f32 $2.560000000e+02, v30;
	_, v5, vm0 =	vpop (xrf1);
	[tilespmem:v3+s17+$0x0] =	vst.idx.add.s32.msk vm2, v7  }
0x125: {  	v2 =	vmovc v15;
	v1 =	vmovc v16;
	v30 =	vshll.u32 v35, $0x8;
	v3 =	vcvt.f32.s32 v25;
	v25 =	vcvt.f32.s32 v28;
	s29 =	sor.u32 s30, s29;
	s30 =	sand.u32 $0x380, s31;
	[tilespmem:v4+s17+$0x0] =	vst.idx.add.s32.msk vm3, v9  }
0x126: {  	v15 =	vtrunc.f32 v22;
	v4 =	vtrunc.f32 v21;
	v21 =	vshll.u32 v32, $0x8;
	s29 =	sor.u32 s30, s29;
	_, v6, vm1 =	vpop (xrf1);
	[tilespmem:v10+s17+$0x0] =	vst.idx.add.s32.msk vm4, v17  }
0x127: {  	v22 =	vtrunc.f32 v26;
	v10 =	vtrunc.f32 v23;
	v23 =	vshll.u32 v3, $0x8;
	v16 =	vld [tilespmem:s29+$0x4070];
	_, v7, vm2 =	vpop (xrf1)  }
0x128: {  	v28 =	vtrunc.f32 v31;
	v27 =	vtrunc.f32 v27;
	v25 =	vshll.u32 v25, $0x8;
	v26 =	vld [tilespmem:s29+$0x6070];
	_, v9, vm3 =	vpop (xrf1)  }
0x129: {  	v32 =	vcvt.f32.s32 v4;
	v24 =	vtrunc.f32 v24;
	v3 =	vmov v12;
	v31 =	vld [tilespmem:s29+$0x4000];
	_, v35, vm7 =	vpop (xrf1)  }
0x12a: {  	v12 =	vcvt.f32.s32 v15;
	v15 =	vcvt.f32.s32 v10;
	v4 =	vmov v13;
	v36 =	vld [tilespmem:s29+$0x4010];
	_, v17, vm4 =	vpop (xrf1)  }
0x12b: {  	v38 =	vadd.s32 v32, v33;
	v13 =	vcvt.f32.s32 v22;
	v22 =	vcvt.f32.s32 v28;
	v10 =	vmovc v18;
	v37 =	vld [tilespmem:s29+$0x4020]  }
0x12c: {  	v27 =	vcvt.f32.s32 v27;
	v39 =	vadd.s32 v12, v34;
	v18 =	vld [tilespmem:s29+$0x4030];
	v16 =	vmul.f32 $2.560000000e+02, v16;
	(xrf1) =	vunique.msk.u32 $0xffff, v38  }
0x12d: {  	v24 =	vcvt.f32.s32 v24;
	v15 =	vadd.s32 v15, v29;
	v28 =	vld [tilespmem:s29+$0x4040];
	v12 =	vmul.f32 $2.560000000e+02, v26;
	(xrf1) =	vunique.msk.u32 $0xffff, v39  }
0x12e: {  	v26 =	vmul.f32 $2.560000000e+02, v31;
	v29 =	vld [tilespmem:s29+$0x4050];
	v31 =	vtrunc.f32 v16;
	v16 =	vadd.s32 v13, v30;
	(xrf1) =	vunique.msk.u32 $0xffff, v15  }
0x12f: {  	v30 =	vcvt.f32.s32 v31;
	v13 =	vtrunc.f32 v12;
	v12 =	vadd.s32 v22, v21;
	[tilespmem:v14+s17+$0x0] =	vst.idx.add.s32.msk vm7, v35  }
0x130: {  	v21 =	vmul.f32 $2.560000000e+02, v36;
	v22 =	vld [tilespmem:s29+$0x4060];
	v14 =	vcvt.f32.s32 v13;
	v13 =	vadd.s32 v27, v23;
	(xrf1) =	vunique.msk.u32 $0xffff, v16  }
0x131: {  	v27 =	vmul.f32 $2.560000000e+02, v37;
	v23 =	vld [tilespmem:s29+$0x6000];
	v31 =	vmul.f32 $2.560000000e+02, v18;
	v18 =	vshll.u32 v30, $0x8;
	(xrf1) =	vunique.msk.u32 $0xffff, v12  }
0x132: {  	v26 =	vtrunc.f32 v26;
	v30 =	vld [tilespmem:s29+$0x6010];
	v28 =	vmul.f32 $2.560000000e+02, v28;
	v14 =	vadd.s32 v14, v18;
	(xrf1) =	vunique.msk.u32 $0xffff, v13  }
0x133: {  	v34 =	vtrunc.f32 v21;
	v18 =	vadd.s32 v24, v25;
	v35 =	vld [tilespmem:s29+$0x6020];
	v32 =	vmul.f32 $2.560000000e+02, v29;
	(xrf1) =	vunique.msk.u32 $0xffff, v14  }
0x134: {  	v29 =	vtrunc.f32 v27;
	v27 =	vtrunc.f32 v31;
	v36 =	vld [tilespmem:s29+$0x6030];
	(xrf1) =	vunique.msk.u32 $0xffff, v18  }
.Ltmp5:
0x135: {  	v24 =	vtrunc.f32 v28;
	v31 =	vld [tilespmem:s29+$0x6040];
	v28 =	vmul.f32 $2.560000000e+02, v22;
	(pc) =	sbr.rel @p1 .LBB2_16-.Ltmp5, $4  }
0x136: {  	v25 =	vtrunc.f32 v32;
	v21 =	vmul.f32 $2.560000000e+02, v23;
	v32 =	vld [tilespmem:s29+$0x6050]  }
0x137: {  	v22 =	vmul.f32 $2.560000000e+02, v30;
	v28 =	vtrunc.f32 v28;
	v30 =	vld [tilespmem:s29+$0x6060]  }
0x138: {  	v33 =	vcvt.f32.s32 v26;
	v23 =	vmul.f32 $2.560000000e+02, v35;
	[tilespmem:v8+s17+$0x0] =	vst.idx.add.s32.msk vm5, v19;
	v8 =	vmov v38  }
0x139: {  	v34 =	vcvt.f32.s32 v34;
	v26 =	vmul.f32 $2.560000000e+02, v36;
	[tilespmem:v11+s17+$0x0] =	vst.idx.add.s32.msk vm6, v20;
	v11 =	vmov v39  }
0x13a: {  	v19 =	vcvt.f32.s32 v29  }
0x13b: {  	v20 =	vmul.f32 $2.560000000e+02, v31;
	v27 =	vcvt.f32.s32 v27  }
0x13c: {  	v24 =	vcvt.f32.s32 v24;
	v25 =	vcvt.f32.s32 v25  }
0x13d: {  	v28 =	vcvt.f32.s32 v28;
	v21 =	vtrunc.f32 v21  }
0x13e: {  	v22 =	vtrunc.f32 v22;
	v23 =	vtrunc.f32 v23  }
0x13f: {  	v51 =	vshll.u32 v33, $0x8;
	v52 =	vmul.f32 $2.560000000e+02, v32;
	v21 =	vcvt.f32.s32 v21  }
0x140: {  	v53 =	vshll.u32 v34, $0x8;
	v22 =	vcvt.f32.s32 v22;
	v26 =	vtrunc.f32 v26  }
0x141: {  	v23 =	vcvt.f32.s32 v23;
	v30 =	vmul.f32 $2.560000000e+02, v30;
	v19 =	vshll.u32 v19, $0x8  }
0x142: {  	v27 =	vshll.u32 v27, $0x8;
	v24 =	vshll.u32 v24, $0x8;
	v21 =	vadd.s32 v21, v51  }
0x143: {  	_, v54, vm5 =	vpop (xrf1);
	v20 =	vtrunc.f32 v20;
	v26 =	vcvt.f32.s32 v26;
	v22 =	vadd.s32 v22, v53;
	(xrf1) =	vunique.msk.u32 $0xffff, v21  }
0x144: {  	_, v55, vm6 =	vpop (xrf1);
	v31 =	vtrunc.f32 v52;
	v20 =	vcvt.f32.s32 v20;
	v19 =	vadd.s32 v23, v19;
	(xrf1) =	vunique.msk.u32 $0xffff, v22  }
0x145: {  	_, v56, vm7 =	vpop (xrf1);
	v30 =	vtrunc.f32 v30;
	v31 =	vcvt.f32.s32 v31;
	v26 =	vadd.s32 v26, v27;
	(xrf1) =	vunique.msk.u32 $0xffff, v19  }
0x146: {  	v25 =	vshll.u32 v25, $0x8;
	_, v57, vm8 =	vpop (xrf1);
	v30 =	vcvt.f32.s32 v30;
	v20 =	vadd.s32 v20, v24;
	(xrf1) =	vunique.msk.u32 $0xffff, v26  }
0x147: {  	v28 =	vshll.u32 v28, $0x8;
	_, v58, vm9 =	vpop (xrf1);
	v25 =	vadd.s32 v31, v25;
	(xrf1) =	vunique.msk.u32 $0xffff, v20  }
0x148: {  	_, v59, vm10 =	vpop (xrf1);
	v28 =	vadd.s32 v30, v28;
	(xrf1) =	vunique.msk.u32 $0xffff, v25  }
0x149: {  	_, v60, vm11 =	vpop (xrf1);
	(xrf1) =	vunique.msk.u32 $0xffff, v28  }
0x14a: {  	[tilespmem:v2+s17+$0x0] =	vst.idx.add.s32.msk vm0, v5  }
0x14b: {  	[tilespmem:v1+s17+$0x0] =	vst.idx.add.s32.msk vm1, v6  }
0x14c: {  	[tilespmem:v3+s17+$0x0] =	vst.idx.add.s32.msk vm2, v7  }
0x14d: {  	[tilespmem:v4+s17+$0x0] =	vst.idx.add.s32.msk vm3, v9  }
0x14e: {  	[tilespmem:v10+s17+$0x0] =	vst.idx.add.s32.msk vm4, v17  }
0x14f: {  	[tilespmem:v8+s17+$0x0] =	vst.idx.add.s32.msk vm5, v54  }
0x150: {  	[tilespmem:v14+s17+$0x0] =	vst.idx.add.s32.msk vm11, v60;
	_, v1, vm11 =	vpop (xrf1)  }
0x151: {  	[tilespmem:v11+s17+$0x0] =	vst.idx.add.s32.msk vm6, v55;
	_, v2, vm12 =	vpop (xrf1)  }
0x152: {  	[tilespmem:v15+s17+$0x0] =	vst.idx.add.s32.msk vm7, v56;
	_, v3, vm2 =	vpop (xrf1)  }
0x153: {  	[tilespmem:v16+s17+$0x0] =	vst.idx.add.s32.msk vm8, v57;
	_, v4, vm3 =	vpop (xrf1)  }
0x154: {  	[tilespmem:v12+s17+$0x0] =	vst.idx.add.s32.msk vm9, v58;
	_, v61, vm13 =	vpop (xrf1)  }
0x155: {  	[tilespmem:v13+s17+$0x0] =	vst.idx.add.s32.msk vm10, v59;
	_, v62, vm14 =	vpop (xrf1)  }
0x156: {  	[tilespmem:v18+s17+$0x0] =	vst.idx.add.s32.msk vm11, v1;
	_, v1, vm0 =	vpop (xrf1)  }
0x157: {  	s25 =	sadd.s32 $0x1, s25;
	_, v63, vm15 =	vpop (xrf1);
	[tilespmem:v21+s17+$0x0] =	vst.idx.add.s32.msk vm12, v2  }
0x158: {  	p1 =	sne.s32 s25, $0x30;
	[tilespmem:v22+s17+$0x0] =	vst.idx.add.s32.msk vm2, v3  }
.Ltmp6:
0x159: {  	[tilespmem:v19+s17+$0x0] =	vst.idx.add.s32.msk vm3, v4;
	(pc) =	sbr.rel @p1 .LBB2_13-.Ltmp6, $4  }
.Ltmp7:
0x15a: {  	[tilespmem:v26+s17+$0x0] =	vst.idx.add.s32.msk vm13, v61;
	(pc) =	sbr.rel @!p1 .LBB2_18-.Ltmp7, $4  }
0x15b: {  	[tilespmem:v20+s17+$0x0] =	vst.idx.add.s32.msk vm14, v62  }
0x15c: {  	[tilespmem:v25+s17+$0x0] =	vst.idx.add.s32.msk vm0, v1  }
0x15d: {  	[tilespmem:v28+s17+$0x0] =	vst.idx.add.s32.msk vm15, v63  }
0x15e: {  	_ = 	snop  }
.LBB2_2:
0x15f: {  	[tilespmem:s12], [sflag:$0x2] =	stream.linear.gather [hbm4b:s8+s4], $0x2000, $0x38;
	[tilespmem:$0x18000] =	vst v63  }
0x160: {  	s24 =	simm.s32 $0x8040  }
0x161: {  	[tilespmem:s24+$0xFFFFFFC0] =	vst v0  }
0x162: {  	[tilespmem:s24+$0x30] =	vst v0  }
0x163: {  	[tilespmem:s24+$0x20] =	vst v0  }
0x164: {  	[tilespmem:s24+$0x10] =	vst v0  }
0x165: {  	[tilespmem:s24+$0x0] =	vst v0  }
0x166: {  	[tilespmem:s24+$0xFFFFFFF0] =	vst v0  }
0x167: {  	s25 =	simm.s32 $0x0;
	[tilespmem:s24+$0xFFFFFFE0] =	vst v0  }
.LBB2_3:
0x168: {  	s25 =	sadd.s32 $0x80, s25;
	[tilespmem:s24+$0xFFFFFFD0] =	vst v0;
	s24 =	sadd.s32 $0x80, s24  }
0x169: {  	[tilespmem:s24+$0xFFFFFFC0] =	vst v0;
	p1 =	slt.u32 s25, $0xFF80  }
0x16a: {  	[tilespmem:s24+$0x30] =	vst v0  }
.Ltmp8:
0x16b: {  	[tilespmem:s24+$0x20] =	vst v0;
	(pc) =	sbr.rel @p1 .LBB2_3-.Ltmp8, $4  }
0x16c: {  	[tilespmem:s24+$0x10] =	vst v0  }
0x16d: {  	[tilespmem:s24+$0x0] =	vst v0  }
0x16e: {  	[tilespmem:s24+$0xFFFFFFF0] =	vst v0  }
0x16f: {  	[tilespmem:s24+$0xFFFFFFE0] =	vst v0  }
0x170: {  	[tilespmem:s24+$0xFFFFFFD0] =	vst v0;
	s24 =	simm.s32 $0x0;
	s25 =	simm.s32 $0x0  }
.LBB2_5:
0x171: {  	s26 =	sshrl.u32 s25, $0x4  }
0x172: {  	s26 =	sadd.s32 s6, s26  }
0x173: {  	s28 =	smulhi.u32 $0x55555556, s26;
	_ =	sdelay $0x1  }
0x174: {  	s29 =	smul.u32 $0x3, s28;
	_ =	sdelay $0x1  }
0x175: {  	s28 =	smul.u32 $0xC0000, s28;
	s26 =	ssub.s32 s26, s29  }
0x176: {  	s31 =	sshll.u32 s25, $0xE;
	s26 =	sshll.u32 s26, $0x12  }
0x177: {  	s26 =	sadd.s32 s26, s28;
	s28 =	sand.u32 $0x3C000, s31  }
0x178: {  	s26 =	sor.u32 s26, s28  }
0x179: {  	s26 =	sor.u32 $0x2000, s26  }
0x17a: {  	s26 =	sshrl.u32 s26, $0x3  }
0x17b: {  	s28 =	sadd.s32 s1, s26  }
0x17c: {  	[tilespmem:s13], [sflag:$0x3] =	stream.linear.gather [hbm4b:s28+s24], $0x2000, $0x38;
	[tilespmem:$0x18000] =	vst v63  }
0x17d: {  	s26 =	sadd.s32 s2, s26  }
0x17e: {  	[tilespmem:s14], [sflag:$0x4] =	stream.linear.gather [hbm4b:s26+s24], $0x2000, $0x38;
	[tilespmem:$0x18000] =	vst v63  }
0x17f: {  	_ =	swait.ge [sflag:s15], $0x2000  }
0x180: {  	[sflag:s15] =	ssyncset.done $0x0  }
0x181: {  	s30 =	simm.s32 $0x0;
	s31 =	simm.s32 $0x0;
	[sflag:s15] =	ssyncadd.s32 $0xFFFFE000  }
0x182: {  	s28 =	sand.u32 $0xC00, s24;
	s26 =	sand.u32 $0x1000, s30;
	_ =	swait.ge [sflag:s16], $0x2000  }
0x183: {  	s26 =	sor.u32 s28, s26;
	s28 =	sand.u32 $0x380, s31;
	[sflag:s16] =	ssyncset.done $0x0  }
0x184: {  	s26 =	sor.u32 s28, s26;
	[sflag:s16] =	ssyncadd.s32 $0xFFFFE000  }
0x185: {  	v1 =	vld [tilespmem:s26+$0x70]  }
0x186: {  	v2 =	vld [tilespmem:s26+$0x2070]  }
0x187: {  	v3 =	vld [tilespmem:s26+$0x0]  }
0x188: {  	v4 =	vld [tilespmem:s26+$0x10]  }
0x189: {  	v5 =	vld [tilespmem:s26+$0x20]  }
0x18a: {  	v6 =	vld [tilespmem:s26+$0x30]  }
0x18b: {  	v7 =	vld [tilespmem:s26+$0x40]  }
0x18c: {  	v8 =	vld [tilespmem:s26+$0x50]  }
0x18d: {  	v9 =	vld [tilespmem:s26+$0x60]  }
0x18e: {  	v10 =	vld [tilespmem:s26+$0x2000]  }
0x18f: {  	v11 =	vld [tilespmem:s26+$0x2010]  }
0x190: {  	v12 =	vld [tilespmem:s26+$0x2020]  }
0x191: {  	v13 =	vld [tilespmem:s26+$0x2030];
	v1 =	vmul.f32 $2.560000000e+02, v1  }
0x192: {  	v14 =	vld [tilespmem:s26+$0x2040];
	v2 =	vmul.f32 $2.560000000e+02, v2;
	v3 =	vmul.f32 $2.560000000e+02, v3  }
0x193: {  	v15 =	vld [tilespmem:s26+$0x2050];
	v4 =	vmul.f32 $2.560000000e+02, v4;
	v5 =	vmul.f32 $2.560000000e+02, v5  }
0x194: {  	v6 =	vmul.f32 $2.560000000e+02, v6;
	v7 =	vmul.f32 $2.560000000e+02, v7  }
0x195: {  	v8 =	vmul.f32 $2.560000000e+02, v8;
	v9 =	vmul.f32 $2.560000000e+02, v9  }
0x196: {  	v10 =	vmul.f32 $2.560000000e+02, v10;
	v11 =	vmul.f32 $2.560000000e+02, v11  }
0x197: {  	v12 =	vmul.f32 $2.560000000e+02, v12;
	v13 =	vmul.f32 $2.560000000e+02, v13  }
0x198: {  	v14 =	vmul.f32 $2.560000000e+02, v14;
	v15 =	vmul.f32 $2.560000000e+02, v15  }
0x199: {  	s29 =	simm.s32 $0x80;
	s28 =	simm.s32 $0x400;
	v1 =	vtrunc.f32 v1;
	v2 =	vtrunc.f32 v2  }
0x19a: {  	s30 =	simm.s32 $0x20;
	s28 =	sand.u32 $0xC00, s28;
	v16 =	vld [tilespmem:s26+$0x2060];
	s26 =	sand.u32 $0x1000, s29;
	v3 =	vtrunc.f32 v3;
	v4 =	vtrunc.f32 v4  }
0x19b: {  	s26 =	sor.u32 s28, s26;
	s28 =	sand.u32 $0x380, s30;
	v5 =	vtrunc.f32 v5;
	v6 =	vtrunc.f32 v6  }
0x19c: {  	s26 =	sor.u32 s28, s26;
	v7 =	vtrunc.f32 v7;
	v8 =	vtrunc.f32 v8  }
0x19d: {  	v23 =	vld [tilespmem:s26+$0x2050];
	v9 =	vtrunc.f32 v9;
	v12 =	vtrunc.f32 v12  }
0x19e: {  	v24 =	vld [tilespmem:s26+$0x2060];
	v13 =	vtrunc.f32 v13;
	v14 =	vtrunc.f32 v14  }
0x19f: {  	v15 =	vtrunc.f32 v15;
	v1 =	vcvt.f32.s32 v1  }
0x1a0: {  	v2 =	vcvt.f32.s32 v2;
	v3 =	vcvt.f32.s32 v3  }
0x1a1: {  	v4 =	vcvt.f32.s32 v4;
	v5 =	vcvt.f32.s32 v5  }
0x1a2: {  	v6 =	vcvt.f32.s32 v6;
	v23 =	vmul.f32 $2.560000000e+02, v23;
	v1 =	vshll.u32 v1, $0x8  }
0x1a3: {  	v24 =	vmul.f32 $2.560000000e+02, v24;
	v17 =	vadd.s32 v2, v1;
	v1 =	vcvt.f32.s32 v7  }
0x1a4: {  	v7 =	vcvt.f32.s32 v8;
	v8 =	vcvt.f32.s32 v9  }
0x1a5: {  	v9 =	vtrunc.f32 v10;
	v10 =	vtrunc.f32 v11;
	v11 =	vld [tilespmem:s26+$0x70]  }
0x1a6: {  	v3 =	vshll.u32 v3, $0x8;
	v4 =	vshll.u32 v4, $0x8;
	v2 =	vmul.f32 $2.560000000e+02, v16;
	v16 =	vld [tilespmem:s26+$0x2070]  }
0x1a7: {  	v23 =	vtrunc.f32 v23;
	v9 =	vcvt.f32.s32 v9;
	v20 =	vshll.u32 v1, $0x8;
	v1 =	vld [tilespmem:s26+$0x0]  }
0x1a8: {  	v5 =	vshll.u32 v5, $0x8;
	(xrf1) =	vunique.msk.u32 $0xffff, v17;
	v21 =	vtrunc.f32 v2;
	v2 =	vcvt.f32.s32 v10  }
0x1a9: {  	v10 =	vcvt.f32.s32 v12;
	v18 =	vadd.s32 v9, v3;
	v3 =	vcvt.f32.s32 v13  }
0x1aa: {  	v6 =	vshll.u32 v6, $0x8;
	v9 =	vcvt.f32.s32 v14;
	v11 =	vmul.f32 $2.560000000e+02, v11  }
0x1ab: {  	v22 =	vld [tilespmem:s26+$0x10];
	v19 =	vadd.s32 v2, v4;
	v4 =	vcvt.f32.s32 v15;
	(xrf1) =	vunique.msk.u32 $0xffff, v18;
	v15 =	vmul.f32 $2.560000000e+02, v16  }
0x1ac: {  	v12 =	vld [tilespmem:s26+$0x20];
	v2 =	vadd.s32 v10, v5;
	(xrf1) =	vunique.msk.u32 $0xffff, v19;
	v5 =	vmul.f32 $2.560000000e+02, v1;
	v11 =	vtrunc.f32 v11  }
0x1ad: {  	v13 =	vld [tilespmem:s26+$0x30];
	(xrf1) =	vunique.msk.u32 $0xffff, v2;
	v1 =	vadd.s32 v3, v6;
	v6 =	vcvt.f32.s32 v11;
	v11 =	vtrunc.f32 v15  }
0x1ae: {  	v7 =	vshll.u32 v7, $0x8;
	v14 =	vld [tilespmem:s26+$0x40];
	v3 =	vadd.s32 v9, v20;
	(xrf1) =	vunique.msk.u32 $0xffff, v1;
	v11 =	vcvt.f32.s32 v11  }
0x1af: {  	v10 =	vcvt.f32.s32 v21;
	v21 =	vld [tilespmem:s26+$0x2030];
	v4 =	vadd.s32 v4, v7;
	(xrf1) =	vunique.msk.u32 $0xffff, v3;
	v6 =	vshll.u32 v6, $0x8  }
0x1b0: {  	v24 =	vtrunc.f32 v24;
	v23 =	vcvt.f32.s32 v23;
	v16 =	vld [tilespmem:s26+$0x50];
	(xrf1) =	vunique.msk.u32 $0xffff, v4;
	v11 =	vadd.s32 v11, v6  }
0x1b1: {  	v38 =	vcvt.f32.s32 v24;
	v9 =	vmul.f32 $2.560000000e+02, v22;
	(xrf1) =	vunique.msk.u32 $0xffff, v11  }
0x1b2: {  	v12 =	vmul.f32 $2.560000000e+02, v12;
	v13 =	vmul.f32 $2.560000000e+02, v13  }
0x1b3: {  	v7 =	vld [tilespmem:s26+$0x2000];
	v14 =	vmul.f32 $2.560000000e+02, v14;
	v5 =	vtrunc.f32 v5  }
0x1b4: {  	v12 =	vtrunc.f32 v12;
	v6 =	vtrunc.f32 v9;
	v9 =	vld [tilespmem:s26+$0x2020]  }
0x1b5: {  	v15 =	vld [tilespmem:s26+$0x60];
	v21 =	vmul.f32 $2.560000000e+02, v21;
	v16 =	vmul.f32 $2.560000000e+02, v16  }
0x1b6: {  	v20 =	vld [tilespmem:s26+$0x2010];
	v13 =	vtrunc.f32 v13;
	v14 =	vtrunc.f32 v14;
	_, v25, vm1 =	vpop (xrf1)  }
0x1b7: {  	s28 =	simm.s32 $0x100;
	v22 =	vld [tilespmem:s26+$0x2040];
	v26 =	vcvt.f32.s32 v5;
	v12 =	vcvt.f32.s32 v12;
	s26 =	simm.s32 $0x800  }
0x1b8: {  	s30 =	simm.s32 $0x40;
	s28 =	sand.u32 $0x1000, s28;
	v7 =	vmul.f32 $2.560000000e+02, v7;
	v13 =	vcvt.f32.s32 v13;
	s31 =	sand.u32 $0xC00, s26  }
0x1b9: {  	v14 =	vcvt.f32.s32 v14;
	s28 =	sor.u32 s31, s28;
	s31 =	sand.u32 $0x380, s30;
	v9 =	vmul.f32 $2.560000000e+02, v9;
	_, v34, vm4 =	vpop (xrf1)  }
0x1ba: {  	v8 =	vshll.u32 v8, $0x8;
	v21 =	vtrunc.f32 v21;
	v15 =	vmul.f32 $2.560000000e+02, v15;
	s28 =	sor.u32 s31, s28;
	_, v35, vm5 =	vpop (xrf1)  }
0x1bb: {  	v10 =	vadd.s32 v10, v8;
	v16 =	vtrunc.f32 v16;
	v20 =	vmul.f32 $2.560000000e+02, v20;
	v8 =	vld [tilespmem:s28+$0x2070];
	_, v5, vm0 =	vpop (xrf1)  }
0x1bc: {  	v27 =	vcvt.f32.s32 v6;
	v15 =	vtrunc.f32 v15;
	[tilespmem:v17+s17+$0x0] =	vst.idx.add.s32.msk vm1, v25;
	_, v6, vm1 =	vpop (xrf1)  }
0x1bd: {  	v28 =	vcvt.f32.s32 v15;
	v15 =	vtrunc.f32 v7;
	_, v7, vm2 =	vpop (xrf1)  }
0x1be: {  	v22 =	vmul.f32 $2.560000000e+02, v22;
	v25 =	vtrunc.f32 v9;
	_, v9, vm3 =	vpop (xrf1)  }
0x1bf: {  	v26 =	vshll.u32 v26, $0x8;
	v12 =	vshll.u32 v12, $0x8;
	v21 =	vcvt.f32.s32 v21;
	v29 =	vld [tilespmem:s28+$0x0];
	(xrf1) =	vunique.msk.u32 $0xffff, v10;
	_, v30, vm6 =	vpop (xrf1)  }
0x1c0: {  	v16 =	vcvt.f32.s32 v16;
	v13 =	vshll.u32 v13, $0x8;
	v17 =	vtrunc.f32 v20;
	v20 =	vld [tilespmem:s28+$0x70]  }
0x1c1: {  	v36 =	vshll.u32 v14, $0x8;
	v31 =	vld [tilespmem:s28+$0x10];
	v15 =	vcvt.f32.s32 v15;
	v14 =	vmul.f32 $2.560000000e+02, v8  }
0x1c2: {  	v22 =	vtrunc.f32 v22;
	v27 =	vshll.u32 v27, $0x8;
	v37 =	vld [tilespmem:s28+$0x40];
	v25 =	vcvt.f32.s32 v25  }
0x1c3: {  	v24 =	vld [tilespmem:s28+$0x50];
	v8 =	vadd.s32 v15, v26;
	v17 =	vcvt.f32.s32 v17;
	v14 =	vtrunc.f32 v14  }
0x1c4: {  	v15 =	vmul.f32 $2.560000000e+02, v29;
	v39 =	vcvt.f32.s32 v14;
	v14 =	vadd.s32 v25, v12;
	v25 =	vld [tilespmem:s28+$0x2000]  }
0x1c5: {  	v20 =	vmul.f32 $2.560000000e+02, v20;
	(xrf1) =	vunique.msk.u32 $0xffff, v8;
	[tilespmem:v11+s17+$0x0] =	vst.idx.add.s32.msk vm6, v30;
	v11 =	vadd.s32 v17, v27  }
0x1c6: {  	v32 =	vld [tilespmem:s28+$0x20];
	v22 =	vcvt.f32.s32 v22;
	v26 =	vshll.u32 v16, $0x8;
	v61 =	vtrunc.f32 v15;
	(xrf1) =	vunique.msk.u32 $0xffff, v11  }
0x1c7: {  	v33 =	vld [tilespmem:s28+$0x30];
	v16 =	vadd.s32 v21, v13;
	v20 =	vtrunc.f32 v20;
	v17 =	vmul.f32 $2.560000000e+02, v31;
	(xrf1) =	vunique.msk.u32 $0xffff, v14  }
0x1c8: {  	v13 =	vadd.s32 v23, v26;
	v15 =	vmul.f32 $2.560000000e+02, v37;
	v20 =	vcvt.f32.s32 v20  }
0x1c9: {  	v40 =	vld [tilespmem:s28+$0x2010];
	v12 =	vadd.s32 v22, v36;
	v62 =	vtrunc.f32 v17;
	v17 =	vmul.f32 $2.560000000e+02, v24;
	(xrf1) =	vunique.msk.u32 $0xffff, v16  }
0x1ca: {  	v26 =	vld [tilespmem:s28+$0x2030];
	v21 =	vmul.f32 $2.560000000e+02, v25;
	v20 =	vshll.u32 v20, $0x8;
	v24 =	vtrunc.f32 v15;
	(xrf1) =	vunique.msk.u32 $0xffff, v12  }
0x1cb: {  	v30 =	vld [tilespmem:s28+$0x60];
	v15 =	vadd.s32 v39, v20;
	v25 =	vtrunc.f32 v17;
	v17 =	vshll.u32 v28, $0x8;
	(xrf1) =	vunique.msk.u32 $0xffff, v13  }
0x1cc: {  	v63 =	vld [tilespmem:s28+$0x2020];
	v27 =	vmul.f32 $2.560000000e+02, v32;
	v31 =	vmul.f32 $2.560000000e+02, v33;
	v17 =	vadd.s32 v38, v17;
	(xrf1) =	vunique.msk.u32 $0xffff, v15  }
0x1cd: {  	[tilespmem:v18+s17+$0x0] =	vst.idx.add.s32.msk vm4, v34;
	_, v18, vm4 =	vpop (xrf1);
	(xrf1) =	vunique.msk.u32 $0xffff, v17  }
0x1ce: {  	v29 =	vtrunc.f32 v27;
	v27 =	vtrunc.f32 v31;
	v31 =	vld [tilespmem:s28+$0x2040]  }
0x1cf: {  	v22 =	vmul.f32 $2.560000000e+02, v40;
	v32 =	vld [tilespmem:s28+$0x2050]  }
0x1d0: {  	v26 =	vmul.f32 $2.560000000e+02, v26;
	v23 =	vmul.f32 $2.560000000e+02, v30;
	v30 =	vld [tilespmem:s28+$0x2060]  }
0x1d1: {  	v33 =	vcvt.f32.s32 v61;
	v34 =	vcvt.f32.s32 v62  }
0x1d2: {  	[tilespmem:v19+s17+$0x0] =	vst.idx.add.s32.msk vm5, v35;
	s28 =	simm.s32 $0x10;
	v28 =	vtrunc.f32 v23;
	v23 =	vmul.f32 $2.560000000e+02, v63  }
.LBB2_6:
0x1d3: {  	s28 =	sadd.s32 $0x8, s28;
	v33 =	vshll.u32 v33, $0x8;
	v29 =	vcvt.f32.s32 v29;
	v31 =	vmul.f32 $2.560000000e+02, v31;
	_, v19, vm5 =	vpop (xrf1);
	[tilespmem:v2+s17+$0x0] =	vst.idx.add.s32.msk vm0, v5  }
0x1d4: {  	v35 =	vcvt.f32.s32 v27;
	s26 =	sadd.s32 $0x400, s26;
	s29 =	sshll.u32 s28, $0x4;
	p1 =	slt.u32 s28, $0x1F8;
	v34 =	vshll.u32 v34, $0x8;
	v27 =	vmul.f32 $2.560000000e+02, v32;
	_, v20, vm6 =	vpop (xrf1);
	[tilespmem:v1+s17+$0x0] =	vst.idx.add.s32.msk vm1, v6  }
0x1d5: {  	s30 =	sand.u32 $0xC00, s26;
	s31 =	sshll.u32 s28, $0x2;
	v32 =	vcvt.f32.s32 v24;
	s29 =	sand.u32 $0x1000, s29;
	v29 =	vshll.u32 v29, $0x8;
	v24 =	vmul.f32 $2.560000000e+02, v30;
	_, v5, vm0 =	vpop (xrf1);
	[tilespmem:v3+s17+$0x0] =	vst.idx.add.s32.msk vm2, v7  }
0x1d6: {  	v2 =	vmovc v14;
	v1 =	vmovc v16;
	v30 =	vshll.u32 v35, $0x8;
	v3 =	vcvt.f32.s32 v25;
	v25 =	vcvt.f32.s32 v28;
	s29 =	sor.u32 s30, s29;
	s30 =	sand.u32 $0x380, s31;
	[tilespmem:v4+s17+$0x0] =	vst.idx.add.s32.msk vm3, v9  }
0x1d7: {  	v14 =	vtrunc.f32 v22;
	v4 =	vtrunc.f32 v21;
	v21 =	vshll.u32 v32, $0x8;
	s29 =	sor.u32 s30, s29;
	_, v6, vm1 =	vpop (xrf1);
	[tilespmem:v10+s17+$0x0] =	vst.idx.add.s32.msk vm4, v18  }
0x1d8: {  	v22 =	vtrunc.f32 v26;
	v10 =	vtrunc.f32 v23;
	v23 =	vshll.u32 v3, $0x8;
	v16 =	vld [tilespmem:s29+$0x70];
	_, v7, vm2 =	vpop (xrf1)  }
0x1d9: {  	v28 =	vtrunc.f32 v31;
	v27 =	vtrunc.f32 v27;
	v25 =	vshll.u32 v25, $0x8;
	v26 =	vld [tilespmem:s29+$0x2070];
	_, v9, vm3 =	vpop (xrf1)  }
0x1da: {  	v32 =	vcvt.f32.s32 v4;
	v24 =	vtrunc.f32 v24;
	v3 =	vmov v12;
	v31 =	vld [tilespmem:s29+$0x0];
	_, v35, vm7 =	vpop (xrf1)  }
0x1db: {  	v12 =	vcvt.f32.s32 v14;
	v14 =	vcvt.f32.s32 v10;
	v4 =	vmov v13;
	v36 =	vld [tilespmem:s29+$0x10];
	_, v18, vm4 =	vpop (xrf1)  }
0x1dc: {  	v38 =	vadd.s32 v32, v33;
	v13 =	vcvt.f32.s32 v22;
	v22 =	vcvt.f32.s32 v28;
	v10 =	vmovc v17;
	v37 =	vld [tilespmem:s29+$0x20]  }
0x1dd: {  	v27 =	vcvt.f32.s32 v27;
	v39 =	vadd.s32 v12, v34;
	v17 =	vld [tilespmem:s29+$0x30];
	v16 =	vmul.f32 $2.560000000e+02, v16;
	(xrf1) =	vunique.msk.u32 $0xffff, v38  }
0x1de: {  	v24 =	vcvt.f32.s32 v24;
	v14 =	vadd.s32 v14, v29;
	v28 =	vld [tilespmem:s29+$0x40];
	v12 =	vmul.f32 $2.560000000e+02, v26;
	(xrf1) =	vunique.msk.u32 $0xffff, v39  }
0x1df: {  	v26 =	vmul.f32 $2.560000000e+02, v31;
	v29 =	vld [tilespmem:s29+$0x50];
	v31 =	vtrunc.f32 v16;
	v16 =	vadd.s32 v13, v30;
	(xrf1) =	vunique.msk.u32 $0xffff, v14  }
0x1e0: {  	v30 =	vcvt.f32.s32 v31;
	v13 =	vtrunc.f32 v12;
	v12 =	vadd.s32 v22, v21;
	[tilespmem:v15+s17+$0x0] =	vst.idx.add.s32.msk vm7, v35  }
0x1e1: {  	v21 =	vmul.f32 $2.560000000e+02, v36;
	v22 =	vld [tilespmem:s29+$0x60];
	v15 =	vcvt.f32.s32 v13;
	v13 =	vadd.s32 v27, v23;
	(xrf1) =	vunique.msk.u32 $0xffff, v16  }
0x1e2: {  	v27 =	vmul.f32 $2.560000000e+02, v37;
	v23 =	vld [tilespmem:s29+$0x2000];
	v31 =	vmul.f32 $2.560000000e+02, v17;
	v17 =	vshll.u32 v30, $0x8;
	(xrf1) =	vunique.msk.u32 $0xffff, v12  }
0x1e3: {  	v26 =	vtrunc.f32 v26;
	v30 =	vld [tilespmem:s29+$0x2010];
	v28 =	vmul.f32 $2.560000000e+02, v28;
	v15 =	vadd.s32 v15, v17;
	(xrf1) =	vunique.msk.u32 $0xffff, v13  }
0x1e4: {  	v34 =	vtrunc.f32 v21;
	v17 =	vadd.s32 v24, v25;
	v35 =	vld [tilespmem:s29+$0x2020];
	v32 =	vmul.f32 $2.560000000e+02, v29;
	(xrf1) =	vunique.msk.u32 $0xffff, v15  }
0x1e5: {  	v29 =	vtrunc.f32 v27;
	v27 =	vtrunc.f32 v31;
	v36 =	vld [tilespmem:s29+$0x2030];
	(xrf1) =	vunique.msk.u32 $0xffff, v17  }
.Ltmp9:
0x1e6: {  	v24 =	vtrunc.f32 v28;
	v31 =	vld [tilespmem:s29+$0x2040];
	v28 =	vmul.f32 $2.560000000e+02, v22;
	(pc) =	sbr.rel @p1 .LBB2_6-.Ltmp9, $4  }
0x1e7: {  	v25 =	vtrunc.f32 v32;
	v21 =	vmul.f32 $2.560000000e+02, v23;
	v32 =	vld [tilespmem:s29+$0x2050]  }
0x1e8: {  	v22 =	vmul.f32 $2.560000000e+02, v30;
	v28 =	vtrunc.f32 v28;
	v30 =	vld [tilespmem:s29+$0x2060]  }
0x1e9: {  	v33 =	vcvt.f32.s32 v26;
	v23 =	vmul.f32 $2.560000000e+02, v35;
	[tilespmem:v8+s17+$0x0] =	vst.idx.add.s32.msk vm5, v19;
	v8 =	vmov v38  }
0x1ea: {  	v34 =	vcvt.f32.s32 v34;
	v26 =	vmul.f32 $2.560000000e+02, v36;
	[tilespmem:v11+s17+$0x0] =	vst.idx.add.s32.msk vm6, v20;
	v11 =	vmov v39  }
0x1eb: {  	v19 =	vcvt.f32.s32 v29;
	v20 =	vmul.f32 $2.560000000e+02, v31  }
0x1ec: {  	v27 =	vcvt.f32.s32 v27;
	v24 =	vcvt.f32.s32 v24  }
0x1ed: {  	v25 =	vcvt.f32.s32 v25;
	v21 =	vtrunc.f32 v21  }
0x1ee: {  	v22 =	vtrunc.f32 v22;
	v23 =	vtrunc.f32 v23  }
0x1ef: {  	v29 =	vshll.u32 v33, $0x8;
	v31 =	vmul.f32 $2.560000000e+02, v32;
	v21 =	vcvt.f32.s32 v21  }
0x1f0: {  	v57 =	vshll.u32 v34, $0x8;
	v22 =	vcvt.f32.s32 v22;
	v26 =	vtrunc.f32 v26  }
0x1f1: {  	v23 =	vcvt.f32.s32 v23;
	v30 =	vmul.f32 $2.560000000e+02, v30;
	v19 =	vshll.u32 v19, $0x8  }
0x1f2: {  	v27 =	vshll.u32 v27, $0x8;
	v24 =	vshll.u32 v24, $0x8;
	v20 =	vtrunc.f32 v20  }
0x1f3: {  	v26 =	vcvt.f32.s32 v26;
	v21 =	vadd.s32 v21, v29;
	v31 =	vtrunc.f32 v31  }
0x1f4: {  	v22 =	vadd.s32 v22, v57;
	_, v29, vm5 =	vpop (xrf1);
	(xrf1) =	vunique.msk.u32 $0xffff, v21;
	v30 =	vtrunc.f32 v30;
	v31 =	vcvt.f32.s32 v31  }
0x1f5: {  	v20 =	vcvt.f32.s32 v20;
	v19 =	vadd.s32 v23, v19;
	_, v58, vm6 =	vpop (xrf1);
	(xrf1) =	vunique.msk.u32 $0xffff, v22;
	v30 =	vcvt.f32.s32 v30  }
0x1f6: {  	v28 =	vcvt.f32.s32 v28;
	v26 =	vadd.s32 v26, v27;
	_, v23, vm7 =	vpop (xrf1);
	(xrf1) =	vunique.msk.u32 $0xffff, v19  }
0x1f7: {  	v25 =	vshll.u32 v25, $0x8;
	v20 =	vadd.s32 v20, v24;
	_, v27, vm8 =	vpop (xrf1);
	(xrf1) =	vunique.msk.u32 $0xffff, v26  }
0x1f8: {  	v28 =	vshll.u32 v28, $0x8;
	v25 =	vadd.s32 v31, v25;
	_, v24, vm9 =	vpop (xrf1);
	(xrf1) =	vunique.msk.u32 $0xffff, v20  }
0x1f9: {  	v28 =	vadd.s32 v30, v28;
	_, v31, vm10 =	vpop (xrf1);
	(xrf1) =	vunique.msk.u32 $0xffff, v25  }
0x1fa: {  	_, v30, vm11 =	vpop (xrf1);
	(xrf1) =	vunique.msk.u32 $0xffff, v28  }
0x1fb: {  	[tilespmem:v2+s17+$0x0] =	vst.idx.add.s32.msk vm0, v5  }
0x1fc: {  	[tilespmem:v1+s17+$0x0] =	vst.idx.add.s32.msk vm1, v6  }
0x1fd: {  	[tilespmem:v3+s17+$0x0] =	vst.idx.add.s32.msk vm2, v7  }
0x1fe: {  	[tilespmem:v4+s17+$0x0] =	vst.idx.add.s32.msk vm3, v9  }
0x1ff: {  	[tilespmem:v10+s17+$0x0] =	vst.idx.add.s32.msk vm4, v18  }
0x200: {  	p1 =	seq.s32 s25, $0x2F;
	[tilespmem:v8+s17+$0x0] =	vst.idx.add.s32.msk vm5, v29  }
0x201: {  	s26 =	sshll.u32 @!p1 s25, $0x1;
	_, v1, vm0 =	vpop (xrf1);
	[tilespmem:v11+s17+$0x0] =	vst.idx.add.s32.msk vm6, v58  }
0x202: {  	s26 =	sadd.s32 @!p1 $0x2, s26;
	[tilespmem:v14+s17+$0x0] =	vst.idx.add.s32.msk vm7, v23;
	_, v2, vm1 =	vpop (xrf1)  }
0x203: {  	s28 =	sshrl.u32 @!p1 s26, $0x5;
	[tilespmem:v16+s17+$0x0] =	vst.idx.add.s32.msk vm8, v27;
	_, v3, vm2 =	vpop (xrf1)  }
0x204: {  	s28 =	sadd.s32 @!p1 s6, s28;
	[tilespmem:v12+s17+$0x0] =	vst.idx.add.s32.msk vm9, v24;
	_, v4, vm3 =	vpop (xrf1)  }
0x205: {  	s29 =	smulhi.u32 @!p1 $0x55555556, s28;
	[tilespmem:v13+s17+$0x0] =	vst.idx.add.s32.msk vm10, v31;
	_, v5, vm4 =	vpop (xrf1)  }
0x206: {  	[tilespmem:v15+s17+$0x0] =	vst.idx.add.s32.msk vm11, v30;
	_, v6, vm5 =	vpop (xrf1)  }
0x207: {  	s30 =	smul.u32 @!p1 $0x3, s29;
	[tilespmem:v17+s17+$0x0] =	vst.idx.add.s32.msk vm0, v1;
	_, v1, vm0 =	vpop (xrf1)  }
0x208: {  	_, v7, vm6 =	vpop (xrf1);
	[tilespmem:v21+s17+$0x0] =	vst.idx.add.s32.msk vm1, v2  }
0x209: {  	s29 =	smul.u32 @!p1 $0xC0000, s29;
	s28 =	ssub.s32 @!p1 s28, s30;
	[tilespmem:v22+s17+$0x0] =	vst.idx.add.s32.msk vm2, v3  }
0x20a: {  	s26 =	sshll.u32 @!p1 s26, $0xD;
	s28 =	sshll.u32 @!p1 s28, $0x12;
	[tilespmem:v19+s17+$0x0] =	vst.idx.add.s32.msk vm3, v4  }
0x20b: {  	s26 =	sand.u32 @!p1 $0x3C000, s26;
	s28 =	sadd.s32 @!p1 s28, s29;
	[tilespmem:v26+s17+$0x0] =	vst.idx.add.s32.msk vm4, v5  }
0x20c: {  	s26 =	sor.u32 @!p1 s26, s28;
	[tilespmem:v20+s17+$0x0] =	vst.idx.add.s32.msk vm5, v6  }
0x20d: {  	s26 =	sshrl.u32 @!p1 s26, $0x3;
	[tilespmem:v25+s17+$0x0] =	vst.idx.add.s32.msk vm0, v1  }
0x20e: {  	s29 =	simm.s32 @!p1 $0x0;
	s28 =	sadd.s32 @!p1 s1, s26;
	[tilespmem:v28+s17+$0x0] =	vst.idx.add.s32.msk vm6, v7  }
0x20f: {  	[tilespmem:s29], [sflag:$0x1] =	stream.linear.gather @!p1 [hbm4b:s28+s29], $0x2000, $0x38;
	[tilespmem:$0x18000] =	vst v63  }
0x210: {  	s26 =	sadd.s32 @!p1 s2, s26;
	s28 =	simm.s32 @!p1 $0x2000  }
0x211: {  	[tilespmem:s28], [sflag:$0x2] =	stream.linear.gather @!p1 [hbm4b:s26+s29], $0x2000, $0x38;
	[tilespmem:$0x18000] =	vst v63  }
0x212: {  	_ =	swait.ge [sflag:s18], $0x2000  }
0x213: {  	s31 =	simm.s32 $0x0;
	[sflag:s18] =	ssyncset.done $0x0  }
0x214: {  	s30 =	simm.s32 $0x0;
	s28 =	simm.s32 $0x0;
	[sflag:s18] =	ssyncadd.s32 $0xFFFFE000  }
0x215: {  	s26 =	sand.u32 $0xC00, s30;
	s28 =	sand.u32 $0x1000, s28;
	_ =	swait.ge [sflag:s19], $0x2000  }
0x216: {  	s26 =	sor.u32 s26, s28;
	s28 =	sand.u32 $0x380, s31;
	[sflag:s19] =	ssyncset.done $0x0  }
0x217: {  	s26 =	sor.u32 s28, s26;
	[sflag:s19] =	ssyncadd.s32 $0xFFFFE000  }
0x218: {  	v1 =	vld [tilespmem:s26+$0x4070]  }
0x219: {  	v2 =	vld [tilespmem:s26+$0x6070]  }
0x21a: {  	v3 =	vld [tilespmem:s26+$0x4000]  }
0x21b: {  	v4 =	vld [tilespmem:s26+$0x4010]  }
0x21c: {  	v5 =	vld [tilespmem:s26+$0x4020]  }
0x21d: {  	v6 =	vld [tilespmem:s26+$0x4030]  }
0x21e: {  	v7 =	vld [tilespmem:s26+$0x4040]  }
0x21f: {  	v8 =	vld [tilespmem:s26+$0x4050]  }
0x220: {  	v9 =	vld [tilespmem:s26+$0x4060]  }
0x221: {  	v10 =	vld [tilespmem:s26+$0x6000]  }
0x222: {  	v11 =	vld [tilespmem:s26+$0x6010]  }
0x223: {  	v12 =	vld [tilespmem:s26+$0x6020]  }
0x224: {  	v13 =	vld [tilespmem:s26+$0x6030];
	v1 =	vmul.f32 $2.560000000e+02, v1;
	v2 =	vmul.f32 $2.560000000e+02, v2  }
0x225: {  	v14 =	vld [tilespmem:s26+$0x6040];
	v3 =	vmul.f32 $2.560000000e+02, v3;
	v4 =	vmul.f32 $2.560000000e+02, v4  }
0x226: {  	v15 =	vld [tilespmem:s26+$0x6050];
	v5 =	vmul.f32 $2.560000000e+02, v5;
	v6 =	vmul.f32 $2.560000000e+02, v6  }
0x227: {  	v7 =	vmul.f32 $2.560000000e+02, v7;
	v8 =	vmul.f32 $2.560000000e+02, v8  }
0x228: {  	v9 =	vmul.f32 $2.560000000e+02, v9;
	v10 =	vmul.f32 $2.560000000e+02, v10  }
0x229: {  	v11 =	vmul.f32 $2.560000000e+02, v11;
	v12 =	vmul.f32 $2.560000000e+02, v12  }
0x22a: {  	v13 =	vmul.f32 $2.560000000e+02, v13;
	v14 =	vmul.f32 $2.560000000e+02, v14  }
0x22b: {  	v15 =	vmul.f32 $2.560000000e+02, v15;
	v1 =	vtrunc.f32 v1  }
0x22c: {  	s29 =	simm.s32 $0x80;
	s28 =	simm.s32 $0x400;
	v2 =	vtrunc.f32 v2;
	v3 =	vtrunc.f32 v3  }
0x22d: {  	s30 =	simm.s32 $0x20;
	s28 =	sand.u32 $0xC00, s28;
	v16 =	vld [tilespmem:s26+$0x6060];
	s26 =	sand.u32 $0x1000, s29;
	v4 =	vtrunc.f32 v4;
	v5 =	vtrunc.f32 v5  }
0x22e: {  	s26 =	sor.u32 s28, s26;
	s28 =	sand.u32 $0x380, s30;
	v6 =	vtrunc.f32 v6;
	v7 =	vtrunc.f32 v7  }
0x22f: {  	s26 =	sor.u32 s28, s26;
	v8 =	vtrunc.f32 v8;
	v9 =	vtrunc.f32 v9  }
0x230: {  	v23 =	vld [tilespmem:s26+$0x6050];
	v12 =	vtrunc.f32 v12;
	v13 =	vtrunc.f32 v13  }
0x231: {  	v14 =	vtrunc.f32 v14;
	v15 =	vtrunc.f32 v15  }
0x232: {  	v1 =	vcvt.f32.s32 v1;
	v2 =	vcvt.f32.s32 v2  }
0x233: {  	v24 =	vld [tilespmem:s26+$0x6060];
	v3 =	vcvt.f32.s32 v3;
	v4 =	vcvt.f32.s32 v4  }
0x234: {  	v5 =	vcvt.f32.s32 v5;
	v6 =	vcvt.f32.s32 v6;
	v1 =	vshll.u32 v1, $0x8  }
0x235: {  	v23 =	vmul.f32 $2.560000000e+02, v23;
	v18 =	vadd.s32 v2, v1;
	v1 =	vcvt.f32.s32 v7  }
0x236: {  	v7 =	vcvt.f32.s32 v8;
	v8 =	vcvt.f32.s32 v9  }
0x237: {  	v9 =	vtrunc.f32 v10;
	v10 =	vtrunc.f32 v11;
	v11 =	vld [tilespmem:s26+$0x4070]  }
0x238: {  	v24 =	vmul.f32 $2.560000000e+02, v24;
	v3 =	vshll.u32 v3, $0x8;
	v2 =	vmul.f32 $2.560000000e+02, v16;
	v16 =	vld [tilespmem:s26+$0x6070]  }
0x239: {  	v4 =	vshll.u32 v4, $0x8;
	v9 =	vcvt.f32.s32 v9;
	v20 =	vshll.u32 v1, $0x8;
	v1 =	vld [tilespmem:s26+$0x4000]  }
0x23a: {  	v5 =	vshll.u32 v5, $0x8;
	(xrf1) =	vunique.msk.u32 $0xffff, v18;
	v21 =	vtrunc.f32 v2;
	v2 =	vcvt.f32.s32 v10  }
0x23b: {  	v10 =	vcvt.f32.s32 v12;
	v17 =	vadd.s32 v9, v3;
	v3 =	vcvt.f32.s32 v13  }
0x23c: {  	v6 =	vshll.u32 v6, $0x8;
	v9 =	vcvt.f32.s32 v14;
	v11 =	vmul.f32 $2.560000000e+02, v11  }
0x23d: {  	v22 =	vld [tilespmem:s26+$0x4010];
	v19 =	vadd.s32 v2, v4;
	v4 =	vcvt.f32.s32 v15;
	(xrf1) =	vunique.msk.u32 $0xffff, v17;
	v15 =	vmul.f32 $2.560000000e+02, v16  }
0x23e: {  	v12 =	vld [tilespmem:s26+$0x4020];
	v2 =	vadd.s32 v10, v5;
	(xrf1) =	vunique.msk.u32 $0xffff, v19;
	v5 =	vmul.f32 $2.560000000e+02, v1;
	v11 =	vtrunc.f32 v11  }
0x23f: {  	v13 =	vld [tilespmem:s26+$0x4030];
	(xrf1) =	vunique.msk.u32 $0xffff, v2;
	v1 =	vadd.s32 v3, v6;
	v6 =	vcvt.f32.s32 v11;
	v11 =	vtrunc.f32 v15  }
0x240: {  	v7 =	vshll.u32 v7, $0x8;
	v14 =	vld [tilespmem:s26+$0x4040];
	v3 =	vadd.s32 v9, v20;
	(xrf1) =	vunique.msk.u32 $0xffff, v1;
	v11 =	vcvt.f32.s32 v11  }
0x241: {  	v23 =	vtrunc.f32 v23;
	v4 =	vadd.s32 v4, v7;
	(xrf1) =	vunique.msk.u32 $0xffff, v3;
	v6 =	vshll.u32 v6, $0x8  }
0x242: {  	v24 =	vtrunc.f32 v24;
	v10 =	vcvt.f32.s32 v21;
	v21 =	vld [tilespmem:s26+$0x6030];
	(xrf1) =	vunique.msk.u32 $0xffff, v4;
	v11 =	vadd.s32 v11, v6  }
0x243: {  	v23 =	vcvt.f32.s32 v23;
	v38 =	vcvt.f32.s32 v24;
	v16 =	vld [tilespmem:s26+$0x4050];
	(xrf1) =	vunique.msk.u32 $0xffff, v11  }
0x244: {  	v7 =	vld [tilespmem:s26+$0x6000];
	v9 =	vmul.f32 $2.560000000e+02, v22;
	v12 =	vmul.f32 $2.560000000e+02, v12  }
0x245: {  	v15 =	vld [tilespmem:s26+$0x4060];
	v13 =	vmul.f32 $2.560000000e+02, v13;
	v14 =	vmul.f32 $2.560000000e+02, v14  }
0x246: {  	v5 =	vtrunc.f32 v5;
	v6 =	vtrunc.f32 v9;
	v9 =	vld [tilespmem:s26+$0x6020]  }
0x247: {  	v12 =	vtrunc.f32 v12;
	v21 =	vmul.f32 $2.560000000e+02, v21  }
0x248: {  	v20 =	vld [tilespmem:s26+$0x6010];
	v16 =	vmul.f32 $2.560000000e+02, v16;
	v13 =	vtrunc.f32 v13;
	_, v25, vm1 =	vpop (xrf1)  }
0x249: {  	s28 =	simm.s32 $0x100;
	v22 =	vld [tilespmem:s26+$0x6040];
	v14 =	vtrunc.f32 v14;
	v26 =	vcvt.f32.s32 v5;
	s26 =	simm.s32 $0x800  }
0x24a: {  	s31 =	simm.s32 $0x40;
	s28 =	sand.u32 $0x1000, s28;
	v12 =	vcvt.f32.s32 v12;
	v7 =	vmul.f32 $2.560000000e+02, v7;
	s29 =	sand.u32 $0xC00, s26  }
0x24b: {  	s31 =	sand.u32 $0x380, s31;
	v15 =	vmul.f32 $2.560000000e+02, v15;
	s28 =	sor.u32 s29, s28;
	v9 =	vmul.f32 $2.560000000e+02, v9;
	_, v59, vm4 =	vpop (xrf1)  }
0x24c: {  	v8 =	vshll.u32 v8, $0x8;
	v13 =	vcvt.f32.s32 v13;
	v14 =	vcvt.f32.s32 v14;
	s28 =	sor.u32 s31, s28;
	_, v35, vm5 =	vpop (xrf1)  }
0x24d: {  	v10 =	vadd.s32 v10, v8;
	v20 =	vmul.f32 $2.560000000e+02, v20;
	v15 =	vtrunc.f32 v15;
	v8 =	vld [tilespmem:s28+$0x6070];
	_, v5, vm0 =	vpop (xrf1)  }
0x24e: {  	v27 =	vcvt.f32.s32 v6;
	v28 =	vcvt.f32.s32 v15;
	[tilespmem:v18+s17+$0x0] =	vst.idx.add.s32.msk vm1, v25;
	_, v6, vm1 =	vpop (xrf1)  }
0x24f: {  	v15 =	vtrunc.f32 v7;
	v18 =	vtrunc.f32 v20;
	v20 =	vld [tilespmem:s28+$0x4070];
	_, v7, vm2 =	vpop (xrf1)  }
0x250: {  	v21 =	vtrunc.f32 v21;
	v29 =	vld [tilespmem:s28+$0x4000];
	v25 =	vtrunc.f32 v9;
	_, v9, vm3 =	vpop (xrf1)  }
0x251: {  	v16 =	vtrunc.f32 v16;
	v22 =	vmul.f32 $2.560000000e+02, v22;
	v26 =	vshll.u32 v26, $0x8;
	(xrf1) =	vunique.msk.u32 $0xffff, v10;
	_, v30, vm6 =	vpop (xrf1)  }
0x252: {  	v12 =	vshll.u32 v12, $0x8;
	v21 =	vcvt.f32.s32 v21;
	v16 =	vcvt.f32.s32 v16  }
0x253: {  	v13 =	vshll.u32 v13, $0x8;
	v22 =	vtrunc.f32 v22;
	v31 =	vld [tilespmem:s28+$0x4010];
	v15 =	vcvt.f32.s32 v15  }
0x254: {  	v14 =	vshll.u32 v14, $0x8;
	v60 =	vld [tilespmem:s28+$0x4020];
	v37 =	vmul.f32 $2.560000000e+02, v8;
	v20 =	vmul.f32 $2.560000000e+02, v20  }
0x255: {  	v36 =	vld [tilespmem:s28+$0x4040];
	v8 =	vadd.s32 v15, v26;
	v24 =	vmul.f32 $2.560000000e+02, v29;
	v18 =	vcvt.f32.s32 v18  }
0x256: {  	v27 =	vshll.u32 v27, $0x8;
	v26 =	vld [tilespmem:s28+$0x4050];
	v25 =	vcvt.f32.s32 v25;
	(xrf1) =	vunique.msk.u32 $0xffff, v8;
	v15 =	vtrunc.f32 v20  }
0x257: {  	v39 =	vcvt.f32.s32 v15;
	v15 =	vtrunc.f32 v37;
	[tilespmem:v11+s17+$0x0] =	vst.idx.add.s32.msk vm6, v30;
	v11 =	vadd.s32 v18, v27  }
0x258: {  	v22 =	vcvt.f32.s32 v22;
	v37 =	vcvt.f32.s32 v15;
	v15 =	vadd.s32 v25, v12;
	v25 =	vld [tilespmem:s28+$0x6000];
	(xrf1) =	vunique.msk.u32 $0xffff, v11  }
0x259: {  	v61 =	vld [tilespmem:s28+$0x4030];
	v62 =	vtrunc.f32 v24;
	v20 =	vshll.u32 v16, $0x8;
	v18 =	vmul.f32 $2.560000000e+02, v31;
	(xrf1) =	vunique.msk.u32 $0xffff, v15  }
0x25a: {  	v16 =	vadd.s32 v21, v13;
	v21 =	vmul.f32 $2.560000000e+02, v36;
	v12 =	vadd.s32 v22, v14  }
0x25b: {  	v40 =	vld [tilespmem:s28+$0x6010];
	v14 =	vshll.u32 v39, $0x8;
	v63 =	vtrunc.f32 v18;
	v18 =	vmul.f32 $2.560000000e+02, v26;
	(xrf1) =	vunique.msk.u32 $0xffff, v16  }
0x25c: {  	v41 =	vld [tilespmem:s28+$0x6020];
	v13 =	vadd.s32 v23, v20;
	v24 =	vtrunc.f32 v21;
	v14 =	vadd.s32 v37, v14;
	(xrf1) =	vunique.msk.u32 $0xffff, v12  }
0x25d: {  	v30 =	vld [tilespmem:s28+$0x4060];
	v21 =	vmul.f32 $2.560000000e+02, v25;
	v25 =	vtrunc.f32 v18;
	v18 =	vshll.u32 v28, $0x8;
	(xrf1) =	vunique.msk.u32 $0xffff, v13  }
0x25e: {  	v20 =	vld [tilespmem:s28+$0x6030];
	v27 =	vmul.f32 $2.560000000e+02, v60;
	v31 =	vmul.f32 $2.560000000e+02, v61;
	v18 =	vadd.s32 v38, v18;
	(xrf1) =	vunique.msk.u32 $0xffff, v14  }
0x25f: {  	[tilespmem:v17+s17+$0x0] =	vst.idx.add.s32.msk vm4, v59;
	_, v17, vm4 =	vpop (xrf1);
	(xrf1) =	vunique.msk.u32 $0xffff, v18  }
0x260: {  	v29 =	vtrunc.f32 v27;
	v27 =	vtrunc.f32 v31;
	v31 =	vld [tilespmem:s28+$0x6040]  }
0x261: {  	v32 =	vld [tilespmem:s28+$0x6050];
	v33 =	vcvt.f32.s32 v62  }
0x262: {  	v22 =	vmul.f32 $2.560000000e+02, v40;
	v23 =	vmul.f32 $2.560000000e+02, v30;
	v30 =	vld [tilespmem:s28+$0x6060]  }
0x263: {  	v26 =	vmul.f32 $2.560000000e+02, v20;
	v34 =	vcvt.f32.s32 v63  }
0x264: {  	[tilespmem:v19+s17+$0x0] =	vst.idx.add.s32.msk vm5, v35;
	s28 =	simm.s32 $0x10;
	v28 =	vtrunc.f32 v23;
	v23 =	vmul.f32 $2.560000000e+02, v41  }
.LBB2_8:
0x265: {  	s28 =	sadd.s32 $0x8, s28;
	v33 =	vshll.u32 v33, $0x8;
	v29 =	vcvt.f32.s32 v29;
	v31 =	vmul.f32 $2.560000000e+02, v31;
	_, v19, vm5 =	vpop (xrf1);
	[tilespmem:v2+s17+$0x0] =	vst.idx.add.s32.msk vm0, v5  }
0x266: {  	v35 =	vcvt.f32.s32 v27;
	s26 =	sadd.s32 $0x400, s26;
	s29 =	sshll.u32 s28, $0x4;
	p1 =	slt.u32 s28, $0x1F8;
	v34 =	vshll.u32 v34, $0x8;
	v27 =	vmul.f32 $2.560000000e+02, v32;
	_, v20, vm6 =	vpop (xrf1);
	[tilespmem:v1+s17+$0x0] =	vst.idx.add.s32.msk vm1, v6  }
0x267: {  	s30 =	sand.u32 $0xC00, s26;
	s31 =	sshll.u32 s28, $0x2;
	v32 =	vcvt.f32.s32 v24;
	s29 =	sand.u32 $0x1000, s29;
	v29 =	vshll.u32 v29, $0x8;
	v24 =	vmul.f32 $2.560000000e+02, v30;
	_, v5, vm0 =	vpop (xrf1);
	[tilespmem:v3+s17+$0x0] =	vst.idx.add.s32.msk vm2, v7  }
0x268: {  	v2 =	vmovc v15;
	v1 =	vmovc v16;
	v30 =	vshll.u32 v35, $0x8;
	v3 =	vcvt.f32.s32 v25;
	v25 =	vcvt.f32.s32 v28;
	s29 =	sor.u32 s30, s29;
	s30 =	sand.u32 $0x380, s31;
	[tilespmem:v4+s17+$0x0] =	vst.idx.add.s32.msk vm3, v9  }
0x269: {  	v15 =	vtrunc.f32 v22;
	v4 =	vtrunc.f32 v21;
	v21 =	vshll.u32 v32, $0x8;
	s29 =	sor.u32 s30, s29;
	_, v6, vm1 =	vpop (xrf1);
	[tilespmem:v10+s17+$0x0] =	vst.idx.add.s32.msk vm4, v17  }
0x26a: {  	v22 =	vtrunc.f32 v26;
	v10 =	vtrunc.f32 v23;
	v23 =	vshll.u32 v3, $0x8;
	v16 =	vld [tilespmem:s29+$0x4070];
	_, v7, vm2 =	vpop (xrf1)  }
0x26b: {  	v28 =	vtrunc.f32 v31;
	v27 =	vtrunc.f32 v27;
	v25 =	vshll.u32 v25, $0x8;
	v26 =	vld [tilespmem:s29+$0x6070];
	_, v9, vm3 =	vpop (xrf1)  }
0x26c: {  	v32 =	vcvt.f32.s32 v4;
	v24 =	vtrunc.f32 v24;
	v3 =	vmov v12;
	v31 =	vld [tilespmem:s29+$0x4000];
	_, v35, vm7 =	vpop (xrf1)  }
0x26d: {  	v12 =	vcvt.f32.s32 v15;
	v15 =	vcvt.f32.s32 v10;
	v4 =	vmov v13;
	v36 =	vld [tilespmem:s29+$0x4010];
	_, v17, vm4 =	vpop (xrf1)  }
0x26e: {  	v38 =	vadd.s32 v32, v33;
	v13 =	vcvt.f32.s32 v22;
	v22 =	vcvt.f32.s32 v28;
	v10 =	vmovc v18;
	v37 =	vld [tilespmem:s29+$0x4020]  }
0x26f: {  	v27 =	vcvt.f32.s32 v27;
	v39 =	vadd.s32 v12, v34;
	v18 =	vld [tilespmem:s29+$0x4030];
	v16 =	vmul.f32 $2.560000000e+02, v16;
	(xrf1) =	vunique.msk.u32 $0xffff, v38  }
0x270: {  	v24 =	vcvt.f32.s32 v24;
	v15 =	vadd.s32 v15, v29;
	v28 =	vld [tilespmem:s29+$0x4040];
	v12 =	vmul.f32 $2.560000000e+02, v26;
	(xrf1) =	vunique.msk.u32 $0xffff, v39  }
0x271: {  	v26 =	vmul.f32 $2.560000000e+02, v31;
	v29 =	vld [tilespmem:s29+$0x4050];
	v31 =	vtrunc.f32 v16;
	v16 =	vadd.s32 v13, v30;
	(xrf1) =	vunique.msk.u32 $0xffff, v15  }
0x272: {  	v30 =	vcvt.f32.s32 v31;
	v13 =	vtrunc.f32 v12;
	v12 =	vadd.s32 v22, v21;
	[tilespmem:v14+s17+$0x0] =	vst.idx.add.s32.msk vm7, v35  }
0x273: {  	v21 =	vmul.f32 $2.560000000e+02, v36;
	v22 =	vld [tilespmem:s29+$0x4060];
	v14 =	vcvt.f32.s32 v13;
	v13 =	vadd.s32 v27, v23;
	(xrf1) =	vunique.msk.u32 $0xffff, v16  }
0x274: {  	v27 =	vmul.f32 $2.560000000e+02, v37;
	v23 =	vld [tilespmem:s29+$0x6000];
	v31 =	vmul.f32 $2.560000000e+02, v18;
	v18 =	vshll.u32 v30, $0x8;
	(xrf1) =	vunique.msk.u32 $0xffff, v12  }
0x275: {  	v26 =	vtrunc.f32 v26;
	v30 =	vld [tilespmem:s29+$0x6010];
	v28 =	vmul.f32 $2.560000000e+02, v28;
	v14 =	vadd.s32 v14, v18;
	(xrf1) =	vunique.msk.u32 $0xffff, v13  }
0x276: {  	v34 =	vtrunc.f32 v21;
	v18 =	vadd.s32 v24, v25;
	v35 =	vld [tilespmem:s29+$0x6020];
	v32 =	vmul.f32 $2.560000000e+02, v29;
	(xrf1) =	vunique.msk.u32 $0xffff, v14  }
0x277: {  	v29 =	vtrunc.f32 v27;
	v27 =	vtrunc.f32 v31;
	v36 =	vld [tilespmem:s29+$0x6030];
	(xrf1) =	vunique.msk.u32 $0xffff, v18  }
.Ltmp10:
0x278: {  	v24 =	vtrunc.f32 v28;
	v31 =	vld [tilespmem:s29+$0x6040];
	v28 =	vmul.f32 $2.560000000e+02, v22;
	(pc) =	sbr.rel @p1 .LBB2_8-.Ltmp10, $4  }
0x279: {  	v25 =	vtrunc.f32 v32;
	v21 =	vmul.f32 $2.560000000e+02, v23;
	v32 =	vld [tilespmem:s29+$0x6050]  }
0x27a: {  	v22 =	vmul.f32 $2.560000000e+02, v30;
	v28 =	vtrunc.f32 v28;
	v30 =	vld [tilespmem:s29+$0x6060]  }
0x27b: {  	v33 =	vcvt.f32.s32 v26;
	v23 =	vmul.f32 $2.560000000e+02, v35;
	[tilespmem:v8+s17+$0x0] =	vst.idx.add.s32.msk vm5, v19;
	v8 =	vmov v38  }
0x27c: {  	v34 =	vcvt.f32.s32 v34;
	v26 =	vmul.f32 $2.560000000e+02, v36;
	[tilespmem:v11+s17+$0x0] =	vst.idx.add.s32.msk vm6, v20;
	v11 =	vmov v39  }
0x27d: {  	v19 =	vcvt.f32.s32 v29  }
0x27e: {  	v20 =	vmul.f32 $2.560000000e+02, v31;
	v27 =	vcvt.f32.s32 v27  }
0x27f: {  	v24 =	vcvt.f32.s32 v24;
	v25 =	vcvt.f32.s32 v25  }
0x280: {  	v28 =	vcvt.f32.s32 v28;
	v21 =	vtrunc.f32 v21  }
0x281: {  	v22 =	vtrunc.f32 v22;
	v23 =	vtrunc.f32 v23  }
0x282: {  	v51 =	vshll.u32 v33, $0x8;
	v52 =	vmul.f32 $2.560000000e+02, v32;
	v21 =	vcvt.f32.s32 v21  }
0x283: {  	v53 =	vshll.u32 v34, $0x8;
	v22 =	vcvt.f32.s32 v22;
	v26 =	vtrunc.f32 v26  }
0x284: {  	v23 =	vcvt.f32.s32 v23;
	v30 =	vmul.f32 $2.560000000e+02, v30;
	v19 =	vshll.u32 v19, $0x8  }
0x285: {  	v27 =	vshll.u32 v27, $0x8;
	v24 =	vshll.u32 v24, $0x8;
	v21 =	vadd.s32 v21, v51  }
0x286: {  	_, v54, vm5 =	vpop (xrf1);
	v20 =	vtrunc.f32 v20;
	v26 =	vcvt.f32.s32 v26;
	v22 =	vadd.s32 v22, v53;
	(xrf1) =	vunique.msk.u32 $0xffff, v21  }
0x287: {  	_, v55, vm6 =	vpop (xrf1);
	v31 =	vtrunc.f32 v52;
	v20 =	vcvt.f32.s32 v20;
	v19 =	vadd.s32 v23, v19;
	(xrf1) =	vunique.msk.u32 $0xffff, v22  }
0x288: {  	_, v56, vm7 =	vpop (xrf1);
	v30 =	vtrunc.f32 v30;
	v31 =	vcvt.f32.s32 v31;
	v26 =	vadd.s32 v26, v27;
	(xrf1) =	vunique.msk.u32 $0xffff, v19  }
0x289: {  	v25 =	vshll.u32 v25, $0x8;
	_, v57, vm8 =	vpop (xrf1);
	v30 =	vcvt.f32.s32 v30;
	v20 =	vadd.s32 v20, v24;
	(xrf1) =	vunique.msk.u32 $0xffff, v26  }
0x28a: {  	v28 =	vshll.u32 v28, $0x8;
	_, v58, vm9 =	vpop (xrf1);
	v25 =	vadd.s32 v31, v25;
	(xrf1) =	vunique.msk.u32 $0xffff, v20  }
0x28b: {  	_, v59, vm10 =	vpop (xrf1);
	v28 =	vadd.s32 v30, v28;
	(xrf1) =	vunique.msk.u32 $0xffff, v25  }
0x28c: {  	_, v60, vm11 =	vpop (xrf1);
	(xrf1) =	vunique.msk.u32 $0xffff, v28  }
0x28d: {  	[tilespmem:v2+s17+$0x0] =	vst.idx.add.s32.msk vm0, v5  }
0x28e: {  	[tilespmem:v1+s17+$0x0] =	vst.idx.add.s32.msk vm1, v6  }
0x28f: {  	[tilespmem:v3+s17+$0x0] =	vst.idx.add.s32.msk vm2, v7  }
0x290: {  	[tilespmem:v4+s17+$0x0] =	vst.idx.add.s32.msk vm3, v9  }
0x291: {  	[tilespmem:v10+s17+$0x0] =	vst.idx.add.s32.msk vm4, v17  }
0x292: {  	[tilespmem:v8+s17+$0x0] =	vst.idx.add.s32.msk vm5, v54  }
0x293: {  	[tilespmem:v14+s17+$0x0] =	vst.idx.add.s32.msk vm11, v60;
	_, v1, vm11 =	vpop (xrf1)  }
0x294: {  	[tilespmem:v11+s17+$0x0] =	vst.idx.add.s32.msk vm6, v55;
	_, v2, vm12 =	vpop (xrf1)  }
0x295: {  	[tilespmem:v15+s17+$0x0] =	vst.idx.add.s32.msk vm7, v56;
	_, v3, vm2 =	vpop (xrf1)  }
0x296: {  	[tilespmem:v16+s17+$0x0] =	vst.idx.add.s32.msk vm8, v57;
	_, v4, vm3 =	vpop (xrf1)  }
0x297: {  	[tilespmem:v12+s17+$0x0] =	vst.idx.add.s32.msk vm9, v58;
	_, v61, vm13 =	vpop (xrf1)  }
0x298: {  	[tilespmem:v13+s17+$0x0] =	vst.idx.add.s32.msk vm10, v59;
	_, v62, vm14 =	vpop (xrf1)  }
0x299: {  	[tilespmem:v18+s17+$0x0] =	vst.idx.add.s32.msk vm11, v1;
	_, v1, vm0 =	vpop (xrf1)  }
0x29a: {  	s25 =	sadd.s32 $0x1, s25;
	_, v63, vm15 =	vpop (xrf1);
	[tilespmem:v21+s17+$0x0] =	vst.idx.add.s32.msk vm12, v2  }
0x29b: {  	p1 =	seq.s32 s25, $0x30;
	[tilespmem:v22+s17+$0x0] =	vst.idx.add.s32.msk vm2, v3  }
.Ltmp11:
0x29c: {  	[tilespmem:v19+s17+$0x0] =	vst.idx.add.s32.msk vm3, v4;
	(pc) =	sbr.rel @!p1 .LBB2_5-.Ltmp11, $4  }
.Ltmp12:
0x29d: {  	[tilespmem:v26+s17+$0x0] =	vst.idx.add.s32.msk vm13, v61;
	(pc) =	sbr.rel @p1 .LBB2_18-.Ltmp12, $4  }
0x29e: {  	[tilespmem:v20+s17+$0x0] =	vst.idx.add.s32.msk vm14, v62  }
0x29f: {  	[tilespmem:v25+s17+$0x0] =	vst.idx.add.s32.msk vm0, v1  }
0x2a0: {  	[tilespmem:v28+s17+$0x0] =	vst.idx.add.s32.msk vm15, v63  }
0x2a1: {  	_ = 	snop  }
.LBB2_19:
0x2a2: {  	_ =	sfence.sel $0x180000  }
0x2a3: {  	[bflag:$0x0] =	sbarrier.arrive $0xFFFF  }
0x2a4: {  	p0 =	sne.s32 s5, $0x0;
	_ =	strace $0x90000047  }
0x2a5: {  	s0 =	sadd.s32 @!p0 $0x100000, s0;
	[bflag:$0x2] =	sbarrier.arrive $0xFFFF  }
0x2a6: {  	[sflag:s0] =	ssyncadd.tile.s32 @!p0 $0x1;
	_ =	shalt  }
.Lfunc_end2:
_tile_overlayer_lowered:
.L_overlay_start_2:
0x2a7: {  	(tag) =	ssettag $0x2  }
0x2a8: {  	s0 =	rddreg [dreg:$0x0];
	s2 =	stileid.u32  }
0x2a9: {  	s1 =	rddreg [dreg:$0x1];
	p0 =	sne.s32 s2, $0x0  }
0x2aa: {  	s3 =	rddreg [dreg:$0x2];
	[bflag:$0x3] =	sbarrier.arrive $0xFFFF;
	s2 =	simm.s32 @!p0 $0x1C05  }
0x2ab: {  	[timem:s3], [sflag:s2] =	dma.local @!p0 [hbm:s0], s1  }
0x2ac: {  	s0 =	simm.s32 @!p0 $0x5  }
0x2ad: {  	_ =	swait.ge @!p0 [sflag:s0], s1  }
0x2ae: {  	s1 =	ssub.s32 @!p0 $0x0, s1;
	[sflag:s0] =	ssyncset.done @!p0 $0x0  }
0x2af: {  	[sflag:s0] =	ssyncadd.s32 @!p0 s1  }
0x2b0: {  	[bflag:$0x3] =	sbarrier.arrive $0xFFFF  }
0x2b1: {  	_ =	shalt  }

</sc_bundles>
